<compile_context>
chip_gen: v7x
topology: tpu7x:2x2x1
jax: 0.10.2.dev20260603
libtpu: 0.0.44.dev20260713+nightly
codegen_flags: <defaults>
</compile_context>

<pallas_src>
import functools

import jax
import jax.numpy as jnp
from jax import lax
from jax.experimental import pallas as pl
from jax.experimental.pallas import tpu as pltpu
from jax.experimental.pallas import tpu_sc as plsc

SEQ_LEN = 200
EMBED_DIM = 32
NUM_CORES = 2
NUM_SUBCORES = 16
NW = NUM_CORES * NUM_SUBCORES
ROWS = 40
NBUF = SEQ_LEN // ROWS


def _sc_embed(x_flat, tok_table, pos_table):
    n = x_flat.shape[0]
    per_w = n // NW
    nchunks = per_w // ROWS
    nouter = nchunks // NBUF
    mesh = plsc.VectorSubcoreMesh(core_axis_name="c", subcore_axis_name="s")

    scratch = (
        [pltpu.VMEM((per_w,), jnp.int32), pltpu.VMEM((SEQ_LEN, EMBED_DIM), jnp.float32)]
        + [pltpu.VMEM((ROWS, EMBED_DIM), jnp.float32) for _ in range(NBUF)]
        + [pltpu.VMEM((ROWS, EMBED_DIM), jnp.float32) for _ in range(NBUF)]
        + [pltpu.SemaphoreType.DMA for _ in range(2 * NBUF)]
    )

    @functools.partial(
        pl.kernel,
        out_type=jax.ShapeDtypeStruct((n, EMBED_DIM), jnp.float32),
        mesh=mesh,
        compiler_params=pltpu.CompilerParams(use_tc_tiling_on_sc=False),
        scratch_types=scratch,
    )
    def k(x_hbm, tok_hbm, pos_hbm, out_hbm, idx_v, pos_v, *bufs):
        gbuf = bufs[:NBUF]
        sbuf = bufs[NBUF:2 * NBUF]
        gsem = bufs[2 * NBUF:3 * NBUF]
        ssem = bufs[3 * NBUF:4 * NBUF]
        wid = lax.axis_index("s") * NUM_CORES + lax.axis_index("c")
        base = wid * per_w
        pltpu.sync_copy(pos_hbm, pos_v)
        pltpu.sync_copy(x_hbm.at[pl.ds(base, per_w)], idx_v)

        def gather_start(g, b):
            pltpu.async_copy(
                tok_hbm.at[idx_v.at[pl.ds(g * ROWS, ROWS)]], gbuf[b], gsem[b]
            )

        def gather_wait(b):
            pltpu.make_async_copy(
                tok_hbm.at[idx_v.at[pl.ds(0, ROWS)]], gbuf[b], gsem[b]
            ).wait()

        def store_start(g, b):
            pltpu.async_copy(
                sbuf[b], out_hbm.at[pl.ds(base + g * ROWS, ROWS)], ssem[b]
            )

        def store_wait(b):
            pltpu.make_async_copy(
                sbuf[b], out_hbm.at[pl.ds(base, ROWS)], ssem[b]
            ).wait()

        for b in range(NBUF):
            gather_start(b, b)

        def outer(G, carry):
            for b in range(NBUF):
                g = G * NBUF + b
                gather_wait(b)
                def addrow(i, c):
                    sbuf[b][i, pl.ds(0, 16)] = (
                        gbuf[b][i, pl.ds(0, 16)] + pos_v[b * ROWS + i, pl.ds(0, 16)]
                    )
                    sbuf[b][i, pl.ds(16, 16)] = (
                        gbuf[b][i, pl.ds(16, 16)] + pos_v[b * ROWS + i, pl.ds(16, 16)]
                    )
                    return c

                lax.fori_loop(0, ROWS, addrow, 0, unroll=8)
                @pl.when(G > 0)
                def _():
                    store_wait(b)

                store_start(g, b)
                @pl.when(G + 1 < nouter)
                def _():
                    gather_start(g + NBUF, b)

            return carry

        lax.fori_loop(0, nouter, outer, 0)
        for b in range(NBUF):
            store_wait(b)

    return k(x_flat, tok_table, pos_table)


def kernel(x, tok_table, pos_table):
    b, l = x.shape
    x_flat = x.reshape(b * l).astype(jnp.int32)
    out = _sc_embed(x_flat, tok_table, pos_table.astype(jnp.float32))
    return out.reshape(b, l, EMBED_DIM)

# --- scband reference (transcript-rebuilt; emitter-appended) ---
"""Pipeline reference for scband-positional-embedding-32040456028656 (READ-ONLY COPY).

The authoritative reference and input builder live on the scoring server;
editing this copy changes nothing except your own understanding.
"""

import jax, jax.numpy as jnp
import numpy as np

SEQ_LEN = 200
VOCAB_SIZE = 1000000
EMBED_DIM = 32
BATCH = 4096

def setup_inputs(seed: int = 0) -> dict:
    key = jax.random.key(seed)
    k1, k2, k3 = jax.random.split(key, 3)
    x = jax.random.randint(k1, (BATCH, SEQ_LEN), 0, VOCAB_SIZE, dtype=jnp.int64 if jax.config.jax_enable_x64 else jnp.int32)
    tok_table = jax.random.normal(k2, (VOCAB_SIZE, EMBED_DIM), dtype=jnp.float32) * 0.02
    pos_table = jax.random.normal(k3, (SEQ_LEN, EMBED_DIM), dtype=jnp.float32) * 0.02
    return {"x": x, "tok_table": tok_table, "pos_table": pos_table}

def reference(x, tok_table, pos_table):
    # tok embedding lookup: [B, L] -> [B, L, D]
    tok_emb = jnp.take(tok_table, x, axis=0)
    # learned positional embedding over positions 0..L-1
    positions = jnp.arange(x.shape[-1])
    pos_emb = jnp.take(pos_table, positions, axis=0)  # [L, D]
    return tok_emb + pos_emb[None, :, :]

if __name__ == "__main__":
    import jax
    _d = setup_inputs()
    print(jax.jit(kernel)(*tuple(_d.values())))

</pallas_src>

<mosaic_0001>
#map = affine_map<(d0, d1) -> (0)>
#map1 = affine_map<(d0, d1) -> (0, 0)>
module attributes {stable_mosaic.version = 14 : i64} {
  func.func @k(%arg0: i32, %arg1: i32, %arg2: memref<819200xi32, #tpu.memory_space<hbm>>, %arg3: memref<1000000x32xf32, #tpu.memory_space<hbm>>, %arg4: memref<200x32xf32, #tpu.memory_space<hbm>>, %arg5: memref<819200x32xf32, #tpu.memory_space<hbm>>, %arg6: memref<25600xi32, #tpu.memory_space<vmem>>, %arg7: memref<200x32xf32, #tpu.memory_space<vmem>>, %arg8: memref<40x32xf32, #tpu.memory_space<vmem>>, %arg9: memref<40x32xf32, #tpu.memory_space<vmem>>, %arg10: memref<40x32xf32, #tpu.memory_space<vmem>>, %arg11: memref<40x32xf32, #tpu.memory_space<vmem>>, %arg12: memref<40x32xf32, #tpu.memory_space<vmem>>, %arg13: memref<40x32xf32, #tpu.memory_space<vmem>>, %arg14: memref<40x32xf32, #tpu.memory_space<vmem>>, %arg15: memref<40x32xf32, #tpu.memory_space<vmem>>, %arg16: memref<40x32xf32, #tpu.memory_space<vmem>>, %arg17: memref<40x32xf32, #tpu.memory_space<vmem>>, %arg18: memref<!tpu.dma_semaphore, #tpu.memory_space<semaphore_mem>>, %arg19: memref<!tpu.dma_semaphore, #tpu.memory_space<semaphore_mem>>, %arg20: memref<!tpu.dma_semaphore, #tpu.memory_space<semaphore_mem>>, %arg21: memref<!tpu.dma_semaphore, #tpu.memory_space<semaphore_mem>>, %arg22: memref<!tpu.dma_semaphore, #tpu.memory_space<semaphore_mem>>, %arg23: memref<!tpu.dma_semaphore, #tpu.memory_space<semaphore_mem>>, %arg24: memref<!tpu.dma_semaphore, #tpu.memory_space<semaphore_mem>>, %arg25: memref<!tpu.dma_semaphore, #tpu.memory_space<semaphore_mem>>, %arg26: memref<!tpu.dma_semaphore, #tpu.memory_space<semaphore_mem>>, %arg27: memref<!tpu.dma_semaphore, #tpu.memory_space<semaphore_mem>>) attributes {dimension_semantics = [#tpu.dimension_semantics<core_parallel>, #tpu.dimension_semantics<subcore_parallel>], iteration_bounds = array<i64: 2, 16>, scalar_prefetch = 0 : i64, scratch_operands = 22 : i64, tpu.core_type = #tpu.core_type<sc_vector_subcore>, window_params = [{transform_indices = #map}, {transform_indices = #map1}, {transform_indices = #map1}, {transform_indices = #map1}]} {
    %mul3A = arith.constant 2 : i32
    %mul3A_0 = arith.muli %arg1, %mul3A : i32
    %add3A = arith.addi %mul3A_0, %arg0 : i32
    %mul3A_1 = arith.constant 25600 : i32
    %mul3A_2 = arith.muli %add3A, %mul3A_1 : i32
    "tpu.region"() ({
      %run_scoped3A = tpu.sem_alloc : memref<!tpu.dma_semaphore, #tpu.memory_space<semaphore_mem>>
      tpu.enqueue_dma source(%arg4 : memref<200x32xf32, #tpu.memory_space<hbm>>) target(%arg7 : memref<200x32xf32, #tpu.memory_space<vmem>>) target_semaphore(%run_scoped3A : memref<!tpu.dma_semaphore, #tpu.memory_space<semaphore_mem>>)
      tpu.wait_dma2 semaphore(%run_scoped3A : memref<!tpu.dma_semaphore, #tpu.memory_space<semaphore_mem>>) src(%arg4 : memref<200x32xf32, #tpu.memory_space<hbm>>) dst(%arg7 : memref<200x32xf32, #tpu.memory_space<vmem>>)
      tpu.yield
    }) : () -> ()
    "tpu.region"() ({
      %run_scoped3A = tpu.sem_alloc : memref<!tpu.dma_semaphore, #tpu.memory_space<semaphore_mem>>
      %dma_start3A_51 = tpu.memref_slice %arg2[%mul3A_2] : memref<819200xi32, #tpu.memory_space<hbm>> -> memref<25600xi32, #tpu.memory_space<hbm>>
      %dma_start3A_52 = tpu.memref_slice %arg2[%mul3A_2] : memref<819200xi32, #tpu.memory_space<hbm>> -> memref<25600xi32, #tpu.memory_space<hbm>>
      tpu.enqueue_dma source(%dma_start3A_52 : memref<25600xi32, #tpu.memory_space<hbm>>) target(%arg6 : memref<25600xi32, #tpu.memory_space<vmem>>) target_semaphore(%run_scoped3A : memref<!tpu.dma_semaphore, #tpu.memory_space<semaphore_mem>>)
      %dma_wait3A_53 = tpu.memref_slice %arg2[%mul3A_2] : memref<819200xi32, #tpu.memory_space<hbm>> -> memref<25600xi32, #tpu.memory_space<hbm>>
      %dma_wait3A_54 = tpu.memref_slice %arg2[%mul3A_2] : memref<819200xi32, #tpu.memory_space<hbm>> -> memref<25600xi32, #tpu.memory_space<hbm>>
      tpu.wait_dma2 semaphore(%run_scoped3A : memref<!tpu.dma_semaphore, #tpu.memory_space<semaphore_mem>>) src(%dma_wait3A_54 : memref<25600xi32, #tpu.memory_space<hbm>>) dst(%arg6 : memref<25600xi32, #tpu.memory_space<vmem>>)
      tpu.yield
    }) : () -> ()
    %dma_start3A = arith.constant 0 : i32
    %dma_start3A_3 = tpu.memref_slice %arg6[%dma_start3A] : memref<25600xi32, #tpu.memory_space<vmem>> -> memref<40xi32, #tpu.memory_space<vmem>>
    %dma_start3A_4 = arith.constant 0 : i32
    %dma_start3A_5 = arith.constant 0 : i32
    %dma_start3A_6 = tpu.memref_slice %arg3[%dma_start3A_4, %dma_start3A_5] : memref<1000000x32xf32, #tpu.memory_space<hbm>> -> memref<1000000x32xf32, #tpu.memory_space<hbm>>
    tpu.enqueue_indirect_dma source(%dma_start3A_6 : memref<1000000x32xf32, #tpu.memory_space<hbm>>) target(%arg8 : memref<40x32xf32, #tpu.memory_space<vmem>>) offsets(%dma_start3A_3 : memref<40xi32, #tpu.memory_space<vmem>>) semaphore(%arg18 : memref<!tpu.dma_semaphore, #tpu.memory_space<semaphore_mem>>)
    %dma_start3A_7 = arith.constant 40 : i32
    %dma_start3A_8 = tpu.memref_slice %arg6[%dma_start3A_7] : memref<25600xi32, #tpu.memory_space<vmem>> -> memref<40xi32, #tpu.memory_space<vmem>>
    %dma_start3A_9 = arith.constant 0 : i32
    %dma_start3A_10 = arith.constant 0 : i32
    %dma_start3A_11 = tpu.memref_slice %arg3[%dma_start3A_9, %dma_start3A_10] : memref<1000000x32xf32, #tpu.memory_space<hbm>> -> memref<1000000x32xf32, #tpu.memory_space<hbm>>
    tpu.enqueue_indirect_dma source(%dma_start3A_11 : memref<1000000x32xf32, #tpu.memory_space<hbm>>) target(%arg9 : memref<40x32xf32, #tpu.memory_space<vmem>>) offsets(%dma_start3A_8 : memref<40xi32, #tpu.memory_space<vmem>>) semaphore(%arg19 : memref<!tpu.dma_semaphore, #tpu.memory_space<semaphore_mem>>)
    %dma_start3A_12 = arith.constant 80 : i32
    %dma_start3A_13 = tpu.memref_slice %arg6[%dma_start3A_12] : memref<25600xi32, #tpu.memory_space<vmem>> -> memref<40xi32, #tpu.memory_space<vmem>>
    %dma_start3A_14 = arith.constant 0 : i32
    %dma_start3A_15 = arith.constant 0 : i32
    %dma_start3A_16 = tpu.memref_slice %arg3[%dma_start3A_14, %dma_start3A_15] : memref<1000000x32xf32, #tpu.memory_space<hbm>> -> memref<1000000x32xf32, #tpu.memory_space<hbm>>
    tpu.enqueue_indirect_dma source(%dma_start3A_16 : memref<1000000x32xf32, #tpu.memory_space<hbm>>) target(%arg10 : memref<40x32xf32, #tpu.memory_space<vmem>>) offsets(%dma_start3A_13 : memref<40xi32, #tpu.memory_space<vmem>>) semaphore(%arg20 : memref<!tpu.dma_semaphore, #tpu.memory_space<semaphore_mem>>)
    %dma_start3A_17 = arith.constant 120 : i32
    %dma_start3A_18 = tpu.memref_slice %arg6[%dma_start3A_17] : memref<25600xi32, #tpu.memory_space<vmem>> -> memref<40xi32, #tpu.memory_space<vmem>>
    %dma_start3A_19 = arith.constant 0 : i32
    %dma_start3A_20 = arith.constant 0 : i32
    %dma_start3A_21 = tpu.memref_slice %arg3[%dma_start3A_19, %dma_start3A_20] : memref<1000000x32xf32, #tpu.memory_space<hbm>> -> memref<1000000x32xf32, #tpu.memory_space<hbm>>
    tpu.enqueue_indirect_dma source(%dma_start3A_21 : memref<1000000x32xf32, #tpu.memory_space<hbm>>) target(%arg11 : memref<40x32xf32, #tpu.memory_space<vmem>>) offsets(%dma_start3A_18 : memref<40xi32, #tpu.memory_space<vmem>>) semaphore(%arg21 : memref<!tpu.dma_semaphore, #tpu.memory_space<semaphore_mem>>)
    %dma_start3A_22 = arith.constant 160 : i32
    %dma_start3A_23 = tpu.memref_slice %arg6[%dma_start3A_22] : memref<25600xi32, #tpu.memory_space<vmem>> -> memref<40xi32, #tpu.memory_space<vmem>>
    %dma_start3A_24 = arith.constant 0 : i32
    %dma_start3A_25 = arith.constant 0 : i32
    %dma_start3A_26 = tpu.memref_slice %arg3[%dma_start3A_24, %dma_start3A_25] : memref<1000000x32xf32, #tpu.memory_space<hbm>> -> memref<1000000x32xf32, #tpu.memory_space<hbm>>
    tpu.enqueue_indirect_dma source(%dma_start3A_26 : memref<1000000x32xf32, #tpu.memory_space<hbm>>) target(%arg12 : memref<40x32xf32, #tpu.memory_space<vmem>>) offsets(%dma_start3A_23 : memref<40xi32, #tpu.memory_space<vmem>>) semaphore(%arg22 : memref<!tpu.dma_semaphore, #tpu.memory_space<semaphore_mem>>)
    %scan3A = arith.constant 0 : i32
    %scan3A_27 = arith.constant 0 : i32
    %scan3A_28 = arith.constant 128 : i32
    %scan3A_29 = arith.addi %scan3A_27, %scan3A_28 : i32
    %scan3A_30 = arith.constant 1 : i32
    scf.for %scan3A_51 = %scan3A_27 to %scan3A_29 step %scan3A_30  : i32 {
      %mul3A_52 = arith.constant 5 : i32
      %mul3A_53 = arith.muli %scan3A_51, %mul3A_52 : i32
      %add3A_54 = arith.constant 0 : i32
      %add3A_55 = arith.addi %mul3A_53, %add3A_54 : i32
      %dma_wait3A_56 = arith.constant 0 : i32
      %dma_wait3A_57 = tpu.memref_slice %arg6[%dma_wait3A_56] : memref<25600xi32, #tpu.memory_space<vmem>> -> memref<40xi32, #tpu.memory_space<vmem>>
      %dma_wait3A_58 = arith.constant 0 : i32
      %dma_wait3A_59 = arith.constant 0 : i32
      %dma_wait3A_60 = tpu.memref_slice %arg3[%dma_wait3A_58, %dma_wait3A_59] : memref<1000000x32xf32, #tpu.memory_space<hbm>> -> memref<1000000x32xf32, #tpu.memory_space<hbm>>
      tpu.wait_indirect_dma semaphore(%arg18 : memref<!tpu.dma_semaphore, #tpu.memory_space<semaphore_mem>>) src(%dma_wait3A_60 : memref<1000000x32xf32, #tpu.memory_space<hbm>>) dst(%arg8 : memref<40x32xf32, #tpu.memory_space<vmem>>)
      %scan3A_61 = arith.constant 0 : i32
      %scan3A_62 = arith.constant 0 : i32
      %scan3A_63 = arith.constant 40 : i32
      %scan3A_64 = arith.addi %scan3A_62, %scan3A_63 : i32
      %scan3A_65 = arith.constant 8 : i32
      scf.for %scan3A_218 = %scan3A_62 to %scan3A_64 step %scan3A_65  : i32 {
        %get3A = arith.index_cast %scan3A_218 : i32 to index
        %get3A_219 = arith.constant 0 : index
        %get3A_220 = tpu.vector_load %arg8[%get3A, %get3A_219] {strides = array<i32>} : memref<40x32xf32, #tpu.memory_space<vmem>>, vector<1x16xf32>,
        %get3A_221 = vector.shape_cast %get3A_220 : vector<1x16xf32> to vector<16xf32>
        %add3A_222 = arith.constant 0 : i32
        %add3A_223 = arith.addi %add3A_222, %scan3A_218 : i32
        %get3A_224 = arith.index_cast %add3A_223 : i32 to index
        %get3A_225 = arith.constant 0 : index
        %get3A_226 = tpu.vector_load %arg7[%get3A_224, %get3A_225] {strides = array<i32>} : memref<200x32xf32, #tpu.memory_space<vmem>>, vector<1x16xf32>,
        %get3A_227 = vector.shape_cast %get3A_226 : vector<1x16xf32> to vector<16xf32>
        %add3A_228 = arith.addf %get3A_221, %get3A_227 : vector<16xf32>
        %swap3A = arith.index_cast %scan3A_218 : i32 to index
        %swap3A_229 = arith.constant 0 : index
        %swap3A_230 = tpu.vector_load %arg13[%swap3A, %swap3A_229] {strides = array<i32>} : memref<40x32xf32, #tpu.memory_space<vmem>>, vector<1x16xf32>,
        %swap3A_231 = vector.shape_cast %swap3A_230 : vector<1x16xf32> to vector<16xf32>
        %swap3A_232 = vector.shape_cast %add3A_228 : vector<16xf32> to vector<1x16xf32>
        tpu.vector_store %arg13[%swap3A, %swap3A_229], %swap3A_232 {strides = array<i32>} : memref<40x32xf32, #tpu.memory_space<vmem>>, vector<1x16xf32>,
        %get3A_233 = arith.index_cast %scan3A_218 : i32 to index
        %get3A_234 = arith.constant 16 : index
        %get3A_235 = tpu.vector_load %arg8[%get3A_233, %get3A_234] {strides = array<i32>} : memref<40x32xf32, #tpu.memory_space<vmem>>, vector<1x16xf32>,
        %get3A_236 = vector.shape_cast %get3A_235 : vector<1x16xf32> to vector<16xf32>
        %add3A_237 = arith.constant 0 : i32
        %add3A_238 = arith.addi %add3A_237, %scan3A_218 : i32
        %get3A_239 = arith.index_cast %add3A_238 : i32 to index
        %get3A_240 = arith.constant 16 : index
        %get3A_241 = tpu.vector_load %arg7[%get3A_239, %get3A_240] {strides = array<i32>} : memref<200x32xf32, #tpu.memory_space<vmem>>, vector<1x16xf32>,
        %get3A_242 = vector.shape_cast %get3A_241 : vector<1x16xf32> to vector<16xf32>
        %add3A_243 = arith.addf %get3A_236, %get3A_242 : vector<16xf32>
        %swap3A_244 = arith.index_cast %scan3A_218 : i32 to index
        %swap3A_245 = arith.constant 16 : index
        %swap3A_246 = tpu.vector_load %arg13[%swap3A_244, %swap3A_245] {strides = array<i32>} : memref<40x32xf32, #tpu.memory_space<vmem>>, vector<1x16xf32>,
        %swap3A_247 = vector.shape_cast %swap3A_246 : vector<1x16xf32> to vector<16xf32>
        %swap3A_248 = vector.shape_cast %add3A_243 : vector<16xf32> to vector<1x16xf32>
        tpu.vector_store %arg13[%swap3A_244, %swap3A_245], %swap3A_248 {strides = array<i32>} : memref<40x32xf32, #tpu.memory_space<vmem>>, vector<1x16xf32>,
        %scan3A_249 = arith.constant 1 : i32
        %scan3A_250 = arith.addi %scan3A_218, %scan3A_249 : i32
        %get3A_251 = arith.index_cast %scan3A_250 : i32 to index
        %get3A_252 = arith.constant 0 : index
        %get3A_253 = tpu.vector_load %arg8[%get3A_251, %get3A_252] {strides = array<i32>} : memref<40x32xf32, #tpu.memory_space<vmem>>, vector<1x16xf32>,
        %get3A_254 = vector.shape_cast %get3A_253 : vector<1x16xf32> to vector<16xf32>
        %add3A_255 = arith.constant 0 : i32
        %add3A_256 = arith.addi %add3A_255, %scan3A_250 : i32
        %get3A_257 = arith.index_cast %add3A_256 : i32 to index
        %get3A_258 = arith.constant 0 : index
        %get3A_259 = tpu.vector_load %arg7[%get3A_257, %get3A_258] {strides = array<i32>} : memref<200x32xf32, #tpu.memory_space<vmem>>, vector<1x16xf32>,
        %get3A_260 = vector.shape_cast %get3A_259 : vector<1x16xf32> to vector<16xf32>
        %add3A_261 = arith.addf %get3A_254, %get3A_260 : vector<16xf32>
        %swap3A_262 = arith.index_cast %scan3A_250 : i32 to index
        %swap3A_263 = arith.constant 0 : index
        %swap3A_264 = tpu.vector_load %arg13[%swap3A_262, %swap3A_263] {strides = array<i32>} : memref<40x32xf32, #tpu.memory_space<vmem>>, vector<1x16xf32>,
        %swap3A_265 = vector.shape_cast %swap3A_264 : vector<1x16xf32> to vector<16xf32>
        %swap3A_266 = vector.shape_cast %add3A_261 : vector<16xf32> to vector<1x16xf32>
        tpu.vector_store %arg13[%swap3A_262, %swap3A_263], %swap3A_266 {strides = array<i32>} : memref<40x32xf32, #tpu.memory_space<vmem>>, vector<1x16xf32>,
        %get3A_267 = arith.index_cast %scan3A_250 : i32 to index
        %get3A_268 = arith.constant 16 : index
        %get3A_269 = tpu.vector_load %arg8[%get3A_267, %get3A_268] {strides = array<i32>} : memref<40x32xf32, #tpu.memory_space<vmem>>, vector<1x16xf32>,
        %get3A_270 = vector.shape_cast %get3A_269 : vector<1x16xf32> to vector<16xf32>
        %add3A_271 = arith.constant 0 : i32
        %add3A_272 = arith.addi %add3A_271, %scan3A_250 : i32
        %get3A_273 = arith.index_cast %add3A_272 : i32 to index
        %get3A_274 = arith.constant 16 : index
        %get3A_275 = tpu.vector_load %arg7[%get3A_273, %get3A_274] {strides = array<i32>} : memref<200x32xf32, #tpu.memory_space<vmem>>, vector<1x16xf32>,
        %get3A_276 = vector.shape_cast %get3A_275 : vector<1x16xf32> to vector<16xf32>
        %add3A_277 = arith.addf %get3A_270, %get3A_276 : vector<16xf32>
        %swap3A_278 = arith.index_cast %scan3A_250 : i32 to index
        %swap3A_279 = arith.constant 16 : index
        %swap3A_280 = tpu.vector_load %arg13[%swap3A_278, %swap3A_279] {strides = array<i32>} : memref<40x32xf32, #tpu.memory_space<vmem>>, vector<1x16xf32>,
        %swap3A_281 = vector.shape_cast %swap3A_280 : vector<1x16xf32> to vector<16xf32>
        %swap3A_282 = vector.shape_cast %add3A_277 : vector<16xf32> to vector<1x16xf32>
        tpu.vector_store %arg13[%swap3A_278, %swap3A_279], %swap3A_282 {strides = array<i32>} : memref<40x32xf32, #tpu.memory_space<vmem>>, vector<1x16xf32>,
        %scan3A_283 = arith.constant 2 : i32
        %scan3A_284 = arith.addi %scan3A_218, %scan3A_283 : i32
        %get3A_285 = arith.index_cast %scan3A_284 : i32 to index
        %get3A_286 = arith.constant 0 : index
        %get3A_287 = tpu.vector_load %arg8[%get3A_285, %get3A_286] {strides = array<i32>} : memref<40x32xf32, #tpu.memory_space<vmem>>, vector<1x16xf32>,
        %get3A_288 = vector.shape_cast %get3A_287 : vector<1x16xf32> to vector<16xf32>
        %add3A_289 = arith.constant 0 : i32
        %add3A_290 = arith.addi %add3A_289, %scan3A_284 : i32
        %get3A_291 = arith.index_cast %add3A_290 : i32 to index
        %get3A_292 = arith.constant 0 : index
        %get3A_293 = tpu.vector_load %arg7[%get3A_291, %get3A_292] {strides = array<i32>} : memref<200x32xf32, #tpu.memory_space<vmem>>, vector<1x16xf32>,
        %get3A_294 = vector.shape_cast %get3A_293 : vector<1x16xf32> to vector<16xf32>
        %add3A_295 = arith.addf %get3A_288, %get3A_294 : vector<16xf32>
        %swap3A_296 = arith.index_cast %scan3A_284 : i32 to index
        %swap3A_297 = arith.constant 0 : index
        %swap3A_298 = tpu.vector_load %arg13[%swap3A_296, %swap3A_297] {strides = array<i32>} : memref<40x32xf32, #tpu.memory_space<vmem>>, vector<1x16xf32>,
        %swap3A_299 = vector.shape_cast %swap3A_298 : vector<1x16xf32> to vector<16xf32>
        %swap3A_300 = vector.shape_cast %add3A_295 : vector<16xf32> to vector<1x16xf32>
        tpu.vector_store %arg13[%swap3A_296, %swap3A_297], %swap3A_300 {strides = array<i32>} : memref<40x32xf32, #tpu.memory_space<vmem>>, vector<1x16xf32>,
        %get3A_301 = arith.index_cast %scan3A_284 : i32 to index
        %get3A_302 = arith.constant 16 : index
        %get3A_303 = tpu.vector_load %arg8[%get3A_301, %get3A_302] {strides = array<i32>} : memref<40x32xf32, #tpu.memory_space<vmem>>, vector<1x16xf32>,
        %get3A_304 = vector.shape_cast %get3A_303 : vector<1x16xf32> to vector<16xf32>
        %add3A_305 = arith.constant 0 : i32
        %add3A_306 = arith.addi %add3A_305, %scan3A_284 : i32
        %get3A_307 = arith.index_cast %add3A_306 : i32 to index
        %get3A_308 = arith.constant 16 : index
        %get3A_309 = tpu.vector_load %arg7[%get3A_307, %get3A_308] {strides = array<i32>} : memref<200x32xf32, #tpu.memory_space<vmem>>, vector<1x16xf32>,
        %get3A_310 = vector.shape_cast %get3A_309 : vector<1x16xf32> to vector<16xf32>
        %add3A_311 = arith.addf %get3A_304, %get3A_310 : vector<16xf32>
        %swap3A_312 = arith.index_cast %scan3A_284 : i32 to index
        %swap3A_313 = arith.constant 16 : index
        %swap3A_314 = tpu.vector_load %arg13[%swap3A_312, %swap3A_313] {strides = array<i32>} : memref<40x32xf32, #tpu.memory_space<vmem>>, vector<1x16xf32>,
        %swap3A_315 = vector.shape_cast %swap3A_314 : vector<1x16xf32> to vector<16xf32>
        %swap3A_316 = vector.shape_cast %add3A_311 : vector<16xf32> to vector<1x16xf32>
        tpu.vector_store %arg13[%swap3A_312, %swap3A_313], %swap3A_316 {strides = array<i32>} : memref<40x32xf32, #tpu.memory_space<vmem>>, vector<1x16xf32>,
        %scan3A_317 = arith.constant 3 : i32
        %scan3A_318 = arith.addi %scan3A_218, %scan3A_317 : i32
        %get3A_319 = arith.index_cast %scan3A_318 : i32 to index
        %get3A_320 = arith.constant 0 : index
        %get3A_321 = tpu.vector_load %arg8[%get3A_319, %get3A_320] {strides = array<i32>} : memref<40x32xf32, #tpu.memory_space<vmem>>, vector<1x16xf32>,
        %get3A_322 = vector.shape_cast %get3A_321 : vector<1x16xf32> to vector<16xf32>
        %add3A_323 = arith.constant 0 : i32
        %add3A_324 = arith.addi %add3A_323, %scan3A_318 : i32
        %get3A_325 = arith.index_cast %add3A_324 : i32 to index
        %get3A_326 = arith.constant 0 : index
        %get3A_327 = tpu.vector_load %arg7[%get3A_325, %get3A_326] {strides = array<i32>} : memref<200x32xf32, #tpu.memory_space<vmem>>, vector<1x16xf32>,
        %get3A_328 = vector.shape_cast %get3A_327 : vector<1x16xf32> to vector<16xf32>
        %add3A_329 = arith.addf %get3A_322, %get3A_328 : vector<16xf32>
        %swap3A_330 = arith.index_cast %scan3A_318 : i32 to index
        %swap3A_331 = arith.constant 0 : index
        %swap3A_332 = tpu.vector_load %arg13[%swap3A_330, %swap3A_331] {strides = array<i32>} : memref<40x32xf32, #tpu.memory_space<vmem>>, vector<1x16xf32>,
        %swap3A_333 = vector.shape_cast %swap3A_332 : vector<1x16xf32> to vector<16xf32>
        %swap3A_334 = vector.shape_cast %add3A_329 : vector<16xf32> to vector<1x16xf32>
        tpu.vector_store %arg13[%swap3A_330, %swap3A_331], %swap3A_334 {strides = array<i32>} : memref<40x32xf32, #tpu.memory_space<vmem>>, vector<1x16xf32>,
        %get3A_335 = arith.index_cast %scan3A_318 : i32 to index
        %get3A_336 = arith.constant 16 : index
        %get3A_337 = tpu.vector_load %arg8[%get3A_335, %get3A_336] {strides = array<i32>} : memref<40x32xf32, #tpu.memory_space<vmem>>, vector<1x16xf32>,
        %get3A_338 = vector.shape_cast %get3A_337 : vector<1x16xf32> to vector<16xf32>
        %add3A_339 = arith.constant 0 : i32
        %add3A_340 = arith.addi %add3A_339, %scan3A_318 : i32
        %get3A_341 = arith.index_cast %add3A_340 : i32 to index
        %get3A_342 = arith.constant 16 : index
        %get3A_343 = tpu.vector_load %arg7[%get3A_341, %get3A_342] {strides = array<i32>} : memref<200x32xf32, #tpu.memory_space<vmem>>, vector<1x16xf32>,
        %get3A_344 = vector.shape_cast %get3A_343 : vector<1x16xf32> to vector<16xf32>
        %add3A_345 = arith.addf %get3A_338, %get3A_344 : vector<16xf32>
        %swap3A_346 = arith.index_cast %scan3A_318 : i32 to index
        %swap3A_347 = arith.constant 16 : index
        %swap3A_348 = tpu.vector_load %arg13[%swap3A_346, %swap3A_347] {strides = array<i32>} : memref<40x32xf32, #tpu.memory_space<vmem>>, vector<1x16xf32>,
        %swap3A_349 = vector.shape_cast %swap3A_348 : vector<1x16xf32> to vector<16xf32>
        %swap3A_350 = vector.shape_cast %add3A_345 : vector<16xf32> to vector<1x16xf32>
        tpu.vector_store %arg13[%swap3A_346, %swap3A_347], %swap3A_350 {strides = array<i32>} : memref<40x32xf32, #tpu.memory_space<vmem>>, vector<1x16xf32>,
        %scan3A_351 = arith.constant 4 : i32
        %scan3A_352 = arith.addi %scan3A_218, %scan3A_351 : i32
        %get3A_353 = arith.index_cast %scan3A_352 : i32 to index
        %get3A_354 = arith.constant 0 : index
        %get3A_355 = tpu.vector_load %arg8[%get3A_353, %get3A_354] {strides = array<i32>} : memref<40x32xf32, #tpu.memory_space<vmem>>, vector<1x16xf32>,
        %get3A_356 = vector.shape_cast %get3A_355 : vector<1x16xf32> to vector<16xf32>
        %add3A_357 = arith.constant 0 : i32
        %add3A_358 = arith.addi %add3A_357, %scan3A_352 : i32
        %get3A_359 = arith.index_cast %add3A_358 : i32 to index
        %get3A_360 = arith.constant 0 : index
        %get3A_361 = tpu.vector_load %arg7[%get3A_359, %get3A_360] {strides = array<i32>} : memref<200x32xf32, #tpu.memory_space<vmem>>, vector<1x16xf32>,
        %get3A_362 = vector.shape_cast %get3A_361 : vector<1x16xf32> to vector<16xf32>
        %add3A_363 = arith.addf %get3A_356, %get3A_362 : vector<16xf32>
        %swap3A_364 = arith.index_cast %scan3A_352 : i32 to index
        %swap3A_365 = arith.constant 0 : index
        %swap3A_366 = tpu.vector_load %arg13[%swap3A_364, %swap3A_365] {strides = array<i32>} : memref<40x32xf32, #tpu.memory_space<vmem>>, vector<1x16xf32>,
        %swap3A_367 = vector.shape_cast %swap3A_366 : vector<1x16xf32> to vector<16xf32>
        %swap3A_368 = vector.shape_cast %add3A_363 : vector<16xf32> to vector<1x16xf32>
        tpu.vector_store %arg13[%swap3A_364, %swap3A_365], %swap3A_368 {strides = array<i32>} : memref<40x32xf32, #tpu.memory_space<vmem>>, vector<1x16xf32>,
        %get3A_369 = arith.index_cast %scan3A_352 : i32 to index
        %get3A_370 = arith.constant 16 : index
        %get3A_371 = tpu.vector_load %arg8[%get3A_369, %get3A_370] {strides = array<i32>} : memref<40x32xf32, #tpu.memory_space<vmem>>, vector<1x16xf32>,
        %get3A_372 = vector.shape_cast %get3A_371 : vector<1x16xf32> to vector<16xf32>
        %add3A_373 = arith.constant 0 : i32
        %add3A_374 = arith.addi %add3A_373, %scan3A_352 : i32
        %get3A_375 = arith.index_cast %add3A_374 : i32 to index
        %get3A_376 = arith.constant 16 : index
        %get3A_377 = tpu.vector_load %arg7[%get3A_375, %get3A_376] {strides = array<i32>} : memref<200x32xf32, #tpu.memory_space<vmem>>, vector<1x16xf32>,
        %get3A_378 = vector.shape_cast %get3A_377 : vector<1x16xf32> to vector<16xf32>
        %add3A_379 = arith.addf %get3A_372, %get3A_378 : vector<16xf32>
        %swap3A_380 = arith.index_cast %scan3A_352 : i32 to index
        %swap3A_381 = arith.constant 16 : index
        %swap3A_382 = tpu.vector_load %arg13[%swap3A_380, %swap3A_381] {strides = array<i32>} : memref<40x32xf32, #tpu.memory_space<vmem>>, vector<1x16xf32>,
        %swap3A_383 = vector.shape_cast %swap3A_382 : vector<1x16xf32> to vector<16xf32>
        %swap3A_384 = vector.shape_cast %add3A_379 : vector<16xf32> to vector<1x16xf32>
        tpu.vector_store %arg13[%swap3A_380, %swap3A_381], %swap3A_384 {strides = array<i32>} : memref<40x32xf32, #tpu.memory_space<vmem>>, vector<1x16xf32>,
        %scan3A_385 = arith.constant 5 : i32
        %scan3A_386 = arith.addi %scan3A_218, %scan3A_385 : i32
        %get3A_387 = arith.index_cast %scan3A_386 : i32 to index
        %get3A_388 = arith.constant 0 : index
        %get3A_389 = tpu.vector_load %arg8[%get3A_387, %get3A_388] {strides = array<i32>} : memref<40x32xf32, #tpu.memory_space<vmem>>, vector<1x16xf32>,
        %get3A_390 = vector.shape_cast %get3A_389 : vector<1x16xf32> to vector<16xf32>
        %add3A_391 = arith.constant 0 : i32
        %add3A_392 = arith.addi %add3A_391, %scan3A_386 : i32
        %get3A_393 = arith.index_cast %add3A_392 : i32 to index
        %get3A_394 = arith.constant 0 : index
        %get3A_395 = tpu.vector_load %arg7[%get3A_393, %get3A_394] {strides = array<i32>} : memref<200x32xf32, #tpu.memory_space<vmem>>, vector<1x16xf32>,
        %get3A_396 = vector.shape_cast %get3A_395 : vector<1x16xf32> to vector<16xf32>
        %add3A_397 = arith.addf %get3A_390, %get3A_396 : vector<16xf32>
        %swap3A_398 = arith.index_cast %scan3A_386 : i32 to index
        %swap3A_399 = arith.constant 0 : index
        %swap3A_400 = tpu.vector_load %arg13[%swap3A_398, %swap3A_399] {strides = array<i32>} : memref<40x32xf32, #tpu.memory_space<vmem>>, vector<1x16xf32>,
        %swap3A_401 = vector.shape_cast %swap3A_400 : vector<1x16xf32> to vector<16xf32>
        %swap3A_402 = vector.shape_cast %add3A_397 : vector<16xf32> to vector<1x16xf32>
        tpu.vector_store %arg13[%swap3A_398, %swap3A_399], %swap3A_402 {strides = array<i32>} : memref<40x32xf32, #tpu.memory_space<vmem>>, vector<1x16xf32>,
        %get3A_403 = arith.index_cast %scan3A_386 : i32 to index
        %get3A_404 = arith.constant 16 : index
        %get3A_405 = tpu.vector_load %arg8[%get3A_403, %get3A_404] {strides = array<i32>} : memref<40x32xf32, #tpu.memory_space<vmem>>, vector<1x16xf32>,
        %get3A_406 = vector.shape_cast %get3A_405 : vector<1x16xf32> to vector<16xf32>
        %add3A_407 = arith.constant 0 : i32
        %add3A_408 = arith.addi %add3A_407, %scan3A_386 : i32
        %get3A_409 = arith.index_cast %add3A_408 : i32 to index
        %get3A_410 = arith.constant 16 : index
        %get3A_411 = tpu.vector_load %arg7[%get3A_409, %get3A_410] {strides = array<i32>} : memref<200x32xf32, #tpu.memory_space<vmem>>, vector<1x16xf32>,
        %get3A_412 = vector.shape_cast %get3A_411 : vector<1x16xf32> to vector<16xf32>
        %add3A_413 = arith.addf %get3A_406, %get3A_412 : vector<16xf32>
        %swap3A_414 = arith.index_cast %scan3A_386 : i32 to index
        %swap3A_415 = arith.constant 16 : index
        %swap3A_416 = tpu.vector_load %arg13[%swap3A_414, %swap3A_415] {strides = array<i32>} : memref<40x32xf32, #tpu.memory_space<vmem>>, vector<1x16xf32>,
        %swap3A_417 = vector.shape_cast %swap3A_416 : vector<1x16xf32> to vector<16xf32>
        %swap3A_418 = vector.shape_cast %add3A_413 : vector<16xf32> to vector<1x16xf32>
        tpu.vector_store %arg13[%swap3A_414, %swap3A_415], %swap3A_418 {strides = array<i32>} : memref<40x32xf32, #tpu.memory_space<vmem>>, vector<1x16xf32>,
        %scan3A_419 = arith.constant 6 : i32
        %scan3A_420 = arith.addi %scan3A_218, %scan3A_419 : i32
        %get3A_421 = arith.index_cast %scan3A_420 : i32 to index
        %get3A_422 = arith.constant 0 : index
        %get3A_423 = tpu.vector_load %arg8[%get3A_421, %get3A_422] {strides = array<i32>} : memref<40x32xf32, #tpu.memory_space<vmem>>, vector<1x16xf32>,
        %get3A_424 = vector.shape_cast %get3A_423 : vector<1x16xf32> to vector<16xf32>
        %add3A_425 = arith.constant 0 : i32
        %add3A_426 = arith.addi %add3A_425, %scan3A_420 : i32
        %get3A_427 = arith.index_cast %add3A_426 : i32 to index
        %get3A_428 = arith.constant 0 : index
        %get3A_429 = tpu.vector_load %arg7[%get3A_427, %get3A_428] {strides = array<i32>} : memref<200x32xf32, #tpu.memory_space<vmem>>, vector<1x16xf32>,
        %get3A_430 = vector.shape_cast %get3A_429 : vector<1x16xf32> to vector<16xf32>
        %add3A_431 = arith.addf %get3A_424, %get3A_430 : vector<16xf32>
        %swap3A_432 = arith.index_cast %scan3A_420 : i32 to index
        %swap3A_433 = arith.constant 0 : index
        %swap3A_434 = tpu.vector_load %arg13[%swap3A_432, %swap3A_433] {strides = array<i32>} : memref<40x32xf32, #tpu.memory_space<vmem>>, vector<1x16xf32>,
        %swap3A_435 = vector.shape_cast %swap3A_434 : vector<1x16xf32> to vector<16xf32>
        %swap3A_436 = vector.shape_cast %add3A_431 : vector<16xf32> to vector<1x16xf32>
        tpu.vector_store %arg13[%swap3A_432, %swap3A_433], %swap3A_436 {strides = array<i32>} : memref<40x32xf32, #tpu.memory_space<vmem>>, vector<1x16xf32>,
        %get3A_437 = arith.index_cast %scan3A_420 : i32 to index
        %get3A_438 = arith.constant 16 : index
        %get3A_439 = tpu.vector_load %arg8[%get3A_437, %get3A_438] {strides = array<i32>} : memref<40x32xf32, #tpu.memory_space<vmem>>, vector<1x16xf32>,
        %get3A_440 = vector.shape_cast %get3A_439 : vector<1x16xf32> to vector<16xf32>
        %add3A_441 = arith.constant 0 : i32
        %add3A_442 = arith.addi %add3A_441, %scan3A_420 : i32
        %get3A_443 = arith.index_cast %add3A_442 : i32 to index
        %get3A_444 = arith.constant 16 : index
        %get3A_445 = tpu.vector_load %arg7[%get3A_443, %get3A_444] {strides = array<i32>} : memref<200x32xf32, #tpu.memory_space<vmem>>, vector<1x16xf32>,
        %get3A_446 = vector.shape_cast %get3A_445 : vector<1x16xf32> to vector<16xf32>
        %add3A_447 = arith.addf %get3A_440, %get3A_446 : vector<16xf32>
        %swap3A_448 = arith.index_cast %scan3A_420 : i32 to index
        %swap3A_449 = arith.constant 16 : index
        %swap3A_450 = tpu.vector_load %arg13[%swap3A_448, %swap3A_449] {strides = array<i32>} : memref<40x32xf32, #tpu.memory_space<vmem>>, vector<1x16xf32>,
        %swap3A_451 = vector.shape_cast %swap3A_450 : vector<1x16xf32> to vector<16xf32>
        %swap3A_452 = vector.shape_cast %add3A_447 : vector<16xf32> to vector<1x16xf32>
        tpu.vector_store %arg13[%swap3A_448, %swap3A_449], %swap3A_452 {strides = array<i32>} : memref<40x32xf32, #tpu.memory_space<vmem>>, vector<1x16xf32>,
        %scan3A_453 = arith.constant 7 : i32
        %scan3A_454 = arith.addi %scan3A_218, %scan3A_453 : i32
        %get3A_455 = arith.index_cast %scan3A_454 : i32 to index
        %get3A_456 = arith.constant 0 : index
        %get3A_457 = tpu.vector_load %arg8[%get3A_455, %get3A_456] {strides = array<i32>} : memref<40x32xf32, #tpu.memory_space<vmem>>, vector<1x16xf32>,
        %get3A_458 = vector.shape_cast %get3A_457 : vector<1x16xf32> to vector<16xf32>
        %add3A_459 = arith.constant 0 : i32
        %add3A_460 = arith.addi %add3A_459, %scan3A_454 : i32
        %get3A_461 = arith.index_cast %add3A_460 : i32 to index
        %get3A_462 = arith.constant 0 : index
        %get3A_463 = tpu.vector_load %arg7[%get3A_461, %get3A_462] {strides = array<i32>} : memref<200x32xf32, #tpu.memory_space<vmem>>, vector<1x16xf32>,
        %get3A_464 = vector.shape_cast %get3A_463 : vector<1x16xf32> to vector<16xf32>
        %add3A_465 = arith.addf %get3A_458, %get3A_464 : vector<16xf32>
        %swap3A_466 = arith.index_cast %scan3A_454 : i32 to index
        %swap3A_467 = arith.constant 0 : index
        %swap3A_468 = tpu.vector_load %arg13[%swap3A_466, %swap3A_467] {strides = array<i32>} : memref<40x32xf32, #tpu.memory_space<vmem>>, vector<1x16xf32>,
        %swap3A_469 = vector.shape_cast %swap3A_468 : vector<1x16xf32> to vector<16xf32>
        %swap3A_470 = vector.shape_cast %add3A_465 : vector<16xf32> to vector<1x16xf32>
        tpu.vector_store %arg13[%swap3A_466, %swap3A_467], %swap3A_470 {strides = array<i32>} : memref<40x32xf32, #tpu.memory_space<vmem>>, vector<1x16xf32>,
        %get3A_471 = arith.index_cast %scan3A_454 : i32 to index
        %get3A_472 = arith.constant 16 : index
        %get3A_473 = tpu.vector_load %arg8[%get3A_471, %get3A_472] {strides = array<i32>} : memref<40x32xf32, #tpu.memory_space<vmem>>, vector<1x16xf32>,
        %get3A_474 = vector.shape_cast %get3A_473 : vector<1x16xf32> to vector<16xf32>
        %add3A_475 = arith.constant 0 : i32
        %add3A_476 = arith.addi %add3A_475, %scan3A_454 : i32
        %get3A_477 = arith.index_cast %add3A_476 : i32 to index
        %get3A_478 = arith.constant 16 : index
        %get3A_479 = tpu.vector_load %arg7[%get3A_477, %get3A_478] {strides = array<i32>} : memref<200x32xf32, #tpu.memory_space<vmem>>, vector<1x16xf32>,
        %get3A_480 = vector.shape_cast %get3A_479 : vector<1x16xf32> to vector<16xf32>
        %add3A_481 = arith.addf %get3A_474, %get3A_480 : vector<16xf32>
        %swap3A_482 = arith.index_cast %scan3A_454 : i32 to index
        %swap3A_483 = arith.constant 16 : index
        %swap3A_484 = tpu.vector_load %arg13[%swap3A_482, %swap3A_483] {strides = array<i32>} : memref<40x32xf32, #tpu.memory_space<vmem>>, vector<1x16xf32>,
        %swap3A_485 = vector.shape_cast %swap3A_484 : vector<1x16xf32> to vector<16xf32>
        %swap3A_486 = vector.shape_cast %add3A_481 : vector<16xf32> to vector<1x16xf32>
        tpu.vector_store %arg13[%swap3A_482, %swap3A_483], %swap3A_486 {strides = array<i32>} : memref<40x32xf32, #tpu.memory_space<vmem>>, vector<1x16xf32>,
      }
      %scan3A_66 = arith.constant 40 : i32
      %gt3A = arith.constant 0 : i32
      %gt3A_67 = arith.cmpi sgt, %scan3A_51, %gt3A : i32
      %convert_element_type3A = arith.extui %gt3A_67 : i1 to i32
      %cond3A = arith.constant 0 : i32
      %cond3A_68 = arith.cmpi ne, %convert_element_type3A, %cond3A : i32
      scf.if %cond3A_68 {
        %dma_wait3A_218 = arith.constant 0 : i32
        %dma_wait3A_219 = tpu.memref_slice %arg5[%mul3A_2, %dma_wait3A_218] : memref<819200x32xf32, #tpu.memory_space<hbm>> -> memref<40x32xf32, #tpu.memory_space<hbm>>
        %dma_wait3A_220 = arith.constant 0 : i32
        %dma_wait3A_221 = tpu.memref_slice %arg5[%mul3A_2, %dma_wait3A_220] : memref<819200x32xf32, #tpu.memory_space<hbm>> -> memref<40x32xf32, #tpu.memory_space<hbm>>
        tpu.wait_dma2 semaphore(%arg23 : memref<!tpu.dma_semaphore, #tpu.memory_space<semaphore_mem>>) src(%arg13 : memref<40x32xf32, #tpu.memory_space<vmem>>) dst(%dma_wait3A_221 : memref<40x32xf32, #tpu.memory_space<hbm>>)
      } else {
      }
      %mul3A_69 = arith.constant 40 : i32
      %mul3A_70 = arith.muli %add3A_55, %mul3A_69 : i32
      %add3A_71 = arith.addi %mul3A_2, %mul3A_70 : i32
      %dma_start3A_72 = arith.constant 0 : i32
      %dma_start3A_73 = tpu.memref_slice %arg5[%add3A_71, %dma_start3A_72] : memref<819200x32xf32, #tpu.memory_space<hbm>> -> memref<40x32xf32, #tpu.memory_space<hbm>>
      %dma_start3A_74 = arith.constant 0 : i32
      %dma_start3A_75 = tpu.memref_slice %arg5[%add3A_71, %dma_start3A_74] : memref<819200x32xf32, #tpu.memory_space<hbm>> -> memref<40x32xf32, #tpu.memory_space<hbm>>
      tpu.enqueue_dma source(%arg13 : memref<40x32xf32, #tpu.memory_space<vmem>>) target(%dma_start3A_75 : memref<40x32xf32, #tpu.memory_space<hbm>>) target_semaphore(%arg23 : memref<!tpu.dma_semaphore, #tpu.memory_space<semaphore_mem>>)
      %add3A_76 = arith.constant 1 : i32
      %add3A_77 = arith.addi %scan3A_51, %add3A_76 : i32
      %lt3A = arith.constant 128 : i32
      %lt3A_78 = arith.cmpi slt, %add3A_77, %lt3A : i32
      %convert_element_type3A_79 = arith.extui %lt3A_78 : i1 to i32
      %cond3A_80 = arith.constant 0 : i32
      %cond3A_81 = arith.cmpi ne, %convert_element_type3A_79, %cond3A_80 : i32
      scf.if %cond3A_81 {
        %add3A_218 = arith.constant 5 : i32
        %add3A_219 = arith.addi %add3A_55, %add3A_218 : i32
        %mul3A_220 = arith.constant 40 : i32
        %mul3A_221 = arith.muli %add3A_219, %mul3A_220 : i32
        %dma_start3A_222 = tpu.memref_slice %arg6[%mul3A_221] : memref<25600xi32, #tpu.memory_space<vmem>> -> memref<40xi32, #tpu.memory_space<vmem>>
        %dma_start3A_223 = arith.constant 0 : i32
        %dma_start3A_224 = arith.constant 0 : i32
        %dma_start3A_225 = tpu.memref_slice %arg3[%dma_start3A_223, %dma_start3A_224] : memref<1000000x32xf32, #tpu.memory_space<hbm>> -> memref<1000000x32xf32, #tpu.memory_space<hbm>>
        tpu.enqueue_indirect_dma source(%dma_start3A_225 : memref<1000000x32xf32, #tpu.memory_space<hbm>>) target(%arg8 : memref<40x32xf32, #tpu.memory_space<vmem>>) offsets(%dma_start3A_222 : memref<40xi32, #tpu.memory_space<vmem>>) semaphore(%arg18 : memref<!tpu.dma_semaphore, #tpu.memory_space<semaphore_mem>>)
      } else {
      }
      %mul3A_82 = arith.constant 5 : i32
      %mul3A_83 = arith.muli %scan3A_51, %mul3A_82 : i32
      %add3A_84 = arith.constant 1 : i32
      %add3A_85 = arith.addi %mul3A_83, %add3A_84 : i32
      %dma_wait3A_86 = arith.constant 0 : i32
      %dma_wait3A_87 = tpu.memref_slice %arg6[%dma_wait3A_86] : memref<25600xi32, #tpu.memory_space<vmem>> -> memref<40xi32, #tpu.memory_space<vmem>>
      %dma_wait3A_88 = arith.constant 0 : i32
      %dma_wait3A_89 = arith.constant 0 : i32
      %dma_wait3A_90 = tpu.memref_slice %arg3[%dma_wait3A_88, %dma_wait3A_89] : memref<1000000x32xf32, #tpu.memory_space<hbm>> -> memref<1000000x32xf32, #tpu.memory_space<hbm>>
      tpu.wait_indirect_dma semaphore(%arg19 : memref<!tpu.dma_semaphore, #tpu.memory_space<semaphore_mem>>) src(%dma_wait3A_90 : memref<1000000x32xf32, #tpu.memory_space<hbm>>) dst(%arg9 : memref<40x32xf32, #tpu.memory_space<vmem>>)
      %scan3A_91 = arith.constant 0 : i32
      %scan3A_92 = arith.constant 0 : i32
      %scan3A_93 = arith.constant 40 : i32
      %scan3A_94 = arith.addi %scan3A_92, %scan3A_93 : i32
      %scan3A_95 = arith.constant 8 : i32
      scf.for %scan3A_218 = %scan3A_92 to %scan3A_94 step %scan3A_95  : i32 {
        %get3A = arith.index_cast %scan3A_218 : i32 to index
        %get3A_219 = arith.constant 0 : index
        %get3A_220 = tpu.vector_load %arg9[%get3A, %get3A_219] {strides = array<i32>} : memref<40x32xf32, #tpu.memory_space<vmem>>, vector<1x16xf32>,
        %get3A_221 = vector.shape_cast %get3A_220 : vector<1x16xf32> to vector<16xf32>
        %add3A_222 = arith.constant 40 : i32
        %add3A_223 = arith.addi %add3A_222, %scan3A_218 : i32
        %get3A_224 = arith.index_cast %add3A_223 : i32 to index
        %get3A_225 = arith.constant 0 : index
        %get3A_226 = tpu.vector_load %arg7[%get3A_224, %get3A_225] {strides = array<i32>} : memref<200x32xf32, #tpu.memory_space<vmem>>, vector<1x16xf32>,
        %get3A_227 = vector.shape_cast %get3A_226 : vector<1x16xf32> to vector<16xf32>
        %add3A_228 = arith.addf %get3A_221, %get3A_227 : vector<16xf32>
        %swap3A = arith.index_cast %scan3A_218 : i32 to index
        %swap3A_229 = arith.constant 0 : index
        %swap3A_230 = tpu.vector_load %arg14[%swap3A, %swap3A_229] {strides = array<i32>} : memref<40x32xf32, #tpu.memory_space<vmem>>, vector<1x16xf32>,
        %swap3A_231 = vector.shape_cast %swap3A_230 : vector<1x16xf32> to vector<16xf32>
        %swap3A_232 = vector.shape_cast %add3A_228 : vector<16xf32> to vector<1x16xf32>
        tpu.vector_store %arg14[%swap3A, %swap3A_229], %swap3A_232 {strides = array<i32>} : memref<40x32xf32, #tpu.memory_space<vmem>>, vector<1x16xf32>,
        %get3A_233 = arith.index_cast %scan3A_218 : i32 to index
        %get3A_234 = arith.constant 16 : index
        %get3A_235 = tpu.vector_load %arg9[%get3A_233, %get3A_234] {strides = array<i32>} : memref<40x32xf32, #tpu.memory_space<vmem>>, vector<1x16xf32>,
        %get3A_236 = vector.shape_cast %get3A_235 : vector<1x16xf32> to vector<16xf32>
        %add3A_237 = arith.constant 40 : i32
        %add3A_238 = arith.addi %add3A_237, %scan3A_218 : i32
        %get3A_239 = arith.index_cast %add3A_238 : i32 to index
        %get3A_240 = arith.constant 16 : index
        %get3A_241 = tpu.vector_load %arg7[%get3A_239, %get3A_240] {strides = array<i32>} : memref<200x32xf32, #tpu.memory_space<vmem>>, vector<1x16xf32>,
        %get3A_242 = vector.shape_cast %get3A_241 : vector<1x16xf32> to vector<16xf32>
        %add3A_243 = arith.addf %get3A_236, %get3A_242 : vector<16xf32>
        %swap3A_244 = arith.index_cast %scan3A_218 : i32 to index
        %swap3A_245 = arith.constant 16 : index
        %swap3A_246 = tpu.vector_load %arg14[%swap3A_244, %swap3A_245] {strides = array<i32>} : memref<40x32xf32, #tpu.memory_space<vmem>>, vector<1x16xf32>,
        %swap3A_247 = vector.shape_cast %swap3A_246 : vector<1x16xf32> to vector<16xf32>
        %swap3A_248 = vector.shape_cast %add3A_243 : vector<16xf32> to vector<1x16xf32>
        tpu.vector_store %arg14[%swap3A_244, %swap3A_245], %swap3A_248 {strides = array<i32>} : memref<40x32xf32, #tpu.memory_space<vmem>>, vector<1x16xf32>,
        %scan3A_249 = arith.constant 1 : i32
        %scan3A_250 = arith.addi %scan3A_218, %scan3A_249 : i32
        %get3A_251 = arith.index_cast %scan3A_250 : i32 to index
        %get3A_252 = arith.constant 0 : index
        %get3A_253 = tpu.vector_load %arg9[%get3A_251, %get3A_252] {strides = array<i32>} : memref<40x32xf32, #tpu.memory_space<vmem>>, vector<1x16xf32>,
        %get3A_254 = vector.shape_cast %get3A_253 : vector<1x16xf32> to vector<16xf32>
        %add3A_255 = arith.constant 40 : i32
        %add3A_256 = arith.addi %add3A_255, %scan3A_250 : i32
        %get3A_257 = arith.index_cast %add3A_256 : i32 to index
        %get3A_258 = arith.constant 0 : index
        %get3A_259 = tpu.vector_load %arg7[%get3A_257, %get3A_258] {strides = array<i32>} : memref<200x32xf32, #tpu.memory_space<vmem>>, vector<1x16xf32>,
        %get3A_260 = vector.shape_cast %get3A_259 : vector<1x16xf32> to vector<16xf32>
        %add3A_261 = arith.addf %get3A_254, %get3A_260 : vector<16xf32>
        %swap3A_262 = arith.index_cast %scan3A_250 : i32 to index
        %swap3A_263 = arith.constant 0 : index
        %swap3A_264 = tpu.vector_load %arg14[%swap3A_262, %swap3A_263] {strides = array<i32>} : memref<40x32xf32, #tpu.memory_space<vmem>>, vector<1x16xf32>,
        %swap3A_265 = vector.shape_cast %swap3A_264 : vector<1x16xf32> to vector<16xf32>
        %swap3A_266 = vector.shape_cast %add3A_261 : vector<16xf32> to vector<1x16xf32>
        tpu.vector_store %arg14[%swap3A_262, %swap3A_263], %swap3A_266 {strides = array<i32>} : memref<40x32xf32, #tpu.memory_space<vmem>>, vector<1x16xf32>,
        %get3A_267 = arith.index_cast %scan3A_250 : i32 to index
        %get3A_268 = arith.constant 16 : index
        %get3A_269 = tpu.vector_load %arg9[%get3A_267, %get3A_268] {strides = array<i32>} : memref<40x32xf32, #tpu.memory_space<vmem>>, vector<1x16xf32>,
        %get3A_270 = vector.shape_cast %get3A_269 : vector<1x16xf32> to vector<16xf32>
        %add3A_271 = arith.constant 40 : i32
        %add3A_272 = arith.addi %add3A_271, %scan3A_250 : i32
        %get3A_273 = arith.index_cast %add3A_272 : i32 to index
        %get3A_274 = arith.constant 16 : index
        %get3A_275 = tpu.vector_load %arg7[%get3A_273, %get3A_274] {strides = array<i32>} : memref<200x32xf32, #tpu.memory_space<vmem>>, vector<1x16xf32>,
        %get3A_276 = vector.shape_cast %get3A_275 : vector<1x16xf32> to vector<16xf32>
        %add3A_277 = arith.addf %get3A_270, %get3A_276 : vector<16xf32>
        %swap3A_278 = arith.index_cast %scan3A_250 : i32 to index
        %swap3A_279 = arith.constant 16 : index
        %swap3A_280 = tpu.vector_load %arg14[%swap3A_278, %swap3A_279] {strides = array<i32>} : memref<40x32xf32, #tpu.memory_space<vmem>>, vector<1x16xf32>,
        %swap3A_281 = vector.shape_cast %swap3A_280 : vector<1x16xf32> to vector<16xf32>
        %swap3A_282 = vector.shape_cast %add3A_277 : vector<16xf32> to vector<1x16xf32>
        tpu.vector_store %arg14[%swap3A_278, %swap3A_279], %swap3A_282 {strides = array<i32>} : memref<40x32xf32, #tpu.memory_space<vmem>>, vector<1x16xf32>,
        %scan3A_283 = arith.constant 2 : i32
        %scan3A_284 = arith.addi %scan3A_218, %scan3A_283 : i32
        %get3A_285 = arith.index_cast %scan3A_284 : i32 to index
        %get3A_286 = arith.constant 0 : index
        %get3A_287 = tpu.vector_load %arg9[%get3A_285, %get3A_286] {strides = array<i32>} : memref<40x32xf32, #tpu.memory_space<vmem>>, vector<1x16xf32>,
        %get3A_288 = vector.shape_cast %get3A_287 : vector<1x16xf32> to vector<16xf32>
        %add3A_289 = arith.constant 40 : i32
        %add3A_290 = arith.addi %add3A_289, %scan3A_284 : i32
        %get3A_291 = arith.index_cast %add3A_290 : i32 to index
        %get3A_292 = arith.constant 0 : index
        %get3A_293 = tpu.vector_load %arg7[%get3A_291, %get3A_292] {strides = array<i32>} : memref<200x32xf32, #tpu.memory_space<vmem>>, vector<1x16xf32>,
        %get3A_294 = vector.shape_cast %get3A_293 : vector<1x16xf32> to vector<16xf32>
        %add3A_295 = arith.addf %get3A_288, %get3A_294 : vector<16xf32>
        %swap3A_296 = arith.index_cast %scan3A_284 : i32 to index
        %swap3A_297 = arith.constant 0 : index
        %swap3A_298 = tpu.vector_load %arg14[%swap3A_296, %swap3A_297] {strides = array<i32>} : memref<40x32xf32, #tpu.memory_space<vmem>>, vector<1x16xf32>,
        %swap3A_299 = vector.shape_cast %swap3A_298 : vector<1x16xf32> to vector<16xf32>
        %swap3A_300 = vector.shape_cast %add3A_295 : vector<16xf32> to vector<1x16xf32>
        tpu.vector_store %arg14[%swap3A_296, %swap3A_297], %swap3A_300 {strides = array<i32>} : memref<40x32xf32, #tpu.memory_space<vmem>>, vector<1x16xf32>,
        %get3A_301 = arith.index_cast %scan3A_284 : i32 to index
        %get3A_302 = arith.constant 16 : index
        %get3A_303 = tpu.vector_load %arg9[%get3A_301, %get3A_302] {strides = array<i32>} : memref<40x32xf32, #tpu.memory_space<vmem>>, vector<1x16xf32>,
        %get3A_304 = vector.shape_cast %get3A_303 : vector<1x16xf32> to vector<16xf32>
        %add3A_305 = arith.constant 40 : i32
        %add3A_306 = arith.addi %add3A_305, %scan3A_284 : i32
        %get3A_307 = arith.index_cast %add3A_306 : i32 to index
        %get3A_308 = arith.constant 16 : index
        %get3A_309 = tpu.vector_load %arg7[%get3A_307, %get3A_308] {strides = array<i32>} : memref<200x32xf32, #tpu.memory_space<vmem>>, vector<1x16xf32>,
        %get3A_310 = vector.shape_cast %get3A_309 : vector<1x16xf32> to vector<16xf32>
        %add3A_311 = arith.addf %get3A_304, %get3A_310 : vector<16xf32>
        %swap3A_312 = arith.index_cast %scan3A_284 : i32 to index
        %swap3A_313 = arith.constant 16 : index
        %swap3A_314 = tpu.vector_load %arg14[%swap3A_312, %swap3A_313] {strides = array<i32>} : memref<40x32xf32, #tpu.memory_space<vmem>>, vector<1x16xf32>,
        %swap3A_315 = vector.shape_cast %swap3A_314 : vector<1x16xf32> to vector<16xf32>
        %swap3A_316 = vector.shape_cast %add3A_311 : vector<16xf32> to vector<1x16xf32>
        tpu.vector_store %arg14[%swap3A_312, %swap3A_313], %swap3A_316 {strides = array<i32>} : memref<40x32xf32, #tpu.memory_space<vmem>>, vector<1x16xf32>,
        %scan3A_317 = arith.constant 3 : i32
        %scan3A_318 = arith.addi %scan3A_218, %scan3A_317 : i32
        %get3A_319 = arith.index_cast %scan3A_318 : i32 to index
        %get3A_320 = arith.constant 0 : index
        %get3A_321 = tpu.vector_load %arg9[%get3A_319, %get3A_320] {strides = array<i32>} : memref<40x32xf32, #tpu.memory_space<vmem>>, vector<1x16xf32>,
        %get3A_322 = vector.shape_cast %get3A_321 : vector<1x16xf32> to vector<16xf32>
        %add3A_323 = arith.constant 40 : i32
        %add3A_324 = arith.addi %add3A_323, %scan3A_318 : i32
        %get3A_325 = arith.index_cast %add3A_324 : i32 to index
        %get3A_326 = arith.constant 0 : index
        %get3A_327 = tpu.vector_load %arg7[%get3A_325, %get3A_326] {strides = array<i32>} : memref<200x32xf32, #tpu.memory_space<vmem>>, vector<1x16xf32>,
        %get3A_328 = vector.shape_cast %get3A_327 : vector<1x16xf32> to vector<16xf32>
        %add3A_329 = arith.addf %get3A_322, %get3A_328 : vector<16xf32>
        %swap3A_330 = arith.index_cast %scan3A_318 : i32 to index
        %swap3A_331 = arith.constant 0 : index
        %swap3A_332 = tpu.vector_load %arg14[%swap3A_330, %swap3A_331] {strides = array<i32>} : memref<40x32xf32, #tpu.memory_space<vmem>>, vector<1x16xf32>,
        %swap3A_333 = vector.shape_cast %swap3A_332 : vector<1x16xf32> to vector<16xf32>
        %swap3A_334 = vector.shape_cast %add3A_329 : vector<16xf32> to vector<1x16xf32>
        tpu.vector_store %arg14[%swap3A_330, %swap3A_331], %swap3A_334 {strides = array<i32>} : memref<40x32xf32, #tpu.memory_space<vmem>>, vector<1x16xf32>,
        %get3A_335 = arith.index_cast %scan3A_318 : i32 to index
        %get3A_336 = arith.constant 16 : index
        %get3A_337 = tpu.vector_load %arg9[%get3A_335, %get3A_336] {strides = array<i32>} : memref<40x32xf32, #tpu.memory_space<vmem>>, vector<1x16xf32>,
        %get3A_338 = vector.shape_cast %get3A_337 : vector<1x16xf32> to vector<16xf32>
        %add3A_339 = arith.constant 40 : i32
        %add3A_340 = arith.addi %add3A_339, %scan3A_318 : i32
        %get3A_341 = arith.index_cast %add3A_340 : i32 to index
        %get3A_342 = arith.constant 16 : index
        %get3A_343 = tpu.vector_load %arg7[%get3A_341, %get3A_342] {strides = array<i32>} : memref<200x32xf32, #tpu.memory_space<vmem>>, vector<1x16xf32>,
        %get3A_344 = vector.shape_cast %get3A_343 : vector<1x16xf32> to vector<16xf32>
        %add3A_345 = arith.addf %get3A_338, %get3A_344 : vector<16xf32>
        %swap3A_346 = arith.index_cast %scan3A_318 : i32 to index
        %swap3A_347 = arith.constant 16 : index
        %swap3A_348 = tpu.vector_load %arg14[%swap3A_346, %swap3A_347] {strides = array<i32>} : memref<40x32xf32, #tpu.memory_space<vmem>>, vector<1x16xf32>,
        %swap3A_349 = vector.shape_cast %swap3A_348 : vector<1x16xf32> to vector<16xf32>
        %swap3A_350 = vector.shape_cast %add3A_345 : vector<16xf32> to vector<1x16xf32>
        tpu.vector_store %arg14[%swap3A_346, %swap3A_347], %swap3A_350 {strides = array<i32>} : memref<40x32xf32, #tpu.memory_space<vmem>>, vector<1x16xf32>,
        %scan3A_351 = arith.constant 4 : i32
        %scan3A_352 = arith.addi %scan3A_218, %scan3A_351 : i32
        %get3A_353 = arith.index_cast %scan3A_352 : i32 to index
        %get3A_354 = arith.constant 0 : index
        %get3A_355 = tpu.vector_load %arg9[%get3A_353, %get3A_354] {strides = array<i32>} : memref<40x32xf32, #tpu.memory_space<vmem>>, vector<1x16xf32>,
        %get3A_356 = vector.shape_cast %get3A_355 : vector<1x16xf32> to vector<16xf32>
        %add3A_357 = arith.constant 40 : i32
        %add3A_358 = arith.addi %add3A_357, %scan3A_352 : i32
        %get3A_359 = arith.index_cast %add3A_358 : i32 to index
        %get3A_360 = arith.constant 0 : index
        %get3A_361 = tpu.vector_load %arg7[%get3A_359, %get3A_360] {strides = array<i32>} : memref<200x32xf32, #tpu.memory_space<vmem>>, vector<1x16xf32>,
        %get3A_362 = vector.shape_cast %get3A_361 : vector<1x16xf32> to vector<16xf32>
        %add3A_363 = arith.addf %get3A_356, %get3A_362 : vector<16xf32>
        %swap3A_364 = arith.index_cast %scan3A_352 : i32 to index
        %swap3A_365 = arith.constant 0 : index
        %swap3A_366 = tpu.vector_load %arg14[%swap3A_364, %swap3A_365] {strides = array<i32>} : memref<40x32xf32, #tpu.memory_space<vmem>>, vector<1x16xf32>,
        %swap3A_367 = vector.shape_cast %swap3A_366 : vector<1x16xf32> to vector<16xf32>
        %swap3A_368 = vector.shape_cast %add3A_363 : vector<16xf32> to vector<1x16xf32>
        tpu.vector_store %arg14[%swap3A_364, %swap3A_365], %swap3A_368 {strides = array<i32>} : memref<40x32xf32, #tpu.memory_space<vmem>>, vector<1x16xf32>,
        %get3A_369 = arith.index_cast %scan3A_352 : i32 to index
        %get3A_370 = arith.constant 16 : index
        %get3A_371 = tpu.vector_load %arg9[%get3A_369, %get3A_370] {strides = array<i32>} : memref<40x32xf32, #tpu.memory_space<vmem>>, vector<1x16xf32>,
        %get3A_372 = vector.shape_cast %get3A_371 : vector<1x16xf32> to vector<16xf32>
        %add3A_373 = arith.constant 40 : i32
        %add3A_374 = arith.addi %add3A_373, %scan3A_352 : i32
        %get3A_375 = arith.index_cast %add3A_374 : i32 to index
        %get3A_376 = arith.constant 16 : index
        %get3A_377 = tpu.vector_load %arg7[%get3A_375, %get3A_376] {strides = array<i32>} : memref<200x32xf32, #tpu.memory_space<vmem>>, vector<1x16xf32>,
        %get3A_378 = vector.shape_cast %get3A_377 : vector<1x16xf32> to vector<16xf32>
        %add3A_379 = arith.addf %get3A_372, %get3A_378 : vector<16xf32>
        %swap3A_380 = arith.index_cast %scan3A_352 : i32 to index
        %swap3A_381 = arith.constant 16 : index
        %swap3A_382 = tpu.vector_load %arg14[%swap3A_380, %swap3A_381] {strides = array<i32>} : memref<40x32xf32, #tpu.memory_space<vmem>>, vector<1x16xf32>,
        %swap3A_383 = vector.shape_cast %swap3A_382 : vector<1x16xf32> to vector<16xf32>
        %swap3A_384 = vector.shape_cast %add3A_379 : vector<16xf32> to vector<1x16xf32>
        tpu.vector_store %arg14[%swap3A_380, %swap3A_381], %swap3A_384 {strides = array<i32>} : memref<40x32xf32, #tpu.memory_space<vmem>>, vector<1x16xf32>,
        %scan3A_385 = arith.constant 5 : i32
        %scan3A_386 = arith.addi %scan3A_218, %scan3A_385 : i32
        %get3A_387 = arith.index_cast %scan3A_386 : i32 to index
        %get3A_388 = arith.constant 0 : index
        %get3A_389 = tpu.vector_load %arg9[%get3A_387, %get3A_388] {strides = array<i32>} : memref<40x32xf32, #tpu.memory_space<vmem>>, vector<1x16xf32>,
        %get3A_390 = vector.shape_cast %get3A_389 : vector<1x16xf32> to vector<16xf32>
        %add3A_391 = arith.constant 40 : i32
        %add3A_392 = arith.addi %add3A_391, %scan3A_386 : i32
        %get3A_393 = arith.index_cast %add3A_392 : i32 to index
        %get3A_394 = arith.constant 0 : index
        %get3A_395 = tpu.vector_load %arg7[%get3A_393, %get3A_394] {strides = array<i32>} : memref<200x32xf32, #tpu.memory_space<vmem>>, vector<1x16xf32>,
        %get3A_396 = vector.shape_cast %get3A_395 : vector<1x16xf32> to vector<16xf32>
        %add3A_397 = arith.addf %get3A_390, %get3A_396 : vector<16xf32>
        %swap3A_398 = arith.index_cast %scan3A_386 : i32 to index
        %swap3A_399 = arith.constant 0 : index
        %swap3A_400 = tpu.vector_load %arg14[%swap3A_398, %swap3A_399] {strides = array<i32>} : memref<40x32xf32, #tpu.memory_space<vmem>>, vector<1x16xf32>,
        %swap3A_401 = vector.shape_cast %swap3A_400 : vector<1x16xf32> to vector<16xf32>
        %swap3A_402 = vector.shape_cast %add3A_397 : vector<16xf32> to vector<1x16xf32>
        tpu.vector_store %arg14[%swap3A_398, %swap3A_399], %swap3A_402 {strides = array<i32>} : memref<40x32xf32, #tpu.memory_space<vmem>>, vector<1x16xf32>,
        %get3A_403 = arith.index_cast %scan3A_386 : i32 to index
        %get3A_404 = arith.constant 16 : index
        %get3A_405 = tpu.vector_load %arg9[%get3A_403, %get3A_404] {strides = array<i32>} : memref<40x32xf32, #tpu.memory_space<vmem>>, vector<1x16xf32>,
        %get3A_406 = vector.shape_cast %get3A_405 : vector<1x16xf32> to vector<16xf32>
        %add3A_407 = arith.constant 40 : i32
        %add3A_408 = arith.addi %add3A_407, %scan3A_386 : i32
        %get3A_409 = arith.index_cast %add3A_408 : i32 to index
        %get3A_410 = arith.constant 16 : index
        %get3A_411 = tpu.vector_load %arg7[%get3A_409, %get3A_410] {strides = array<i32>} : memref<200x32xf32, #tpu.memory_space<vmem>>, vector<1x16xf32>,
        %get3A_412 = vector.shape_cast %get3A_411 : vector<1x16xf32> to vector<16xf32>
        %add3A_413 = arith.addf %get3A_406, %get3A_412 : vector<16xf32>
        %swap3A_414 = arith.index_cast %scan3A_386 : i32 to index
        %swap3A_415 = arith.constant 16 : index
        %swap3A_416 = tpu.vector_load %arg14[%swap3A_414, %swap3A_415] {strides = array<i32>} : memref<40x32xf32, #tpu.memory_space<vmem>>, vector<1x16xf32>,
        %swap3A_417 = vector.shape_cast %swap3A_416 : vector<1x16xf32> to vector<16xf32>
        %swap3A_418 = vector.shape_cast %add3A_413 : vector<16xf32> to vector<1x16xf32>
        tpu.vector_store %arg14[%swap3A_414, %swap3A_415], %swap3A_418 {strides = array<i32>} : memref<40x32xf32, #tpu.memory_space<vmem>>, vector<1x16xf32>,
        %scan3A_419 = arith.constant 6 : i32
        %scan3A_420 = arith.addi %scan3A_218, %scan3A_419 : i32
        %get3A_421 = arith.index_cast %scan3A_420 : i32 to index
        %get3A_422 = arith.constant 0 : index
        %get3A_423 = tpu.vector_load %arg9[%get3A_421, %get3A_422] {strides = array<i32>} : memref<40x32xf32, #tpu.memory_space<vmem>>, vector<1x16xf32>,
        %get3A_424 = vector.shape_cast %get3A_423 : vector<1x16xf32> to vector<16xf32>
        %add3A_425 = arith.constant 40 : i32
        %add3A_426 = arith.addi %add3A_425, %scan3A_420 : i32
        %get3A_427 = arith.index_cast %add3A_426 : i32 to index
        %get3A_428 = arith.constant 0 : index
        %get3A_429 = tpu.vector_load %arg7[%get3A_427, %get3A_428] {strides = array<i32>} : memref<200x32xf32, #tpu.memory_space<vmem>>, vector<1x16xf32>,
        %get3A_430 = vector.shape_cast %get3A_429 : vector<1x16xf32> to vector<16xf32>
        %add3A_431 = arith.addf %get3A_424, %get3A_430 : vector<16xf32>
        %swap3A_432 = arith.index_cast %scan3A_420 : i32 to index
        %swap3A_433 = arith.constant 0 : index
        %swap3A_434 = tpu.vector_load %arg14[%swap3A_432, %swap3A_433] {strides = array<i32>} : memref<40x32xf32, #tpu.memory_space<vmem>>, vector<1x16xf32>,
        %swap3A_435 = vector.shape_cast %swap3A_434 : vector<1x16xf32> to vector<16xf32>
        %swap3A_436 = vector.shape_cast %add3A_431 : vector<16xf32> to vector<1x16xf32>
        tpu.vector_store %arg14[%swap3A_432, %swap3A_433], %swap3A_436 {strides = array<i32>} : memref<40x32xf32, #tpu.memory_space<vmem>>, vector<1x16xf32>,
        %get3A_437 = arith.index_cast %scan3A_420 : i32 to index
        %get3A_438 = arith.constant 16 : index
        %get3A_439 = tpu.vector_load %arg9[%get3A_437, %get3A_438] {strides = array<i32>} : memref<40x32xf32, #tpu.memory_space<vmem>>, vector<1x16xf32>,
        %get3A_440 = vector.shape_cast %get3A_439 : vector<1x16xf32> to vector<16xf32>
        %add3A_441 = arith.constant 40 : i32
        %add3A_442 = arith.addi %add3A_441, %scan3A_420 : i32
        %get3A_443 = arith.index_cast %add3A_442 : i32 to index
        %get3A_444 = arith.constant 16 : index
        %get3A_445 = tpu.vector_load %arg7[%get3A_443, %get3A_444] {strides = array<i32>} : memref<200x32xf32, #tpu.memory_space<vmem>>, vector<1x16xf32>,
        %get3A_446 = vector.shape_cast %get3A_445 : vector<1x16xf32> to vector<16xf32>
        %add3A_447 = arith.addf %get3A_440, %get3A_446 : vector<16xf32>
        %swap3A_448 = arith.index_cast %scan3A_420 : i32 to index
        %swap3A_449 = arith.constant 16 : index
        %swap3A_450 = tpu.vector_load %arg14[%swap3A_448, %swap3A_449] {strides = array<i32>} : memref<40x32xf32, #tpu.memory_space<vmem>>, vector<1x16xf32>,
        %swap3A_451 = vector.shape_cast %swap3A_450 : vector<1x16xf32> to vector<16xf32>
        %swap3A_452 = vector.shape_cast %add3A_447 : vector<16xf32> to vector<1x16xf32>
        tpu.vector_store %arg14[%swap3A_448, %swap3A_449], %swap3A_452 {strides = array<i32>} : memref<40x32xf32, #tpu.memory_space<vmem>>, vector<1x16xf32>,
        %scan3A_453 = arith.constant 7 : i32
        %scan3A_454 = arith.addi %scan3A_218, %scan3A_453 : i32
        %get3A_455 = arith.index_cast %scan3A_454 : i32 to index
        %get3A_456 = arith.constant 0 : index
        %get3A_457 = tpu.vector_load %arg9[%get3A_455, %get3A_456] {strides = array<i32>} : memref<40x32xf32, #tpu.memory_space<vmem>>, vector<1x16xf32>,
        %get3A_458 = vector.shape_cast %get3A_457 : vector<1x16xf32> to vector<16xf32>
        %add3A_459 = arith.constant 40 : i32
        %add3A_460 = arith.addi %add3A_459, %scan3A_454 : i32
        %get3A_461 = arith.index_cast %add3A_460 : i32 to index
        %get3A_462 = arith.constant 0 : index
        %get3A_463 = tpu.vector_load %arg7[%get3A_461, %get3A_462] {strides = array<i32>} : memref<200x32xf32, #tpu.memory_space<vmem>>, vector<1x16xf32>,
        %get3A_464 = vector.shape_cast %get3A_463 : vector<1x16xf32> to vector<16xf32>
        %add3A_465 = arith.addf %get3A_458, %get3A_464 : vector<16xf32>
        %swap3A_466 = arith.index_cast %scan3A_454 : i32 to index
        %swap3A_467 = arith.constant 0 : index
        %swap3A_468 = tpu.vector_load %arg14[%swap3A_466, %swap3A_467] {strides = array<i32>} : memref<40x32xf32, #tpu.memory_space<vmem>>, vector<1x16xf32>,
        %swap3A_469 = vector.shape_cast %swap3A_468 : vector<1x16xf32> to vector<16xf32>
        %swap3A_470 = vector.shape_cast %add3A_465 : vector<16xf32> to vector<1x16xf32>
        tpu.vector_store %arg14[%swap3A_466, %swap3A_467], %swap3A_470 {strides = array<i32>} : memref<40x32xf32, #tpu.memory_space<vmem>>, vector<1x16xf32>,
        %get3A_471 = arith.index_cast %scan3A_454 : i32 to index
        %get3A_472 = arith.constant 16 : index
        %get3A_473 = tpu.vector_load %arg9[%get3A_471, %get3A_472] {strides = array<i32>} : memref<40x32xf32, #tpu.memory_space<vmem>>, vector<1x16xf32>,
        %get3A_474 = vector.shape_cast %get3A_473 : vector<1x16xf32> to vector<16xf32>
        %add3A_475 = arith.constant 40 : i32
        %add3A_476 = arith.addi %add3A_475, %scan3A_454 : i32
        %get3A_477 = arith.index_cast %add3A_476 : i32 to index
        %get3A_478 = arith.constant 16 : index
        %get3A_479 = tpu.vector_load %arg7[%get3A_477, %get3A_478] {strides = array<i32>} : memref<200x32xf32, #tpu.memory_space<vmem>>, vector<1x16xf32>,
        %get3A_480 = vector.shape_cast %get3A_479 : vector<1x16xf32> to vector<16xf32>
        %add3A_481 = arith.addf %get3A_474, %get3A_480 : vector<16xf32>
        %swap3A_482 = arith.index_cast %scan3A_454 : i32 to index
        %swap3A_483 = arith.constant 16 : index
        %swap3A_484 = tpu.vector_load %arg14[%swap3A_482, %swap3A_483] {strides = array<i32>} : memref<40x32xf32, #tpu.memory_space<vmem>>, vector<1x16xf32>,
        %swap3A_485 = vector.shape_cast %swap3A_484 : vector<1x16xf32> to vector<16xf32>
        %swap3A_486 = vector.shape_cast %add3A_481 : vector<16xf32> to vector<1x16xf32>
        tpu.vector_store %arg14[%swap3A_482, %swap3A_483], %swap3A_486 {strides = array<i32>} : memref<40x32xf32, #tpu.memory_space<vmem>>, vector<1x16xf32>,
      }
      %scan3A_96 = arith.constant 40 : i32
      %gt3A_97 = arith.constant 0 : i32
      %gt3A_98 = arith.cmpi sgt, %scan3A_51, %gt3A_97 : i32
      %convert_element_type3A_99 = arith.extui %gt3A_98 : i1 to i32
      %cond3A_100 = arith.constant 0 : i32
      %cond3A_101 = arith.cmpi ne, %convert_element_type3A_99, %cond3A_100 : i32
      scf.if %cond3A_101 {
        %dma_wait3A_218 = arith.constant 0 : i32
        %dma_wait3A_219 = tpu.memref_slice %arg5[%mul3A_2, %dma_wait3A_218] : memref<819200x32xf32, #tpu.memory_space<hbm>> -> memref<40x32xf32, #tpu.memory_space<hbm>>
        %dma_wait3A_220 = arith.constant 0 : i32
        %dma_wait3A_221 = tpu.memref_slice %arg5[%mul3A_2, %dma_wait3A_220] : memref<819200x32xf32, #tpu.memory_space<hbm>> -> memref<40x32xf32, #tpu.memory_space<hbm>>
        tpu.wait_dma2 semaphore(%arg24 : memref<!tpu.dma_semaphore, #tpu.memory_space<semaphore_mem>>) src(%arg14 : memref<40x32xf32, #tpu.memory_space<vmem>>) dst(%dma_wait3A_221 : memref<40x32xf32, #tpu.memory_space<hbm>>)
      } else {
      }
      %mul3A_102 = arith.constant 40 : i32
      %mul3A_103 = arith.muli %add3A_85, %mul3A_102 : i32
      %add3A_104 = arith.addi %mul3A_2, %mul3A_103 : i32
      %dma_start3A_105 = arith.constant 0 : i32
      %dma_start3A_106 = tpu.memref_slice %arg5[%add3A_104, %dma_start3A_105] : memref<819200x32xf32, #tpu.memory_space<hbm>> -> memref<40x32xf32, #tpu.memory_space<hbm>>
      %dma_start3A_107 = arith.constant 0 : i32
      %dma_start3A_108 = tpu.memref_slice %arg5[%add3A_104, %dma_start3A_107] : memref<819200x32xf32, #tpu.memory_space<hbm>> -> memref<40x32xf32, #tpu.memory_space<hbm>>
      tpu.enqueue_dma source(%arg14 : memref<40x32xf32, #tpu.memory_space<vmem>>) target(%dma_start3A_108 : memref<40x32xf32, #tpu.memory_space<hbm>>) target_semaphore(%arg24 : memref<!tpu.dma_semaphore, #tpu.memory_space<semaphore_mem>>)
      %add3A_109 = arith.constant 1 : i32
      %add3A_110 = arith.addi %scan3A_51, %add3A_109 : i32
      %lt3A_111 = arith.constant 128 : i32
      %lt3A_112 = arith.cmpi slt, %add3A_110, %lt3A_111 : i32
      %convert_element_type3A_113 = arith.extui %lt3A_112 : i1 to i32
      %cond3A_114 = arith.constant 0 : i32
      %cond3A_115 = arith.cmpi ne, %convert_element_type3A_113, %cond3A_114 : i32
      scf.if %cond3A_115 {
        %add3A_218 = arith.constant 5 : i32
        %add3A_219 = arith.addi %add3A_85, %add3A_218 : i32
        %mul3A_220 = arith.constant 40 : i32
        %mul3A_221 = arith.muli %add3A_219, %mul3A_220 : i32
        %dma_start3A_222 = tpu.memref_slice %arg6[%mul3A_221] : memref<25600xi32, #tpu.memory_space<vmem>> -> memref<40xi32, #tpu.memory_space<vmem>>
        %dma_start3A_223 = arith.constant 0 : i32
        %dma_start3A_224 = arith.constant 0 : i32
        %dma_start3A_225 = tpu.memref_slice %arg3[%dma_start3A_223, %dma_start3A_224] : memref<1000000x32xf32, #tpu.memory_space<hbm>> -> memref<1000000x32xf32, #tpu.memory_space<hbm>>
        tpu.enqueue_indirect_dma source(%dma_start3A_225 : memref<1000000x32xf32, #tpu.memory_space<hbm>>) target(%arg9 : memref<40x32xf32, #tpu.memory_space<vmem>>) offsets(%dma_start3A_222 : memref<40xi32, #tpu.memory_space<vmem>>) semaphore(%arg19 : memref<!tpu.dma_semaphore, #tpu.memory_space<semaphore_mem>>)
      } else {
      }
      %mul3A_116 = arith.constant 5 : i32
      %mul3A_117 = arith.muli %scan3A_51, %mul3A_116 : i32
      %add3A_118 = arith.constant 2 : i32
      %add3A_119 = arith.addi %mul3A_117, %add3A_118 : i32
      %dma_wait3A_120 = arith.constant 0 : i32
      %dma_wait3A_121 = tpu.memref_slice %arg6[%dma_wait3A_120] : memref<25600xi32, #tpu.memory_space<vmem>> -> memref<40xi32, #tpu.memory_space<vmem>>
      %dma_wait3A_122 = arith.constant 0 : i32
      %dma_wait3A_123 = arith.constant 0 : i32
      %dma_wait3A_124 = tpu.memref_slice %arg3[%dma_wait3A_122, %dma_wait3A_123] : memref<1000000x32xf32, #tpu.memory_space<hbm>> -> memref<1000000x32xf32, #tpu.memory_space<hbm>>
      tpu.wait_indirect_dma semaphore(%arg20 : memref<!tpu.dma_semaphore, #tpu.memory_space<semaphore_mem>>) src(%dma_wait3A_124 : memref<1000000x32xf32, #tpu.memory_space<hbm>>) dst(%arg10 : memref<40x32xf32, #tpu.memory_space<vmem>>)
      %scan3A_125 = arith.constant 0 : i32
      %scan3A_126 = arith.constant 0 : i32
      %scan3A_127 = arith.constant 40 : i32
      %scan3A_128 = arith.addi %scan3A_126, %scan3A_127 : i32
      %scan3A_129 = arith.constant 8 : i32
      scf.for %scan3A_218 = %scan3A_126 to %scan3A_128 step %scan3A_129  : i32 {
        %get3A = arith.index_cast %scan3A_218 : i32 to index
        %get3A_219 = arith.constant 0 : index
        %get3A_220 = tpu.vector_load %arg10[%get3A, %get3A_219] {strides = array<i32>} : memref<40x32xf32, #tpu.memory_space<vmem>>, vector<1x16xf32>,
        %get3A_221 = vector.shape_cast %get3A_220 : vector<1x16xf32> to vector<16xf32>
        %add3A_222 = arith.constant 80 : i32
        %add3A_223 = arith.addi %add3A_222, %scan3A_218 : i32
        %get3A_224 = arith.index_cast %add3A_223 : i32 to index
        %get3A_225 = arith.constant 0 : index
        %get3A_226 = tpu.vector_load %arg7[%get3A_224, %get3A_225] {strides = array<i32>} : memref<200x32xf32, #tpu.memory_space<vmem>>, vector<1x16xf32>,
        %get3A_227 = vector.shape_cast %get3A_226 : vector<1x16xf32> to vector<16xf32>
        %add3A_228 = arith.addf %get3A_221, %get3A_227 : vector<16xf32>
        %swap3A = arith.index_cast %scan3A_218 : i32 to index
        %swap3A_229 = arith.constant 0 : index
        %swap3A_230 = tpu.vector_load %arg15[%swap3A, %swap3A_229] {strides = array<i32>} : memref<40x32xf32, #tpu.memory_space<vmem>>, vector<1x16xf32>,
        %swap3A_231 = vector.shape_cast %swap3A_230 : vector<1x16xf32> to vector<16xf32>
        %swap3A_232 = vector.shape_cast %add3A_228 : vector<16xf32> to vector<1x16xf32>
        tpu.vector_store %arg15[%swap3A, %swap3A_229], %swap3A_232 {strides = array<i32>} : memref<40x32xf32, #tpu.memory_space<vmem>>, vector<1x16xf32>,
        %get3A_233 = arith.index_cast %scan3A_218 : i32 to index
        %get3A_234 = arith.constant 16 : index
        %get3A_235 = tpu.vector_load %arg10[%get3A_233, %get3A_234] {strides = array<i32>} : memref<40x32xf32, #tpu.memory_space<vmem>>, vector<1x16xf32>,
        %get3A_236 = vector.shape_cast %get3A_235 : vector<1x16xf32> to vector<16xf32>
        %add3A_237 = arith.constant 80 : i32
        %add3A_238 = arith.addi %add3A_237, %scan3A_218 : i32
        %get3A_239 = arith.index_cast %add3A_238 : i32 to index
        %get3A_240 = arith.constant 16 : index
        %get3A_241 = tpu.vector_load %arg7[%get3A_239, %get3A_240] {strides = array<i32>} : memref<200x32xf32, #tpu.memory_space<vmem>>, vector<1x16xf32>,
        %get3A_242 = vector.shape_cast %get3A_241 : vector<1x16xf32> to vector<16xf32>
        %add3A_243 = arith.addf %get3A_236, %get3A_242 : vector<16xf32>
        %swap3A_244 = arith.index_cast %scan3A_218 : i32 to index
        %swap3A_245 = arith.constant 16 : index
        %swap3A_246 = tpu.vector_load %arg15[%swap3A_244, %swap3A_245] {strides = array<i32>} : memref<40x32xf32, #tpu.memory_space<vmem>>, vector<1x16xf32>,
        %swap3A_247 = vector.shape_cast %swap3A_246 : vector<1x16xf32> to vector<16xf32>
        %swap3A_248 = vector.shape_cast %add3A_243 : vector<16xf32> to vector<1x16xf32>
        tpu.vector_store %arg15[%swap3A_244, %swap3A_245], %swap3A_248 {strides = array<i32>} : memref<40x32xf32, #tpu.memory_space<vmem>>, vector<1x16xf32>,
        %scan3A_249 = arith.constant 1 : i32
        %scan3A_250 = arith.addi %scan3A_218, %scan3A_249 : i32
        %get3A_251 = arith.index_cast %scan3A_250 : i32 to index
        %get3A_252 = arith.constant 0 : index
        %get3A_253 = tpu.vector_load %arg10[%get3A_251, %get3A_252] {strides = array<i32>} : memref<40x32xf32, #tpu.memory_space<vmem>>, vector<1x16xf32>,
        %get3A_254 = vector.shape_cast %get3A_253 : vector<1x16xf32> to vector<16xf32>
        %add3A_255 = arith.constant 80 : i32
        %add3A_256 = arith.addi %add3A_255, %scan3A_250 : i32
        %get3A_257 = arith.index_cast %add3A_256 : i32 to index
        %get3A_258 = arith.constant 0 : index
        %get3A_259 = tpu.vector_load %arg7[%get3A_257, %get3A_258] {strides = array<i32>} : memref<200x32xf32, #tpu.memory_space<vmem>>, vector<1x16xf32>,
        %get3A_260 = vector.shape_cast %get3A_259 : vector<1x16xf32> to vector<16xf32>
        %add3A_261 = arith.addf %get3A_254, %get3A_260 : vector<16xf32>
        %swap3A_262 = arith.index_cast %scan3A_250 : i32 to index
        %swap3A_263 = arith.constant 0 : index
        %swap3A_264 = tpu.vector_load %arg15[%swap3A_262, %swap3A_263] {strides = array<i32>} : memref<40x32xf32, #tpu.memory_space<vmem>>, vector<1x16xf32>,
        %swap3A_265 = vector.shape_cast %swap3A_264 : vector<1x16xf32> to vector<16xf32>
        %swap3A_266 = vector.shape_cast %add3A_261 : vector<16xf32> to vector<1x16xf32>
        tpu.vector_store %arg15[%swap3A_262, %swap3A_263], %swap3A_266 {strides = array<i32>} : memref<40x32xf32, #tpu.memory_space<vmem>>, vector<1x16xf32>,
        %get3A_267 = arith.index_cast %scan3A_250 : i32 to index
        %get3A_268 = arith.constant 16 : index
        %get3A_269 = tpu.vector_load %arg10[%get3A_267, %get3A_268] {strides = array<i32>} : memref<40x32xf32, #tpu.memory_space<vmem>>, vector<1x16xf32>,
        %get3A_270 = vector.shape_cast %get3A_269 : vector<1x16xf32> to vector<16xf32>
        %add3A_271 = arith.constant 80 : i32
        %add3A_272 = arith.addi %add3A_271, %scan3A_250 : i32
        %get3A_273 = arith.index_cast %add3A_272 : i32 to index
        %get3A_274 = arith.constant 16 : index
        %get3A_275 = tpu.vector_load %arg7[%get3A_273, %get3A_274] {strides = array<i32>} : memref<200x32xf32, #tpu.memory_space<vmem>>, vector<1x16xf32>,
        %get3A_276 = vector.shape_cast %get3A_275 : vector<1x16xf32> to vector<16xf32>
        %add3A_277 = arith.addf %get3A_270, %get3A_276 : vector<16xf32>
        %swap3A_278 = arith.index_cast %scan3A_250 : i32 to index
        %swap3A_279 = arith.constant 16 : index
        %swap3A_280 = tpu.vector_load %arg15[%swap3A_278, %swap3A_279] {strides = array<i32>} : memref<40x32xf32, #tpu.memory_space<vmem>>, vector<1x16xf32>,
        %swap3A_281 = vector.shape_cast %swap3A_280 : vector<1x16xf32> to vector<16xf32>
        %swap3A_282 = vector.shape_cast %add3A_277 : vector<16xf32> to vector<1x16xf32>
        tpu.vector_store %arg15[%swap3A_278, %swap3A_279], %swap3A_282 {strides = array<i32>} : memref<40x32xf32, #tpu.memory_space<vmem>>, vector<1x16xf32>,
        %scan3A_283 = arith.constant 2 : i32
        %scan3A_284 = arith.addi %scan3A_218, %scan3A_283 : i32
        %get3A_285 = arith.index_cast %scan3A_284 : i32 to index
        %get3A_286 = arith.constant 0 : index
        %get3A_287 = tpu.vector_load %arg10[%get3A_285, %get3A_286] {strides = array<i32>} : memref<40x32xf32, #tpu.memory_space<vmem>>, vector<1x16xf32>,
        %get3A_288 = vector.shape_cast %get3A_287 : vector<1x16xf32> to vector<16xf32>
        %add3A_289 = arith.constant 80 : i32
        %add3A_290 = arith.addi %add3A_289, %scan3A_284 : i32
        %get3A_291 = arith.index_cast %add3A_290 : i32 to index
        %get3A_292 = arith.constant 0 : index
        %get3A_293 = tpu.vector_load %arg7[%get3A_291, %get3A_292] {strides = array<i32>} : memref<200x32xf32, #tpu.memory_space<vmem>>, vector<1x16xf32>,
        %get3A_294 = vector.shape_cast %get3A_293 : vector<1x16xf32> to vector<16xf32>
        %add3A_295 = arith.addf %get3A_288, %get3A_294 : vector<16xf32>
        %swap3A_296 = arith.index_cast %scan3A_284 : i32 to index
        %swap3A_297 = arith.constant 0 : index
        %swap3A_298 = tpu.vector_load %arg15[%swap3A_296, %swap3A_297] {strides = array<i32>} : memref<40x32xf32, #tpu.memory_space<vmem>>, vector<1x16xf32>,
        %swap3A_299 = vector.shape_cast %swap3A_298 : vector<1x16xf32> to vector<16xf32>
        %swap3A_300 = vector.shape_cast %add3A_295 : vector<16xf32> to vector<1x16xf32>
        tpu.vector_store %arg15[%swap3A_296, %swap3A_297], %swap3A_300 {strides = array<i32>} : memref<40x32xf32, #tpu.memory_space<vmem>>, vector<1x16xf32>,
        %get3A_301 = arith.index_cast %scan3A_284 : i32 to index
        %get3A_302 = arith.constant 16 : index
        %get3A_303 = tpu.vector_load %arg10[%get3A_301, %get3A_302] {strides = array<i32>} : memref<40x32xf32, #tpu.memory_space<vmem>>, vector<1x16xf32>,
        %get3A_304 = vector.shape_cast %get3A_303 : vector<1x16xf32> to vector<16xf32>
        %add3A_305 = arith.constant 80 : i32
        %add3A_306 = arith.addi %add3A_305, %scan3A_284 : i32
        %get3A_307 = arith.index_cast %add3A_306 : i32 to index
        %get3A_308 = arith.constant 16 : index
        %get3A_309 = tpu.vector_load %arg7[%get3A_307, %get3A_308] {strides = array<i32>} : memref<200x32xf32, #tpu.memory_space<vmem>>, vector<1x16xf32>,
        %get3A_310 = vector.shape_cast %get3A_309 : vector<1x16xf32> to vector<16xf32>
        %add3A_311 = arith.addf %get3A_304, %get3A_310 : vector<16xf32>
        %swap3A_312 = arith.index_cast %scan3A_284 : i32 to index
        %swap3A_313 = arith.constant 16 : index
        %swap3A_314 = tpu.vector_load %arg15[%swap3A_312, %swap3A_313] {strides = array<i32>} : memref<40x32xf32, #tpu.memory_space<vmem>>, vector<1x16xf32>,
        %swap3A_315 = vector.shape_cast %swap3A_314 : vector<1x16xf32> to vector<16xf32>
        %swap3A_316 = vector.shape_cast %add3A_311 : vector<16xf32> to vector<1x16xf32>
        tpu.vector_store %arg15[%swap3A_312, %swap3A_313], %swap3A_316 {strides = array<i32>} : memref<40x32xf32, #tpu.memory_space<vmem>>, vector<1x16xf32>,
        %scan3A_317 = arith.constant 3 : i32
        %scan3A_318 = arith.addi %scan3A_218, %scan3A_317 : i32
        %get3A_319 = arith.index_cast %scan3A_318 : i32 to index
        %get3A_320 = arith.constant 0 : index
        %get3A_321 = tpu.vector_load %arg10[%get3A_319, %get3A_320] {strides = array<i32>} : memref<40x32xf32, #tpu.memory_space<vmem>>, vector<1x16xf32>,
        %get3A_322 = vector.shape_cast %get3A_321 : vector<1x16xf32> to vector<16xf32>
        %add3A_323 = arith.constant 80 : i32
        %add3A_324 = arith.addi %add3A_323, %scan3A_318 : i32
        %get3A_325 = arith.index_cast %add3A_324 : i32 to index
        %get3A_326 = arith.constant 0 : index
        %get3A_327 = tpu.vector_load %arg7[%get3A_325, %get3A_326] {strides = array<i32>} : memref<200x32xf32, #tpu.memory_space<vmem>>, vector<1x16xf32>,
        %get3A_328 = vector.shape_cast %get3A_327 : vector<1x16xf32> to vector<16xf32>
        %add3A_329 = arith.addf %get3A_322, %get3A_328 : vector<16xf32>
        %swap3A_330 = arith.index_cast %scan3A_318 : i32 to index
        %swap3A_331 = arith.constant 0 : index
        %swap3A_332 = tpu.vector_load %arg15[%swap3A_330, %swap3A_331] {strides = array<i32>} : memref<40x32xf32, #tpu.memory_space<vmem>>, vector<1x16xf32>,
        %swap3A_333 = vector.shape_cast %swap3A_332 : vector<1x16xf32> to vector<16xf32>
        %swap3A_334 = vector.shape_cast %add3A_329 : vector<16xf32> to vector<1x16xf32>
        tpu.vector_store %arg15[%swap3A_330, %swap3A_331], %swap3A_334 {strides = array<i32>} : memref<40x32xf32, #tpu.memory_space<vmem>>, vector<1x16xf32>,
        %get3A_335 = arith.index_cast %scan3A_318 : i32 to index
        %get3A_336 = arith.constant 16 : index
        %get3A_337 = tpu.vector_load %arg10[%get3A_335, %get3A_336] {strides = array<i32>} : memref<40x32xf32, #tpu.memory_space<vmem>>, vector<1x16xf32>,
        %get3A_338 = vector.shape_cast %get3A_337 : vector<1x16xf32> to vector<16xf32>
        %add3A_339 = arith.constant 80 : i32
        %add3A_340 = arith.addi %add3A_339, %scan3A_318 : i32
        %get3A_341 = arith.index_cast %add3A_340 : i32 to index
        %get3A_342 = arith.constant 16 : index
        %get3A_343 = tpu.vector_load %arg7[%get3A_341, %get3A_342] {strides = array<i32>} : memref<200x32xf32, #tpu.memory_space<vmem>>, vector<1x16xf32>,
        %get3A_344 = vector.shape_cast %get3A_343 : vector<1x16xf32> to vector<16xf32>
        %add3A_345 = arith.addf %get3A_338, %get3A_344 : vector<16xf32>
        %swap3A_346 = arith.index_cast %scan3A_318 : i32 to index
        %swap3A_347 = arith.constant 16 : index
        %swap3A_348 = tpu.vector_load %arg15[%swap3A_346, %swap3A_347] {strides = array<i32>} : memref<40x32xf32, #tpu.memory_space<vmem>>, vector<1x16xf32>,
        %swap3A_349 = vector.shape_cast %swap3A_348 : vector<1x16xf32> to vector<16xf32>
        %swap3A_350 = vector.shape_cast %add3A_345 : vector<16xf32> to vector<1x16xf32>
        tpu.vector_store %arg15[%swap3A_346, %swap3A_347], %swap3A_350 {strides = array<i32>} : memref<40x32xf32, #tpu.memory_space<vmem>>, vector<1x16xf32>,
        %scan3A_351 = arith.constant 4 : i32
        %scan3A_352 = arith.addi %scan3A_218, %scan3A_351 : i32
        %get3A_353 = arith.index_cast %scan3A_352 : i32 to index
        %get3A_354 = arith.constant 0 : index
        %get3A_355 = tpu.vector_load %arg10[%get3A_353, %get3A_354] {strides = array<i32>} : memref<40x32xf32, #tpu.memory_space<vmem>>, vector<1x16xf32>,
        %get3A_356 = vector.shape_cast %get3A_355 : vector<1x16xf32> to vector<16xf32>
        %add3A_357 = arith.constant 80 : i32
        %add3A_358 = arith.addi %add3A_357, %scan3A_352 : i32
        %get3A_359 = arith.index_cast %add3A_358 : i32 to index
        %get3A_360 = arith.constant 0 : index
        %get3A_361 = tpu.vector_load %arg7[%get3A_359, %get3A_360] {strides = array<i32>} : memref<200x32xf32, #tpu.memory_space<vmem>>, vector<1x16xf32>,
        %get3A_362 = vector.shape_cast %get3A_361 : vector<1x16xf32> to vector<16xf32>
        %add3A_363 = arith.addf %get3A_356, %get3A_362 : vector<16xf32>
        %swap3A_364 = arith.index_cast %scan3A_352 : i32 to index
        %swap3A_365 = arith.constant 0 : index
        %swap3A_366 = tpu.vector_load %arg15[%swap3A_364, %swap3A_365] {strides = array<i32>} : memref<40x32xf32, #tpu.memory_space<vmem>>, vector<1x16xf32>,
        %swap3A_367 = vector.shape_cast %swap3A_366 : vector<1x16xf32> to vector<16xf32>
        %swap3A_368 = vector.shape_cast %add3A_363 : vector<16xf32> to vector<1x16xf32>
        tpu.vector_store %arg15[%swap3A_364, %swap3A_365], %swap3A_368 {strides = array<i32>} : memref<40x32xf32, #tpu.memory_space<vmem>>, vector<1x16xf32>,
        %get3A_369 = arith.index_cast %scan3A_352 : i32 to index
        %get3A_370 = arith.constant 16 : index
        %get3A_371 = tpu.vector_load %arg10[%get3A_369, %get3A_370] {strides = array<i32>} : memref<40x32xf32, #tpu.memory_space<vmem>>, vector<1x16xf32>,
        %get3A_372 = vector.shape_cast %get3A_371 : vector<1x16xf32> to vector<16xf32>
        %add3A_373 = arith.constant 80 : i32
        %add3A_374 = arith.addi %add3A_373, %scan3A_352 : i32
        %get3A_375 = arith.index_cast %add3A_374 : i32 to index
        %get3A_376 = arith.constant 16 : index
        %get3A_377 = tpu.vector_load %arg7[%get3A_375, %get3A_376] {strides = array<i32>} : memref<200x32xf32, #tpu.memory_space<vmem>>, vector<1x16xf32>,
        %get3A_378 = vector.shape_cast %get3A_377 : vector<1x16xf32> to vector<16xf32>
        %add3A_379 = arith.addf %get3A_372, %get3A_378 : vector<16xf32>
        %swap3A_380 = arith.index_cast %scan3A_352 : i32 to index
        %swap3A_381 = arith.constant 16 : index
        %swap3A_382 = tpu.vector_load %arg15[%swap3A_380, %swap3A_381] {strides = array<i32>} : memref<40x32xf32, #tpu.memory_space<vmem>>, vector<1x16xf32>,
        %swap3A_383 = vector.shape_cast %swap3A_382 : vector<1x16xf32> to vector<16xf32>
        %swap3A_384 = vector.shape_cast %add3A_379 : vector<16xf32> to vector<1x16xf32>
        tpu.vector_store %arg15[%swap3A_380, %swap3A_381], %swap3A_384 {strides = array<i32>} : memref<40x32xf32, #tpu.memory_space<vmem>>, vector<1x16xf32>,
        %scan3A_385 = arith.constant 5 : i32
        %scan3A_386 = arith.addi %scan3A_218, %scan3A_385 : i32
        %get3A_387 = arith.index_cast %scan3A_386 : i32 to index
        %get3A_388 = arith.constant 0 : index
        %get3A_389 = tpu.vector_load %arg10[%get3A_387, %get3A_388] {strides = array<i32>} : memref<40x32xf32, #tpu.memory_space<vmem>>, vector<1x16xf32>,
        %get3A_390 = vector.shape_cast %get3A_389 : vector<1x16xf32> to vector<16xf32>
        %add3A_391 = arith.constant 80 : i32
        %add3A_392 = arith.addi %add3A_391, %scan3A_386 : i32
        %get3A_393 = arith.index_cast %add3A_392 : i32 to index
        %get3A_394 = arith.constant 0 : index
        %get3A_395 = tpu.vector_load %arg7[%get3A_393, %get3A_394] {strides = array<i32>} : memref<200x32xf32, #tpu.memory_space<vmem>>, vector<1x16xf32>,
        %get3A_396 = vector.shape_cast %get3A_395 : vector<1x16xf32> to vector<16xf32>
        %add3A_397 = arith.addf %get3A_390, %get3A_396 : vector<16xf32>
        %swap3A_398 = arith.index_cast %scan3A_386 : i32 to index
        %swap3A_399 = arith.constant 0 : index
        %swap3A_400 = tpu.vector_load %arg15[%swap3A_398, %swap3A_399] {strides = array<i32>} : memref<40x32xf32, #tpu.memory_space<vmem>>, vector<1x16xf32>,
        %swap3A_401 = vector.shape_cast %swap3A_400 : vector<1x16xf32> to vector<16xf32>
        %swap3A_402 = vector.shape_cast %add3A_397 : vector<16xf32> to vector<1x16xf32>
        tpu.vector_store %arg15[%swap3A_398, %swap3A_399], %swap3A_402 {strides = array<i32>} : memref<40x32xf32, #tpu.memory_space<vmem>>, vector<1x16xf32>,
        %get3A_403 = arith.index_cast %scan3A_386 : i32 to index
        %get3A_404 = arith.constant 16 : index
        %get3A_405 = tpu.vector_load %arg10[%get3A_403, %get3A_404] {strides = array<i32>} : memref<40x32xf32, #tpu.memory_space<vmem>>, vector<1x16xf32>,
        %get3A_406 = vector.shape_cast %get3A_405 : vector<1x16xf32> to vector<16xf32>
        %add3A_407 = arith.constant 80 : i32
        %add3A_408 = arith.addi %add3A_407, %scan3A_386 : i32
        %get3A_409 = arith.index_cast %add3A_408 : i32 to index
        %get3A_410 = arith.constant 16 : index
        %get3A_411 = tpu.vector_load %arg7[%get3A_409, %get3A_410] {strides = array<i32>} : memref<200x32xf32, #tpu.memory_space<vmem>>, vector<1x16xf32>,
        %get3A_412 = vector.shape_cast %get3A_411 : vector<1x16xf32> to vector<16xf32>
        %add3A_413 = arith.addf %get3A_406, %get3A_412 : vector<16xf32>
        %swap3A_414 = arith.index_cast %scan3A_386 : i32 to index
        %swap3A_415 = arith.constant 16 : index
        %swap3A_416 = tpu.vector_load %arg15[%swap3A_414, %swap3A_415] {strides = array<i32>} : memref<40x32xf32, #tpu.memory_space<vmem>>, vector<1x16xf32>,
        %swap3A_417 = vector.shape_cast %swap3A_416 : vector<1x16xf32> to vector<16xf32>
        %swap3A_418 = vector.shape_cast %add3A_413 : vector<16xf32> to vector<1x16xf32>
        tpu.vector_store %arg15[%swap3A_414, %swap3A_415], %swap3A_418 {strides = array<i32>} : memref<40x32xf32, #tpu.memory_space<vmem>>, vector<1x16xf32>,
        %scan3A_419 = arith.constant 6 : i32
        %scan3A_420 = arith.addi %scan3A_218, %scan3A_419 : i32
        %get3A_421 = arith.index_cast %scan3A_420 : i32 to index
        %get3A_422 = arith.constant 0 : index
        %get3A_423 = tpu.vector_load %arg10[%get3A_421, %get3A_422] {strides = array<i32>} : memref<40x32xf32, #tpu.memory_space<vmem>>, vector<1x16xf32>,
        %get3A_424 = vector.shape_cast %get3A_423 : vector<1x16xf32> to vector<16xf32>
        %add3A_425 = arith.constant 80 : i32
        %add3A_426 = arith.addi %add3A_425, %scan3A_420 : i32
        %get3A_427 = arith.index_cast %add3A_426 : i32 to index
        %get3A_428 = arith.constant 0 : index
        %get3A_429 = tpu.vector_load %arg7[%get3A_427, %get3A_428] {strides = array<i32>} : memref<200x32xf32, #tpu.memory_space<vmem>>, vector<1x16xf32>,
        %get3A_430 = vector.shape_cast %get3A_429 : vector<1x16xf32> to vector<16xf32>
        %add3A_431 = arith.addf %get3A_424, %get3A_430 : vector<16xf32>
        %swap3A_432 = arith.index_cast %scan3A_420 : i32 to index
        %swap3A_433 = arith.constant 0 : index
        %swap3A_434 = tpu.vector_load %arg15[%swap3A_432, %swap3A_433] {strides = array<i32>} : memref<40x32xf32, #tpu.memory_space<vmem>>, vector<1x16xf32>,
        %swap3A_435 = vector.shape_cast %swap3A_434 : vector<1x16xf32> to vector<16xf32>
        %swap3A_436 = vector.shape_cast %add3A_431 : vector<16xf32> to vector<1x16xf32>
        tpu.vector_store %arg15[%swap3A_432, %swap3A_433], %swap3A_436 {strides = array<i32>} : memref<40x32xf32, #tpu.memory_space<vmem>>, vector<1x16xf32>,
        %get3A_437 = arith.index_cast %scan3A_420 : i32 to index
        %get3A_438 = arith.constant 16 : index
        %get3A_439 = tpu.vector_load %arg10[%get3A_437, %get3A_438] {strides = array<i32>} : memref<40x32xf32, #tpu.memory_space<vmem>>, vector<1x16xf32>,
        %get3A_440 = vector.shape_cast %get3A_439 : vector<1x16xf32> to vector<16xf32>
        %add3A_441 = arith.constant 80 : i32
        %add3A_442 = arith.addi %add3A_441, %scan3A_420 : i32
        %get3A_443 = arith.index_cast %add3A_442 : i32 to index
        %get3A_444 = arith.constant 16 : index
        %get3A_445 = tpu.vector_load %arg7[%get3A_443, %get3A_444] {strides = array<i32>} : memref<200x32xf32, #tpu.memory_space<vmem>>, vector<1x16xf32>,
        %get3A_446 = vector.shape_cast %get3A_445 : vector<1x16xf32> to vector<16xf32>
        %add3A_447 = arith.addf %get3A_440, %get3A_446 : vector<16xf32>
        %swap3A_448 = arith.index_cast %scan3A_420 : i32 to index
        %swap3A_449 = arith.constant 16 : index
        %swap3A_450 = tpu.vector_load %arg15[%swap3A_448, %swap3A_449] {strides = array<i32>} : memref<40x32xf32, #tpu.memory_space<vmem>>, vector<1x16xf32>,
        %swap3A_451 = vector.shape_cast %swap3A_450 : vector<1x16xf32> to vector<16xf32>
        %swap3A_452 = vector.shape_cast %add3A_447 : vector<16xf32> to vector<1x16xf32>
        tpu.vector_store %arg15[%swap3A_448, %swap3A_449], %swap3A_452 {strides = array<i32>} : memref<40x32xf32, #tpu.memory_space<vmem>>, vector<1x16xf32>,
        %scan3A_453 = arith.constant 7 : i32
        %scan3A_454 = arith.addi %scan3A_218, %scan3A_453 : i32
        %get3A_455 = arith.index_cast %scan3A_454 : i32 to index
        %get3A_456 = arith.constant 0 : index
        %get3A_457 = tpu.vector_load %arg10[%get3A_455, %get3A_456] {strides = array<i32>} : memref<40x32xf32, #tpu.memory_space<vmem>>, vector<1x16xf32>,
        %get3A_458 = vector.shape_cast %get3A_457 : vector<1x16xf32> to vector<16xf32>
        %add3A_459 = arith.constant 80 : i32
        %add3A_460 = arith.addi %add3A_459, %scan3A_454 : i32
        %get3A_461 = arith.index_cast %add3A_460 : i32 to index
        %get3A_462 = arith.constant 0 : index
        %get3A_463 = tpu.vector_load %arg7[%get3A_461, %get3A_462] {strides = array<i32>} : memref<200x32xf32, #tpu.memory_space<vmem>>, vector<1x16xf32>,
        %get3A_464 = vector.shape_cast %get3A_463 : vector<1x16xf32> to vector<16xf32>
        %add3A_465 = arith.addf %get3A_458, %get3A_464 : vector<16xf32>
        %swap3A_466 = arith.index_cast %scan3A_454 : i32 to index
        %swap3A_467 = arith.constant 0 : index
        %swap3A_468 = tpu.vector_load %arg15[%swap3A_466, %swap3A_467] {strides = array<i32>} : memref<40x32xf32, #tpu.memory_space<vmem>>, vector<1x16xf32>,
        %swap3A_469 = vector.shape_cast %swap3A_468 : vector<1x16xf32> to vector<16xf32>
        %swap3A_470 = vector.shape_cast %add3A_465 : vector<16xf32> to vector<1x16xf32>
        tpu.vector_store %arg15[%swap3A_466, %swap3A_467], %swap3A_470 {strides = array<i32>} : memref<40x32xf32, #tpu.memory_space<vmem>>, vector<1x16xf32>,
        %get3A_471 = arith.index_cast %scan3A_454 : i32 to index
        %get3A_472 = arith.constant 16 : index
        %get3A_473 = tpu.vector_load %arg10[%get3A_471, %get3A_472] {strides = array<i32>} : memref<40x32xf32, #tpu.memory_space<vmem>>, vector<1x16xf32>,
        %get3A_474 = vector.shape_cast %get3A_473 : vector<1x16xf32> to vector<16xf32>
        %add3A_475 = arith.constant 80 : i32
        %add3A_476 = arith.addi %add3A_475, %scan3A_454 : i32
        %get3A_477 = arith.index_cast %add3A_476 : i32 to index
        %get3A_478 = arith.constant 16 : index
        %get3A_479 = tpu.vector_load %arg7[%get3A_477, %get3A_478] {strides = array<i32>} : memref<200x32xf32, #tpu.memory_space<vmem>>, vector<1x16xf32>,
        %get3A_480 = vector.shape_cast %get3A_479 : vector<1x16xf32> to vector<16xf32>
        %add3A_481 = arith.addf %get3A_474, %get3A_480 : vector<16xf32>
        %swap3A_482 = arith.index_cast %scan3A_454 : i32 to index
        %swap3A_483 = arith.constant 16 : index
        %swap3A_484 = tpu.vector_load %arg15[%swap3A_482, %swap3A_483] {strides = array<i32>} : memref<40x32xf32, #tpu.memory_space<vmem>>, vector<1x16xf32>,
        %swap3A_485 = vector.shape_cast %swap3A_484 : vector<1x16xf32> to vector<16xf32>
        %swap3A_486 = vector.shape_cast %add3A_481 : vector<16xf32> to vector<1x16xf32>
        tpu.vector_store %arg15[%swap3A_482, %swap3A_483], %swap3A_486 {strides = array<i32>} : memref<40x32xf32, #tpu.memory_space<vmem>>, vector<1x16xf32>,
      }
      %scan3A_130 = arith.constant 40 : i32
      %gt3A_131 = arith.constant 0 : i32
      %gt3A_132 = arith.cmpi sgt, %scan3A_51, %gt3A_131 : i32
      %convert_element_type3A_133 = arith.extui %gt3A_132 : i1 to i32
      %cond3A_134 = arith.constant 0 : i32
      %cond3A_135 = arith.cmpi ne, %convert_element_type3A_133, %cond3A_134 : i32
      scf.if %cond3A_135 {
        %dma_wait3A_218 = arith.constant 0 : i32
        %dma_wait3A_219 = tpu.memref_slice %arg5[%mul3A_2, %dma_wait3A_218] : memref<819200x32xf32, #tpu.memory_space<hbm>> -> memref<40x32xf32, #tpu.memory_space<hbm>>
        %dma_wait3A_220 = arith.constant 0 : i32
        %dma_wait3A_221 = tpu.memref_slice %arg5[%mul3A_2, %dma_wait3A_220] : memref<819200x32xf32, #tpu.memory_space<hbm>> -> memref<40x32xf32, #tpu.memory_space<hbm>>
        tpu.wait_dma2 semaphore(%arg25 : memref<!tpu.dma_semaphore, #tpu.memory_space<semaphore_mem>>) src(%arg15 : memref<40x32xf32, #tpu.memory_space<vmem>>) dst(%dma_wait3A_221 : memref<40x32xf32, #tpu.memory_space<hbm>>)
      } else {
      }
      %mul3A_136 = arith.constant 40 : i32
      %mul3A_137 = arith.muli %add3A_119, %mul3A_136 : i32
      %add3A_138 = arith.addi %mul3A_2, %mul3A_137 : i32
      %dma_start3A_139 = arith.constant 0 : i32
      %dma_start3A_140 = tpu.memref_slice %arg5[%add3A_138, %dma_start3A_139] : memref<819200x32xf32, #tpu.memory_space<hbm>> -> memref<40x32xf32, #tpu.memory_space<hbm>>
      %dma_start3A_141 = arith.constant 0 : i32
      %dma_start3A_142 = tpu.memref_slice %arg5[%add3A_138, %dma_start3A_141] : memref<819200x32xf32, #tpu.memory_space<hbm>> -> memref<40x32xf32, #tpu.memory_space<hbm>>
      tpu.enqueue_dma source(%arg15 : memref<40x32xf32, #tpu.memory_space<vmem>>) target(%dma_start3A_142 : memref<40x32xf32, #tpu.memory_space<hbm>>) target_semaphore(%arg25 : memref<!tpu.dma_semaphore, #tpu.memory_space<semaphore_mem>>)
      %add3A_143 = arith.constant 1 : i32
      %add3A_144 = arith.addi %scan3A_51, %add3A_143 : i32
      %lt3A_145 = arith.constant 128 : i32
      %lt3A_146 = arith.cmpi slt, %add3A_144, %lt3A_145 : i32
      %convert_element_type3A_147 = arith.extui %lt3A_146 : i1 to i32
      %cond3A_148 = arith.constant 0 : i32
      %cond3A_149 = arith.cmpi ne, %convert_element_type3A_147, %cond3A_148 : i32
      scf.if %cond3A_149 {
        %add3A_218 = arith.constant 5 : i32
        %add3A_219 = arith.addi %add3A_119, %add3A_218 : i32
        %mul3A_220 = arith.constant 40 : i32
        %mul3A_221 = arith.muli %add3A_219, %mul3A_220 : i32
        %dma_start3A_222 = tpu.memref_slice %arg6[%mul3A_221] : memref<25600xi32, #tpu.memory_space<vmem>> -> memref<40xi32, #tpu.memory_space<vmem>>
        %dma_start3A_223 = arith.constant 0 : i32
        %dma_start3A_224 = arith.constant 0 : i32
        %dma_start3A_225 = tpu.memref_slice %arg3[%dma_start3A_223, %dma_start3A_224] : memref<1000000x32xf32, #tpu.memory_space<hbm>> -> memref<1000000x32xf32, #tpu.memory_space<hbm>>
        tpu.enqueue_indirect_dma source(%dma_start3A_225 : memref<1000000x32xf32, #tpu.memory_space<hbm>>) target(%arg10 : memref<40x32xf32, #tpu.memory_space<vmem>>) offsets(%dma_start3A_222 : memref<40xi32, #tpu.memory_space<vmem>>) semaphore(%arg20 : memref<!tpu.dma_semaphore, #tpu.memory_space<semaphore_mem>>)
      } else {
      }
      %mul3A_150 = arith.constant 5 : i32
      %mul3A_151 = arith.muli %scan3A_51, %mul3A_150 : i32
      %add3A_152 = arith.constant 3 : i32
      %add3A_153 = arith.addi %mul3A_151, %add3A_152 : i32
      %dma_wait3A_154 = arith.constant 0 : i32
      %dma_wait3A_155 = tpu.memref_slice %arg6[%dma_wait3A_154] : memref<25600xi32, #tpu.memory_space<vmem>> -> memref<40xi32, #tpu.memory_space<vmem>>
      %dma_wait3A_156 = arith.constant 0 : i32
      %dma_wait3A_157 = arith.constant 0 : i32
      %dma_wait3A_158 = tpu.memref_slice %arg3[%dma_wait3A_156, %dma_wait3A_157] : memref<1000000x32xf32, #tpu.memory_space<hbm>> -> memref<1000000x32xf32, #tpu.memory_space<hbm>>
      tpu.wait_indirect_dma semaphore(%arg21 : memref<!tpu.dma_semaphore, #tpu.memory_space<semaphore_mem>>) src(%dma_wait3A_158 : memref<1000000x32xf32, #tpu.memory_space<hbm>>) dst(%arg11 : memref<40x32xf32, #tpu.memory_space<vmem>>)
      %scan3A_159 = arith.constant 0 : i32
      %scan3A_160 = arith.constant 0 : i32
      %scan3A_161 = arith.constant 40 : i32
      %scan3A_162 = arith.addi %scan3A_160, %scan3A_161 : i32
      %scan3A_163 = arith.constant 8 : i32
      scf.for %scan3A_218 = %scan3A_160 to %scan3A_162 step %scan3A_163  : i32 {
        %get3A = arith.index_cast %scan3A_218 : i32 to index
        %get3A_219 = arith.constant 0 : index
        %get3A_220 = tpu.vector_load %arg11[%get3A, %get3A_219] {strides = array<i32>} : memref<40x32xf32, #tpu.memory_space<vmem>>, vector<1x16xf32>,
        %get3A_221 = vector.shape_cast %get3A_220 : vector<1x16xf32> to vector<16xf32>
        %add3A_222 = arith.constant 120 : i32
        %add3A_223 = arith.addi %add3A_222, %scan3A_218 : i32
        %get3A_224 = arith.index_cast %add3A_223 : i32 to index
        %get3A_225 = arith.constant 0 : index
        %get3A_226 = tpu.vector_load %arg7[%get3A_224, %get3A_225] {strides = array<i32>} : memref<200x32xf32, #tpu.memory_space<vmem>>, vector<1x16xf32>,
        %get3A_227 = vector.shape_cast %get3A_226 : vector<1x16xf32> to vector<16xf32>
        %add3A_228 = arith.addf %get3A_221, %get3A_227 : vector<16xf32>
        %swap3A = arith.index_cast %scan3A_218 : i32 to index
        %swap3A_229 = arith.constant 0 : index
        %swap3A_230 = tpu.vector_load %arg16[%swap3A, %swap3A_229] {strides = array<i32>} : memref<40x32xf32, #tpu.memory_space<vmem>>, vector<1x16xf32>,
        %swap3A_231 = vector.shape_cast %swap3A_230 : vector<1x16xf32> to vector<16xf32>
        %swap3A_232 = vector.shape_cast %add3A_228 : vector<16xf32> to vector<1x16xf32>
        tpu.vector_store %arg16[%swap3A, %swap3A_229], %swap3A_232 {strides = array<i32>} : memref<40x32xf32, #tpu.memory_space<vmem>>, vector<1x16xf32>,
        %get3A_233 = arith.index_cast %scan3A_218 : i32 to index
        %get3A_234 = arith.constant 16 : index
        %get3A_235 = tpu.vector_load %arg11[%get3A_233, %get3A_234] {strides = array<i32>} : memref<40x32xf32, #tpu.memory_space<vmem>>, vector<1x16xf32>,
        %get3A_236 = vector.shape_cast %get3A_235 : vector<1x16xf32> to vector<16xf32>
        %add3A_237 = arith.constant 120 : i32
        %add3A_238 = arith.addi %add3A_237, %scan3A_218 : i32
        %get3A_239 = arith.index_cast %add3A_238 : i32 to index
        %get3A_240 = arith.constant 16 : index
        %get3A_241 = tpu.vector_load %arg7[%get3A_239, %get3A_240] {strides = array<i32>} : memref<200x32xf32, #tpu.memory_space<vmem>>, vector<1x16xf32>,
        %get3A_242 = vector.shape_cast %get3A_241 : vector<1x16xf32> to vector<16xf32>
        %add3A_243 = arith.addf %get3A_236, %get3A_242 : vector<16xf32>
        %swap3A_244 = arith.index_cast %scan3A_218 : i32 to index
        %swap3A_245 = arith.constant 16 : index
        %swap3A_246 = tpu.vector_load %arg16[%swap3A_244, %swap3A_245] {strides = array<i32>} : memref<40x32xf32, #tpu.memory_space<vmem>>, vector<1x16xf32>,
        %swap3A_247 = vector.shape_cast %swap3A_246 : vector<1x16xf32> to vector<16xf32>
        %swap3A_248 = vector.shape_cast %add3A_243 : vector<16xf32> to vector<1x16xf32>
        tpu.vector_store %arg16[%swap3A_244, %swap3A_245], %swap3A_248 {strides = array<i32>} : memref<40x32xf32, #tpu.memory_space<vmem>>, vector<1x16xf32>,
        %scan3A_249 = arith.constant 1 : i32
        %scan3A_250 = arith.addi %scan3A_218, %scan3A_249 : i32
        %get3A_251 = arith.index_cast %scan3A_250 : i32 to index
        %get3A_252 = arith.constant 0 : index
        %get3A_253 = tpu.vector_load %arg11[%get3A_251, %get3A_252] {strides = array<i32>} : memref<40x32xf32, #tpu.memory_space<vmem>>, vector<1x16xf32>,
        %get3A_254 = vector.shape_cast %get3A_253 : vector<1x16xf32> to vector<16xf32>
        %add3A_255 = arith.constant 120 : i32
        %add3A_256 = arith.addi %add3A_255, %scan3A_250 : i32
        %get3A_257 = arith.index_cast %add3A_256 : i32 to index
        %get3A_258 = arith.constant 0 : index
        %get3A_259 = tpu.vector_load %arg7[%get3A_257, %get3A_258] {strides = array<i32>} : memref<200x32xf32, #tpu.memory_space<vmem>>, vector<1x16xf32>,
        %get3A_260 = vector.shape_cast %get3A_259 : vector<1x16xf32> to vector<16xf32>
        %add3A_261 = arith.addf %get3A_254, %get3A_260 : vector<16xf32>
        %swap3A_262 = arith.index_cast %scan3A_250 : i32 to index
        %swap3A_263 = arith.constant 0 : index
        %swap3A_264 = tpu.vector_load %arg16[%swap3A_262, %swap3A_263] {strides = array<i32>} : memref<40x32xf32, #tpu.memory_space<vmem>>, vector<1x16xf32>,
        %swap3A_265 = vector.shape_cast %swap3A_264 : vector<1x16xf32> to vector<16xf32>
        %swap3A_266 = vector.shape_cast %add3A_261 : vector<16xf32> to vector<1x16xf32>
        tpu.vector_store %arg16[%swap3A_262, %swap3A_263], %swap3A_266 {strides = array<i32>} : memref<40x32xf32, #tpu.memory_space<vmem>>, vector<1x16xf32>,
        %get3A_267 = arith.index_cast %scan3A_250 : i32 to index
        %get3A_268 = arith.constant 16 : index
        %get3A_269 = tpu.vector_load %arg11[%get3A_267, %get3A_268] {strides = array<i32>} : memref<40x32xf32, #tpu.memory_space<vmem>>, vector<1x16xf32>,
        %get3A_270 = vector.shape_cast %get3A_269 : vector<1x16xf32> to vector<16xf32>
        %add3A_271 = arith.constant 120 : i32
        %add3A_272 = arith.addi %add3A_271, %scan3A_250 : i32
        %get3A_273 = arith.index_cast %add3A_272 : i32 to index
        %get3A_274 = arith.constant 16 : index
        %get3A_275 = tpu.vector_load %arg7[%get3A_273, %get3A_274] {strides = array<i32>} : memref<200x32xf32, #tpu.memory_space<vmem>>, vector<1x16xf32>,
        %get3A_276 = vector.shape_cast %get3A_275 : vector<1x16xf32> to vector<16xf32>
        %add3A_277 = arith.addf %get3A_270, %get3A_276 : vector<16xf32>
        %swap3A_278 = arith.index_cast %scan3A_250 : i32 to index
        %swap3A_279 = arith.constant 16 : index
        %swap3A_280 = tpu.vector_load %arg16[%swap3A_278, %swap3A_279] {strides = array<i32>} : memref<40x32xf32, #tpu.memory_space<vmem>>, vector<1x16xf32>,
        %swap3A_281 = vector.shape_cast %swap3A_280 : vector<1x16xf32> to vector<16xf32>
        %swap3A_282 = vector.shape_cast %add3A_277 : vector<16xf32> to vector<1x16xf32>
        tpu.vector_store %arg16[%swap3A_278, %swap3A_279], %swap3A_282 {strides = array<i32>} : memref<40x32xf32, #tpu.memory_space<vmem>>, vector<1x16xf32>,
        %scan3A_283 = arith.constant 2 : i32
        %scan3A_284 = arith.addi %scan3A_218, %scan3A_283 : i32
        %get3A_285 = arith.index_cast %scan3A_284 : i32 to index
        %get3A_286 = arith.constant 0 : index
        %get3A_287 = tpu.vector_load %arg11[%get3A_285, %get3A_286] {strides = array<i32>} : memref<40x32xf32, #tpu.memory_space<vmem>>, vector<1x16xf32>,
        %get3A_288 = vector.shape_cast %get3A_287 : vector<1x16xf32> to vector<16xf32>
        %add3A_289 = arith.constant 120 : i32
        %add3A_290 = arith.addi %add3A_289, %scan3A_284 : i32
        %get3A_291 = arith.index_cast %add3A_290 : i32 to index
        %get3A_292 = arith.constant 0 : index
        %get3A_293 = tpu.vector_load %arg7[%get3A_291, %get3A_292] {strides = array<i32>} : memref<200x32xf32, #tpu.memory_space<vmem>>, vector<1x16xf32>,
        %get3A_294 = vector.shape_cast %get3A_293 : vector<1x16xf32> to vector<16xf32>
        %add3A_295 = arith.addf %get3A_288, %get3A_294 : vector<16xf32>
        %swap3A_296 = arith.index_cast %scan3A_284 : i32 to index
        %swap3A_297 = arith.constant 0 : index
        %swap3A_298 = tpu.vector_load %arg16[%swap3A_296, %swap3A_297] {strides = array<i32>} : memref<40x32xf32, #tpu.memory_space<vmem>>, vector<1x16xf32>,
        %swap3A_299 = vector.shape_cast %swap3A_298 : vector<1x16xf32> to vector<16xf32>
        %swap3A_300 = vector.shape_cast %add3A_295 : vector<16xf32> to vector<1x16xf32>
        tpu.vector_store %arg16[%swap3A_296, %swap3A_297], %swap3A_300 {strides = array<i32>} : memref<40x32xf32, #tpu.memory_space<vmem>>, vector<1x16xf32>,
        %get3A_301 = arith.index_cast %scan3A_284 : i32 to index
        %get3A_302 = arith.constant 16 : index
        %get3A_303 = tpu.vector_load %arg11[%get3A_301, %get3A_302] {strides = array<i32>} : memref<40x32xf32, #tpu.memory_space<vmem>>, vector<1x16xf32>,
        %get3A_304 = vector.shape_cast %get3A_303 : vector<1x16xf32> to vector<16xf32>
        %add3A_305 = arith.constant 120 : i32
        %add3A_306 = arith.addi %add3A_305, %scan3A_284 : i32
        %get3A_307 = arith.index_cast %add3A_306 : i32 to index
        %get3A_308 = arith.constant 16 : index
        %get3A_309 = tpu.vector_load %arg7[%get3A_307, %get3A_308] {strides = array<i32>} : memref<200x32xf32, #tpu.memory_space<vmem>>, vector<1x16xf32>,
        %get3A_310 = vector.shape_cast %get3A_309 : vector<1x16xf32> to vector<16xf32>
        %add3A_311 = arith.addf %get3A_304, %get3A_310 : vector<16xf32>
        %swap3A_312 = arith.index_cast %scan3A_284 : i32 to index
        %swap3A_313 = arith.constant 16 : index
        %swap3A_314 = tpu.vector_load %arg16[%swap3A_312, %swap3A_313] {strides = array<i32>} : memref<40x32xf32, #tpu.memory_space<vmem>>, vector<1x16xf32>,
        %swap3A_315 = vector.shape_cast %swap3A_314 : vector<1x16xf32> to vector<16xf32>
        %swap3A_316 = vector.shape_cast %add3A_311 : vector<16xf32> to vector<1x16xf32>
        tpu.vector_store %arg16[%swap3A_312, %swap3A_313], %swap3A_316 {strides = array<i32>} : memref<40x32xf32, #tpu.memory_space<vmem>>, vector<1x16xf32>,
        %scan3A_317 = arith.constant 3 : i32
        %scan3A_318 = arith.addi %scan3A_218, %scan3A_317 : i32
        %get3A_319 = arith.index_cast %scan3A_318 : i32 to index
        %get3A_320 = arith.constant 0 : index
        %get3A_321 = tpu.vector_load %arg11[%get3A_319, %get3A_320] {strides = array<i32>} : memref<40x32xf32, #tpu.memory_space<vmem>>, vector<1x16xf32>,
        %get3A_322 = vector.shape_cast %get3A_321 : vector<1x16xf32> to vector<16xf32>
        %add3A_323 = arith.constant 120 : i32
        %add3A_324 = arith.addi %add3A_323, %scan3A_318 : i32
        %get3A_325 = arith.index_cast %add3A_324 : i32 to index
        %get3A_326 = arith.constant 0 : index
        %get3A_327 = tpu.vector_load %arg7[%get3A_325, %get3A_326] {strides = array<i32>} : memref<200x32xf32, #tpu.memory_space<vmem>>, vector<1x16xf32>,
        %get3A_328 = vector.shape_cast %get3A_327 : vector<1x16xf32> to vector<16xf32>
        %add3A_329 = arith.addf %get3A_322, %get3A_328 : vector<16xf32>
        %swap3A_330 = arith.index_cast %scan3A_318 : i32 to index
        %swap3A_331 = arith.constant 0 : index
        %swap3A_332 = tpu.vector_load %arg16[%swap3A_330, %swap3A_331] {strides = array<i32>} : memref<40x32xf32, #tpu.memory_space<vmem>>, vector<1x16xf32>,
        %swap3A_333 = vector.shape_cast %swap3A_332 : vector<1x16xf32> to vector<16xf32>
        %swap3A_334 = vector.shape_cast %add3A_329 : vector<16xf32> to vector<1x16xf32>
        tpu.vector_store %arg16[%swap3A_330, %swap3A_331], %swap3A_334 {strides = array<i32>} : memref<40x32xf32, #tpu.memory_space<vmem>>, vector<1x16xf32>,
        %get3A_335 = arith.index_cast %scan3A_318 : i32 to index
        %get3A_336 = arith.constant 16 : index
        %get3A_337 = tpu.vector_load %arg11[%get3A_335, %get3A_336] {strides = array<i32>} : memref<40x32xf32, #tpu.memory_space<vmem>>, vector<1x16xf32>,
        %get3A_338 = vector.shape_cast %get3A_337 : vector<1x16xf32> to vector<16xf32>
        %add3A_339 = arith.constant 120 : i32
        %add3A_340 = arith.addi %add3A_339, %scan3A_318 : i32
        %get3A_341 = arith.index_cast %add3A_340 : i32 to index
        %get3A_342 = arith.constant 16 : index
        %get3A_343 = tpu.vector_load %arg7[%get3A_341, %get3A_342] {strides = array<i32>} : memref<200x32xf32, #tpu.memory_space<vmem>>, vector<1x16xf32>,
        %get3A_344 = vector.shape_cast %get3A_343 : vector<1x16xf32> to vector<16xf32>
        %add3A_345 = arith.addf %get3A_338, %get3A_344 : vector<16xf32>
        %swap3A_346 = arith.index_cast %scan3A_318 : i32 to index
        %swap3A_347 = arith.constant 16 : index
        %swap3A_348 = tpu.vector_load %arg16[%swap3A_346, %swap3A_347] {strides = array<i32>} : memref<40x32xf32, #tpu.memory_space<vmem>>, vector<1x16xf32>,
        %swap3A_349 = vector.shape_cast %swap3A_348 : vector<1x16xf32> to vector<16xf32>
        %swap3A_350 = vector.shape_cast %add3A_345 : vector<16xf32> to vector<1x16xf32>
        tpu.vector_store %arg16[%swap3A_346, %swap3A_347], %swap3A_350 {strides = array<i32>} : memref<40x32xf32, #tpu.memory_space<vmem>>, vector<1x16xf32>,
        %scan3A_351 = arith.constant 4 : i32
        %scan3A_352 = arith.addi %scan3A_218, %scan3A_351 : i32
        %get3A_353 = arith.index_cast %scan3A_352 : i32 to index
        %get3A_354 = arith.constant 0 : index
        %get3A_355 = tpu.vector_load %arg11[%get3A_353, %get3A_354] {strides = array<i32>} : memref<40x32xf32, #tpu.memory_space<vmem>>, vector<1x16xf32>,
        %get3A_356 = vector.shape_cast %get3A_355 : vector<1x16xf32> to vector<16xf32>
        %add3A_357 = arith.constant 120 : i32
        %add3A_358 = arith.addi %add3A_357, %scan3A_352 : i32
        %get3A_359 = arith.index_cast %add3A_358 : i32 to index
        %get3A_360 = arith.constant 0 : index
        %get3A_361 = tpu.vector_load %arg7[%get3A_359, %get3A_360] {strides = array<i32>} : memref<200x32xf32, #tpu.memory_space<vmem>>, vector<1x16xf32>,
        %get3A_362 = vector.shape_cast %get3A_361 : vector<1x16xf32> to vector<16xf32>
        %add3A_363 = arith.addf %get3A_356, %get3A_362 : vector<16xf32>
        %swap3A_364 = arith.index_cast %scan3A_352 : i32 to index
        %swap3A_365 = arith.constant 0 : index
        %swap3A_366 = tpu.vector_load %arg16[%swap3A_364, %swap3A_365] {strides = array<i32>} : memref<40x32xf32, #tpu.memory_space<vmem>>, vector<1x16xf32>,
        %swap3A_367 = vector.shape_cast %swap3A_366 : vector<1x16xf32> to vector<16xf32>
        %swap3A_368 = vector.shape_cast %add3A_363 : vector<16xf32> to vector<1x16xf32>
        tpu.vector_store %arg16[%swap3A_364, %swap3A_365], %swap3A_368 {strides = array<i32>} : memref<40x32xf32, #tpu.memory_space<vmem>>, vector<1x16xf32>,
        %get3A_369 = arith.index_cast %scan3A_352 : i32 to index
        %get3A_370 = arith.constant 16 : index
        %get3A_371 = tpu.vector_load %arg11[%get3A_369, %get3A_370] {strides = array<i32>} : memref<40x32xf32, #tpu.memory_space<vmem>>, vector<1x16xf32>,
        %get3A_372 = vector.shape_cast %get3A_371 : vector<1x16xf32> to vector<16xf32>
        %add3A_373 = arith.constant 120 : i32
        %add3A_374 = arith.addi %add3A_373, %scan3A_352 : i32
        %get3A_375 = arith.index_cast %add3A_374 : i32 to index
        %get3A_376 = arith.constant 16 : index
        %get3A_377 = tpu.vector_load %arg7[%get3A_375, %get3A_376] {strides = array<i32>} : memref<200x32xf32, #tpu.memory_space<vmem>>, vector<1x16xf32>,
        %get3A_378 = vector.shape_cast %get3A_377 : vector<1x16xf32> to vector<16xf32>
        %add3A_379 = arith.addf %get3A_372, %get3A_378 : vector<16xf32>
        %swap3A_380 = arith.index_cast %scan3A_352 : i32 to index
        %swap3A_381 = arith.constant 16 : index
        %swap3A_382 = tpu.vector_load %arg16[%swap3A_380, %swap3A_381] {strides = array<i32>} : memref<40x32xf32, #tpu.memory_space<vmem>>, vector<1x16xf32>,
        %swap3A_383 = vector.shape_cast %swap3A_382 : vector<1x16xf32> to vector<16xf32>
        %swap3A_384 = vector.shape_cast %add3A_379 : vector<16xf32> to vector<1x16xf32>
        tpu.vector_store %arg16[%swap3A_380, %swap3A_381], %swap3A_384 {strides = array<i32>} : memref<40x32xf32, #tpu.memory_space<vmem>>, vector<1x16xf32>,
        %scan3A_385 = arith.constant 5 : i32
        %scan3A_386 = arith.addi %scan3A_218, %scan3A_385 : i32
        %get3A_387 = arith.index_cast %scan3A_386 : i32 to index
        %get3A_388 = arith.constant 0 : index
        %get3A_389 = tpu.vector_load %arg11[%get3A_387, %get3A_388] {strides = array<i32>} : memref<40x32xf32, #tpu.memory_space<vmem>>, vector<1x16xf32>,
        %get3A_390 = vector.shape_cast %get3A_389 : vector<1x16xf32> to vector<16xf32>
        %add3A_391 = arith.constant 120 : i32
        %add3A_392 = arith.addi %add3A_391, %scan3A_386 : i32
        %get3A_393 = arith.index_cast %add3A_392 : i32 to index
        %get3A_394 = arith.constant 0 : index
        %get3A_395 = tpu.vector_load %arg7[%get3A_393, %get3A_394] {strides = array<i32>} : memref<200x32xf32, #tpu.memory_space<vmem>>, vector<1x16xf32>,
        %get3A_396 = vector.shape_cast %get3A_395 : vector<1x16xf32> to vector<16xf32>
        %add3A_397 = arith.addf %get3A_390, %get3A_396 : vector<16xf32>
        %swap3A_398 = arith.index_cast %scan3A_386 : i32 to index
        %swap3A_399 = arith.constant 0 : index
        %swap3A_400 = tpu.vector_load %arg16[%swap3A_398, %swap3A_399] {strides = array<i32>} : memref<40x32xf32, #tpu.memory_space<vmem>>, vector<1x16xf32>,
        %swap3A_401 = vector.shape_cast %swap3A_400 : vector<1x16xf32> to vector<16xf32>
        %swap3A_402 = vector.shape_cast %add3A_397 : vector<16xf32> to vector<1x16xf32>
        tpu.vector_store %arg16[%swap3A_398, %swap3A_399], %swap3A_402 {strides = array<i32>} : memref<40x32xf32, #tpu.memory_space<vmem>>, vector<1x16xf32>,
        %get3A_403 = arith.index_cast %scan3A_386 : i32 to index
        %get3A_404 = arith.constant 16 : index
        %get3A_405 = tpu.vector_load %arg11[%get3A_403, %get3A_404] {strides = array<i32>} : memref<40x32xf32, #tpu.memory_space<vmem>>, vector<1x16xf32>,
        %get3A_406 = vector.shape_cast %get3A_405 : vector<1x16xf32> to vector<16xf32>
        %add3A_407 = arith.constant 120 : i32
        %add3A_408 = arith.addi %add3A_407, %scan3A_386 : i32
        %get3A_409 = arith.index_cast %add3A_408 : i32 to index
        %get3A_410 = arith.constant 16 : index
        %get3A_411 = tpu.vector_load %arg7[%get3A_409, %get3A_410] {strides = array<i32>} : memref<200x32xf32, #tpu.memory_space<vmem>>, vector<1x16xf32>,
        %get3A_412 = vector.shape_cast %get3A_411 : vector<1x16xf32> to vector<16xf32>
        %add3A_413 = arith.addf %get3A_406, %get3A_412 : vector<16xf32>
        %swap3A_414 = arith.index_cast %scan3A_386 : i32 to index
        %swap3A_415 = arith.constant 16 : index
        %swap3A_416 = tpu.vector_load %arg16[%swap3A_414, %swap3A_415] {strides = array<i32>} : memref<40x32xf32, #tpu.memory_space<vmem>>, vector<1x16xf32>,
        %swap3A_417 = vector.shape_cast %swap3A_416 : vector<1x16xf32> to vector<16xf32>
        %swap3A_418 = vector.shape_cast %add3A_413 : vector<16xf32> to vector<1x16xf32>
        tpu.vector_store %arg16[%swap3A_414, %swap3A_415], %swap3A_418 {strides = array<i32>} : memref<40x32xf32, #tpu.memory_space<vmem>>, vector<1x16xf32>,
        %scan3A_419 = arith.constant 6 : i32
        %scan3A_420 = arith.addi %scan3A_218, %scan3A_419 : i32
        %get3A_421 = arith.index_cast %scan3A_420 : i32 to index
        %get3A_422 = arith.constant 0 : index
        %get3A_423 = tpu.vector_load %arg11[%get3A_421, %get3A_422] {strides = array<i32>} : memref<40x32xf32, #tpu.memory_space<vmem>>, vector<1x16xf32>,
        %get3A_424 = vector.shape_cast %get3A_423 : vector<1x16xf32> to vector<16xf32>
        %add3A_425 = arith.constant 120 : i32
        %add3A_426 = arith.addi %add3A_425, %scan3A_420 : i32
        %get3A_427 = arith.index_cast %add3A_426 : i32 to index
        %get3A_428 = arith.constant 0 : index
        %get3A_429 = tpu.vector_load %arg7[%get3A_427, %get3A_428] {strides = array<i32>} : memref<200x32xf32, #tpu.memory_space<vmem>>, vector<1x16xf32>,
        %get3A_430 = vector.shape_cast %get3A_429 : vector<1x16xf32> to vector<16xf32>
        %add3A_431 = arith.addf %get3A_424, %get3A_430 : vector<16xf32>
        %swap3A_432 = arith.index_cast %scan3A_420 : i32 to index
        %swap3A_433 = arith.constant 0 : index
        %swap3A_434 = tpu.vector_load %arg16[%swap3A_432, %swap3A_433] {strides = array<i32>} : memref<40x32xf32, #tpu.memory_space<vmem>>, vector<1x16xf32>,
        %swap3A_435 = vector.shape_cast %swap3A_434 : vector<1x16xf32> to vector<16xf32>
        %swap3A_436 = vector.shape_cast %add3A_431 : vector<16xf32> to vector<1x16xf32>
        tpu.vector_store %arg16[%swap3A_432, %swap3A_433], %swap3A_436 {strides = array<i32>} : memref<40x32xf32, #tpu.memory_space<vmem>>, vector<1x16xf32>,
        %get3A_437 = arith.index_cast %scan3A_420 : i32 to index
        %get3A_438 = arith.constant 16 : index
        %get3A_439 = tpu.vector_load %arg11[%get3A_437, %get3A_438] {strides = array<i32>} : memref<40x32xf32, #tpu.memory_space<vmem>>, vector<1x16xf32>,
        %get3A_440 = vector.shape_cast %get3A_439 : vector<1x16xf32> to vector<16xf32>
        %add3A_441 = arith.constant 120 : i32
        %add3A_442 = arith.addi %add3A_441, %scan3A_420 : i32
        %get3A_443 = arith.index_cast %add3A_442 : i32 to index
        %get3A_444 = arith.constant 16 : index
        %get3A_445 = tpu.vector_load %arg7[%get3A_443, %get3A_444] {strides = array<i32>} : memref<200x32xf32, #tpu.memory_space<vmem>>, vector<1x16xf32>,
        %get3A_446 = vector.shape_cast %get3A_445 : vector<1x16xf32> to vector<16xf32>
        %add3A_447 = arith.addf %get3A_440, %get3A_446 : vector<16xf32>
        %swap3A_448 = arith.index_cast %scan3A_420 : i32 to index
        %swap3A_449 = arith.constant 16 : index
        %swap3A_450 = tpu.vector_load %arg16[%swap3A_448, %swap3A_449] {strides = array<i32>} : memref<40x32xf32, #tpu.memory_space<vmem>>, vector<1x16xf32>,
        %swap3A_451 = vector.shape_cast %swap3A_450 : vector<1x16xf32> to vector<16xf32>
        %swap3A_452 = vector.shape_cast %add3A_447 : vector<16xf32> to vector<1x16xf32>
        tpu.vector_store %arg16[%swap3A_448, %swap3A_449], %swap3A_452 {strides = array<i32>} : memref<40x32xf32, #tpu.memory_space<vmem>>, vector<1x16xf32>,
        %scan3A_453 = arith.constant 7 : i32
        %scan3A_454 = arith.addi %scan3A_218, %scan3A_453 : i32
        %get3A_455 = arith.index_cast %scan3A_454 : i32 to index
        %get3A_456 = arith.constant 0 : index
        %get3A_457 = tpu.vector_load %arg11[%get3A_455, %get3A_456] {strides = array<i32>} : memref<40x32xf32, #tpu.memory_space<vmem>>, vector<1x16xf32>,
        %get3A_458 = vector.shape_cast %get3A_457 : vector<1x16xf32> to vector<16xf32>
        %add3A_459 = arith.constant 120 : i32
        %add3A_460 = arith.addi %add3A_459, %scan3A_454 : i32
        %get3A_461 = arith.index_cast %add3A_460 : i32 to index
        %get3A_462 = arith.constant 0 : index
        %get3A_463 = tpu.vector_load %arg7[%get3A_461, %get3A_462] {strides = array<i32>} : memref<200x32xf32, #tpu.memory_space<vmem>>, vector<1x16xf32>,
        %get3A_464 = vector.shape_cast %get3A_463 : vector<1x16xf32> to vector<16xf32>
        %add3A_465 = arith.addf %get3A_458, %get3A_464 : vector<16xf32>
        %swap3A_466 = arith.index_cast %scan3A_454 : i32 to index
        %swap3A_467 = arith.constant 0 : index
        %swap3A_468 = tpu.vector_load %arg16[%swap3A_466, %swap3A_467] {strides = array<i32>} : memref<40x32xf32, #tpu.memory_space<vmem>>, vector<1x16xf32>,
        %swap3A_469 = vector.shape_cast %swap3A_468 : vector<1x16xf32> to vector<16xf32>
        %swap3A_470 = vector.shape_cast %add3A_465 : vector<16xf32> to vector<1x16xf32>
        tpu.vector_store %arg16[%swap3A_466, %swap3A_467], %swap3A_470 {strides = array<i32>} : memref<40x32xf32, #tpu.memory_space<vmem>>, vector<1x16xf32>,
        %get3A_471 = arith.index_cast %scan3A_454 : i32 to index
        %get3A_472 = arith.constant 16 : index
        %get3A_473 = tpu.vector_load %arg11[%get3A_471, %get3A_472] {strides = array<i32>} : memref<40x32xf32, #tpu.memory_space<vmem>>, vector<1x16xf32>,
        %get3A_474 = vector.shape_cast %get3A_473 : vector<1x16xf32> to vector<16xf32>
        %add3A_475 = arith.constant 120 : i32
        %add3A_476 = arith.addi %add3A_475, %scan3A_454 : i32
        %get3A_477 = arith.index_cast %add3A_476 : i32 to index
        %get3A_478 = arith.constant 16 : index
        %get3A_479 = tpu.vector_load %arg7[%get3A_477, %get3A_478] {strides = array<i32>} : memref<200x32xf32, #tpu.memory_space<vmem>>, vector<1x16xf32>,
        %get3A_480 = vector.shape_cast %get3A_479 : vector<1x16xf32> to vector<16xf32>
        %add3A_481 = arith.addf %get3A_474, %get3A_480 : vector<16xf32>
        %swap3A_482 = arith.index_cast %scan3A_454 : i32 to index
        %swap3A_483 = arith.constant 16 : index
        %swap3A_484 = tpu.vector_load %arg16[%swap3A_482, %swap3A_483] {strides = array<i32>} : memref<40x32xf32, #tpu.memory_space<vmem>>, vector<1x16xf32>,
        %swap3A_485 = vector.shape_cast %swap3A_484 : vector<1x16xf32> to vector<16xf32>
        %swap3A_486 = vector.shape_cast %add3A_481 : vector<16xf32> to vector<1x16xf32>
        tpu.vector_store %arg16[%swap3A_482, %swap3A_483], %swap3A_486 {strides = array<i32>} : memref<40x32xf32, #tpu.memory_space<vmem>>, vector<1x16xf32>,
      }
      %scan3A_164 = arith.constant 40 : i32
      %gt3A_165 = arith.constant 0 : i32
      %gt3A_166 = arith.cmpi sgt, %scan3A_51, %gt3A_165 : i32
      %convert_element_type3A_167 = arith.extui %gt3A_166 : i1 to i32
      %cond3A_168 = arith.constant 0 : i32
      %cond3A_169 = arith.cmpi ne, %convert_element_type3A_167, %cond3A_168 : i32
      scf.if %cond3A_169 {
        %dma_wait3A_218 = arith.constant 0 : i32
        %dma_wait3A_219 = tpu.memref_slice %arg5[%mul3A_2, %dma_wait3A_218] : memref<819200x32xf32, #tpu.memory_space<hbm>> -> memref<40x32xf32, #tpu.memory_space<hbm>>
        %dma_wait3A_220 = arith.constant 0 : i32
        %dma_wait3A_221 = tpu.memref_slice %arg5[%mul3A_2, %dma_wait3A_220] : memref<819200x32xf32, #tpu.memory_space<hbm>> -> memref<40x32xf32, #tpu.memory_space<hbm>>
        tpu.wait_dma2 semaphore(%arg26 : memref<!tpu.dma_semaphore, #tpu.memory_space<semaphore_mem>>) src(%arg16 : memref<40x32xf32, #tpu.memory_space<vmem>>) dst(%dma_wait3A_221 : memref<40x32xf32, #tpu.memory_space<hbm>>)
      } else {
      }
      %mul3A_170 = arith.constant 40 : i32
      %mul3A_171 = arith.muli %add3A_153, %mul3A_170 : i32
      %add3A_172 = arith.addi %mul3A_2, %mul3A_171 : i32
      %dma_start3A_173 = arith.constant 0 : i32
      %dma_start3A_174 = tpu.memref_slice %arg5[%add3A_172, %dma_start3A_173] : memref<819200x32xf32, #tpu.memory_space<hbm>> -> memref<40x32xf32, #tpu.memory_space<hbm>>
      %dma_start3A_175 = arith.constant 0 : i32
      %dma_start3A_176 = tpu.memref_slice %arg5[%add3A_172, %dma_start3A_175] : memref<819200x32xf32, #tpu.memory_space<hbm>> -> memref<40x32xf32, #tpu.memory_space<hbm>>
      tpu.enqueue_dma source(%arg16 : memref<40x32xf32, #tpu.memory_space<vmem>>) target(%dma_start3A_176 : memref<40x32xf32, #tpu.memory_space<hbm>>) target_semaphore(%arg26 : memref<!tpu.dma_semaphore, #tpu.memory_space<semaphore_mem>>)
      %add3A_177 = arith.constant 1 : i32
      %add3A_178 = arith.addi %scan3A_51, %add3A_177 : i32
      %lt3A_179 = arith.constant 128 : i32
      %lt3A_180 = arith.cmpi slt, %add3A_178, %lt3A_179 : i32
      %convert_element_type3A_181 = arith.extui %lt3A_180 : i1 to i32
      %cond3A_182 = arith.constant 0 : i32
      %cond3A_183 = arith.cmpi ne, %convert_element_type3A_181, %cond3A_182 : i32
      scf.if %cond3A_183 {
        %add3A_218 = arith.constant 5 : i32
        %add3A_219 = arith.addi %add3A_153, %add3A_218 : i32
        %mul3A_220 = arith.constant 40 : i32
        %mul3A_221 = arith.muli %add3A_219, %mul3A_220 : i32
        %dma_start3A_222 = tpu.memref_slice %arg6[%mul3A_221] : memref<25600xi32, #tpu.memory_space<vmem>> -> memref<40xi32, #tpu.memory_space<vmem>>
        %dma_start3A_223 = arith.constant 0 : i32
        %dma_start3A_224 = arith.constant 0 : i32
        %dma_start3A_225 = tpu.memref_slice %arg3[%dma_start3A_223, %dma_start3A_224] : memref<1000000x32xf32, #tpu.memory_space<hbm>> -> memref<1000000x32xf32, #tpu.memory_space<hbm>>
        tpu.enqueue_indirect_dma source(%dma_start3A_225 : memref<1000000x32xf32, #tpu.memory_space<hbm>>) target(%arg11 : memref<40x32xf32, #tpu.memory_space<vmem>>) offsets(%dma_start3A_222 : memref<40xi32, #tpu.memory_space<vmem>>) semaphore(%arg21 : memref<!tpu.dma_semaphore, #tpu.memory_space<semaphore_mem>>)
      } else {
      }
      %mul3A_184 = arith.constant 5 : i32
      %mul3A_185 = arith.muli %scan3A_51, %mul3A_184 : i32
      %add3A_186 = arith.constant 4 : i32
      %add3A_187 = arith.addi %mul3A_185, %add3A_186 : i32
      %dma_wait3A_188 = arith.constant 0 : i32
      %dma_wait3A_189 = tpu.memref_slice %arg6[%dma_wait3A_188] : memref<25600xi32, #tpu.memory_space<vmem>> -> memref<40xi32, #tpu.memory_space<vmem>>
      %dma_wait3A_190 = arith.constant 0 : i32
      %dma_wait3A_191 = arith.constant 0 : i32
      %dma_wait3A_192 = tpu.memref_slice %arg3[%dma_wait3A_190, %dma_wait3A_191] : memref<1000000x32xf32, #tpu.memory_space<hbm>> -> memref<1000000x32xf32, #tpu.memory_space<hbm>>
      tpu.wait_indirect_dma semaphore(%arg22 : memref<!tpu.dma_semaphore, #tpu.memory_space<semaphore_mem>>) src(%dma_wait3A_192 : memref<1000000x32xf32, #tpu.memory_space<hbm>>) dst(%arg12 : memref<40x32xf32, #tpu.memory_space<vmem>>)
      %scan3A_193 = arith.constant 0 : i32
      %scan3A_194 = arith.constant 0 : i32
      %scan3A_195 = arith.constant 40 : i32
      %scan3A_196 = arith.addi %scan3A_194, %scan3A_195 : i32
      %scan3A_197 = arith.constant 8 : i32
      scf.for %scan3A_218 = %scan3A_194 to %scan3A_196 step %scan3A_197  : i32 {
        %get3A = arith.index_cast %scan3A_218 : i32 to index
        %get3A_219 = arith.constant 0 : index
        %get3A_220 = tpu.vector_load %arg12[%get3A, %get3A_219] {strides = array<i32>} : memref<40x32xf32, #tpu.memory_space<vmem>>, vector<1x16xf32>,
        %get3A_221 = vector.shape_cast %get3A_220 : vector<1x16xf32> to vector<16xf32>
        %add3A_222 = arith.constant 160 : i32
        %add3A_223 = arith.addi %add3A_222, %scan3A_218 : i32
        %get3A_224 = arith.index_cast %add3A_223 : i32 to index
        %get3A_225 = arith.constant 0 : index
        %get3A_226 = tpu.vector_load %arg7[%get3A_224, %get3A_225] {strides = array<i32>} : memref<200x32xf32, #tpu.memory_space<vmem>>, vector<1x16xf32>,
        %get3A_227 = vector.shape_cast %get3A_226 : vector<1x16xf32> to vector<16xf32>
        %add3A_228 = arith.addf %get3A_221, %get3A_227 : vector<16xf32>
        %swap3A = arith.index_cast %scan3A_218 : i32 to index
        %swap3A_229 = arith.constant 0 : index
        %swap3A_230 = tpu.vector_load %arg17[%swap3A, %swap3A_229] {strides = array<i32>} : memref<40x32xf32, #tpu.memory_space<vmem>>, vector<1x16xf32>,
        %swap3A_231 = vector.shape_cast %swap3A_230 : vector<1x16xf32> to vector<16xf32>
        %swap3A_232 = vector.shape_cast %add3A_228 : vector<16xf32> to vector<1x16xf32>
        tpu.vector_store %arg17[%swap3A, %swap3A_229], %swap3A_232 {strides = array<i32>} : memref<40x32xf32, #tpu.memory_space<vmem>>, vector<1x16xf32>,
        %get3A_233 = arith.index_cast %scan3A_218 : i32 to index
        %get3A_234 = arith.constant 16 : index
        %get3A_235 = tpu.vector_load %arg12[%get3A_233, %get3A_234] {strides = array<i32>} : memref<40x32xf32, #tpu.memory_space<vmem>>, vector<1x16xf32>,
        %get3A_236 = vector.shape_cast %get3A_235 : vector<1x16xf32> to vector<16xf32>
        %add3A_237 = arith.constant 160 : i32
        %add3A_238 = arith.addi %add3A_237, %scan3A_218 : i32
        %get3A_239 = arith.index_cast %add3A_238 : i32 to index
        %get3A_240 = arith.constant 16 : index
        %get3A_241 = tpu.vector_load %arg7[%get3A_239, %get3A_240] {strides = array<i32>} : memref<200x32xf32, #tpu.memory_space<vmem>>, vector<1x16xf32>,
        %get3A_242 = vector.shape_cast %get3A_241 : vector<1x16xf32> to vector<16xf32>
        %add3A_243 = arith.addf %get3A_236, %get3A_242 : vector<16xf32>
        %swap3A_244 = arith.index_cast %scan3A_218 : i32 to index
        %swap3A_245 = arith.constant 16 : index
        %swap3A_246 = tpu.vector_load %arg17[%swap3A_244, %swap3A_245] {strides = array<i32>} : memref<40x32xf32, #tpu.memory_space<vmem>>, vector<1x16xf32>,
        %swap3A_247 = vector.shape_cast %swap3A_246 : vector<1x16xf32> to vector<16xf32>
        %swap3A_248 = vector.shape_cast %add3A_243 : vector<16xf32> to vector<1x16xf32>
        tpu.vector_store %arg17[%swap3A_244, %swap3A_245], %swap3A_248 {strides = array<i32>} : memref<40x32xf32, #tpu.memory_space<vmem>>, vector<1x16xf32>,
        %scan3A_249 = arith.constant 1 : i32
        %scan3A_250 = arith.addi %scan3A_218, %scan3A_249 : i32
        %get3A_251 = arith.index_cast %scan3A_250 : i32 to index
        %get3A_252 = arith.constant 0 : index
        %get3A_253 = tpu.vector_load %arg12[%get3A_251, %get3A_252] {strides = array<i32>} : memref<40x32xf32, #tpu.memory_space<vmem>>, vector<1x16xf32>,
        %get3A_254 = vector.shape_cast %get3A_253 : vector<1x16xf32> to vector<16xf32>
        %add3A_255 = arith.constant 160 : i32
        %add3A_256 = arith.addi %add3A_255, %scan3A_250 : i32
        %get3A_257 = arith.index_cast %add3A_256 : i32 to index
        %get3A_258 = arith.constant 0 : index
        %get3A_259 = tpu.vector_load %arg7[%get3A_257, %get3A_258] {strides = array<i32>} : memref<200x32xf32, #tpu.memory_space<vmem>>, vector<1x16xf32>,
        %get3A_260 = vector.shape_cast %get3A_259 : vector<1x16xf32> to vector<16xf32>
        %add3A_261 = arith.addf %get3A_254, %get3A_260 : vector<16xf32>
        %swap3A_262 = arith.index_cast %scan3A_250 : i32 to index
        %swap3A_263 = arith.constant 0 : index
        %swap3A_264 = tpu.vector_load %arg17[%swap3A_262, %swap3A_263] {strides = array<i32>} : memref<40x32xf32, #tpu.memory_space<vmem>>, vector<1x16xf32>,
        %swap3A_265 = vector.shape_cast %swap3A_264 : vector<1x16xf32> to vector<16xf32>
        %swap3A_266 = vector.shape_cast %add3A_261 : vector<16xf32> to vector<1x16xf32>
        tpu.vector_store %arg17[%swap3A_262, %swap3A_263], %swap3A_266 {strides = array<i32>} : memref<40x32xf32, #tpu.memory_space<vmem>>, vector<1x16xf32>,
        %get3A_267 = arith.index_cast %scan3A_250 : i32 to index
        %get3A_268 = arith.constant 16 : index
        %get3A_269 = tpu.vector_load %arg12[%get3A_267, %get3A_268] {strides = array<i32>} : memref<40x32xf32, #tpu.memory_space<vmem>>, vector<1x16xf32>,
        %get3A_270 = vector.shape_cast %get3A_269 : vector<1x16xf32> to vector<16xf32>
        %add3A_271 = arith.constant 160 : i32
        %add3A_272 = arith.addi %add3A_271, %scan3A_250 : i32
        %get3A_273 = arith.index_cast %add3A_272 : i32 to index
        %get3A_274 = arith.constant 16 : index
        %get3A_275 = tpu.vector_load %arg7[%get3A_273, %get3A_274] {strides = array<i32>} : memref<200x32xf32, #tpu.memory_space<vmem>>, vector<1x16xf32>,
        %get3A_276 = vector.shape_cast %get3A_275 : vector<1x16xf32> to vector<16xf32>
        %add3A_277 = arith.addf %get3A_270, %get3A_276 : vector<16xf32>
        %swap3A_278 = arith.index_cast %scan3A_250 : i32 to index
        %swap3A_279 = arith.constant 16 : index
        %swap3A_280 = tpu.vector_load %arg17[%swap3A_278, %swap3A_279] {strides = array<i32>} : memref<40x32xf32, #tpu.memory_space<vmem>>, vector<1x16xf32>,
        %swap3A_281 = vector.shape_cast %swap3A_280 : vector<1x16xf32> to vector<16xf32>
        %swap3A_282 = vector.shape_cast %add3A_277 : vector<16xf32> to vector<1x16xf32>
        tpu.vector_store %arg17[%swap3A_278, %swap3A_279], %swap3A_282 {strides = array<i32>} : memref<40x32xf32, #tpu.memory_space<vmem>>, vector<1x16xf32>,
        %scan3A_283 = arith.constant 2 : i32
        %scan3A_284 = arith.addi %scan3A_218, %scan3A_283 : i32
        %get3A_285 = arith.index_cast %scan3A_284 : i32 to index
        %get3A_286 = arith.constant 0 : index
        %get3A_287 = tpu.vector_load %arg12[%get3A_285, %get3A_286] {strides = array<i32>} : memref<40x32xf32, #tpu.memory_space<vmem>>, vector<1x16xf32>,
        %get3A_288 = vector.shape_cast %get3A_287 : vector<1x16xf32> to vector<16xf32>
        %add3A_289 = arith.constant 160 : i32
        %add3A_290 = arith.addi %add3A_289, %scan3A_284 : i32
        %get3A_291 = arith.index_cast %add3A_290 : i32 to index
        %get3A_292 = arith.constant 0 : index
        %get3A_293 = tpu.vector_load %arg7[%get3A_291, %get3A_292] {strides = array<i32>} : memref<200x32xf32, #tpu.memory_space<vmem>>, vector<1x16xf32>,
        %get3A_294 = vector.shape_cast %get3A_293 : vector<1x16xf32> to vector<16xf32>
        %add3A_295 = arith.addf %get3A_288, %get3A_294 : vector<16xf32>
        %swap3A_296 = arith.index_cast %scan3A_284 : i32 to index
        %swap3A_297 = arith.constant 0 : index
        %swap3A_298 = tpu.vector_load %arg17[%swap3A_296, %swap3A_297] {strides = array<i32>} : memref<40x32xf32, #tpu.memory_space<vmem>>, vector<1x16xf32>,
        %swap3A_299 = vector.shape_cast %swap3A_298 : vector<1x16xf32> to vector<16xf32>
        %swap3A_300 = vector.shape_cast %add3A_295 : vector<16xf32> to vector<1x16xf32>
        tpu.vector_store %arg17[%swap3A_296, %swap3A_297], %swap3A_300 {strides = array<i32>} : memref<40x32xf32, #tpu.memory_space<vmem>>, vector<1x16xf32>,
        %get3A_301 = arith.index_cast %scan3A_284 : i32 to index
        %get3A_302 = arith.constant 16 : index
        %get3A_303 = tpu.vector_load %arg12[%get3A_301, %get3A_302] {strides = array<i32>} : memref<40x32xf32, #tpu.memory_space<vmem>>, vector<1x16xf32>,
        %get3A_304 = vector.shape_cast %get3A_303 : vector<1x16xf32> to vector<16xf32>
        %add3A_305 = arith.constant 160 : i32
        %add3A_306 = arith.addi %add3A_305, %scan3A_284 : i32
        %get3A_307 = arith.index_cast %add3A_306 : i32 to index
        %get3A_308 = arith.constant 16 : index
        %get3A_309 = tpu.vector_load %arg7[%get3A_307, %get3A_308] {strides = array<i32>} : memref<200x32xf32, #tpu.memory_space<vmem>>, vector<1x16xf32>,
        %get3A_310 = vector.shape_cast %get3A_309 : vector<1x16xf32> to vector<16xf32>
        %add3A_311 = arith.addf %get3A_304, %get3A_310 : vector<16xf32>
        %swap3A_312 = arith.index_cast %scan3A_284 : i32 to index
        %swap3A_313 = arith.constant 16 : index
        %swap3A_314 = tpu.vector_load %arg17[%swap3A_312, %swap3A_313] {strides = array<i32>} : memref<40x32xf32, #tpu.memory_space<vmem>>, vector<1x16xf32>,
        %swap3A_315 = vector.shape_cast %swap3A_314 : vector<1x16xf32> to vector<16xf32>
        %swap3A_316 = vector.shape_cast %add3A_311 : vector<16xf32> to vector<1x16xf32>
        tpu.vector_store %arg17[%swap3A_312, %swap3A_313], %swap3A_316 {strides = array<i32>} : memref<40x32xf32, #tpu.memory_space<vmem>>, vector<1x16xf32>,
        %scan3A_317 = arith.constant 3 : i32
        %scan3A_318 = arith.addi %scan3A_218, %scan3A_317 : i32
        %get3A_319 = arith.index_cast %scan3A_318 : i32 to index
        %get3A_320 = arith.constant 0 : index
        %get3A_321 = tpu.vector_load %arg12[%get3A_319, %get3A_320] {strides = array<i32>} : memref<40x32xf32, #tpu.memory_space<vmem>>, vector<1x16xf32>,
        %get3A_322 = vector.shape_cast %get3A_321 : vector<1x16xf32> to vector<16xf32>
        %add3A_323 = arith.constant 160 : i32
        %add3A_324 = arith.addi %add3A_323, %scan3A_318 : i32
        %get3A_325 = arith.index_cast %add3A_324 : i32 to index
        %get3A_326 = arith.constant 0 : index
        %get3A_327 = tpu.vector_load %arg7[%get3A_325, %get3A_326] {strides = array<i32>} : memref<200x32xf32, #tpu.memory_space<vmem>>, vector<1x16xf32>,
        %get3A_328 = vector.shape_cast %get3A_327 : vector<1x16xf32> to vector<16xf32>
        %add3A_329 = arith.addf %get3A_322, %get3A_328 : vector<16xf32>
        %swap3A_330 = arith.index_cast %scan3A_318 : i32 to index
        %swap3A_331 = arith.constant 0 : index
        %swap3A_332 = tpu.vector_load %arg17[%swap3A_330, %swap3A_331] {strides = array<i32>} : memref<40x32xf32, #tpu.memory_space<vmem>>, vector<1x16xf32>,
        %swap3A_333 = vector.shape_cast %swap3A_332 : vector<1x16xf32> to vector<16xf32>
        %swap3A_334 = vector.shape_cast %add3A_329 : vector<16xf32> to vector<1x16xf32>
        tpu.vector_store %arg17[%swap3A_330, %swap3A_331], %swap3A_334 {strides = array<i32>} : memref<40x32xf32, #tpu.memory_space<vmem>>, vector<1x16xf32>,
        %get3A_335 = arith.index_cast %scan3A_318 : i32 to index
        %get3A_336 = arith.constant 16 : index
        %get3A_337 = tpu.vector_load %arg12[%get3A_335, %get3A_336] {strides = array<i32>} : memref<40x32xf32, #tpu.memory_space<vmem>>, vector<1x16xf32>,
        %get3A_338 = vector.shape_cast %get3A_337 : vector<1x16xf32> to vector<16xf32>
        %add3A_339 = arith.constant 160 : i32
        %add3A_340 = arith.addi %add3A_339, %scan3A_318 : i32
        %get3A_341 = arith.index_cast %add3A_340 : i32 to index
        %get3A_342 = arith.constant 16 : index
        %get3A_343 = tpu.vector_load %arg7[%get3A_341, %get3A_342] {strides = array<i32>} : memref<200x32xf32, #tpu.memory_space<vmem>>, vector<1x16xf32>,
        %get3A_344 = vector.shape_cast %get3A_343 : vector<1x16xf32> to vector<16xf32>
        %add3A_345 = arith.addf %get3A_338, %get3A_344 : vector<16xf32>
        %swap3A_346 = arith.index_cast %scan3A_318 : i32 to index
        %swap3A_347 = arith.constant 16 : index
        %swap3A_348 = tpu.vector_load %arg17[%swap3A_346, %swap3A_347] {strides = array<i32>} : memref<40x32xf32, #tpu.memory_space<vmem>>, vector<1x16xf32>,
        %swap3A_349 = vector.shape_cast %swap3A_348 : vector<1x16xf32> to vector<16xf32>
        %swap3A_350 = vector.shape_cast %add3A_345 : vector<16xf32> to vector<1x16xf32>
        tpu.vector_store %arg17[%swap3A_346, %swap3A_347], %swap3A_350 {strides = array<i32>} : memref<40x32xf32, #tpu.memory_space<vmem>>, vector<1x16xf32>,
        %scan3A_351 = arith.constant 4 : i32
        %scan3A_352 = arith.addi %scan3A_218, %scan3A_351 : i32
        %get3A_353 = arith.index_cast %scan3A_352 : i32 to index
        %get3A_354 = arith.constant 0 : index
        %get3A_355 = tpu.vector_load %arg12[%get3A_353, %get3A_354] {strides = array<i32>} : memref<40x32xf32, #tpu.memory_space<vmem>>, vector<1x16xf32>,
        %get3A_356 = vector.shape_cast %get3A_355 : vector<1x16xf32> to vector<16xf32>
        %add3A_357 = arith.constant 160 : i32
        %add3A_358 = arith.addi %add3A_357, %scan3A_352 : i32
        %get3A_359 = arith.index_cast %add3A_358 : i32 to index
        %get3A_360 = arith.constant 0 : index
        %get3A_361 = tpu.vector_load %arg7[%get3A_359, %get3A_360] {strides = array<i32>} : memref<200x32xf32, #tpu.memory_space<vmem>>, vector<1x16xf32>,
        %get3A_362 = vector.shape_cast %get3A_361 : vector<1x16xf32> to vector<16xf32>
        %add3A_363 = arith.addf %get3A_356, %get3A_362 : vector<16xf32>
        %swap3A_364 = arith.index_cast %scan3A_352 : i32 to index
        %swap3A_365 = arith.constant 0 : index
        %swap3A_366 = tpu.vector_load %arg17[%swap3A_364, %swap3A_365] {strides = array<i32>} : memref<40x32xf32, #tpu.memory_space<vmem>>, vector<1x16xf32>,
        %swap3A_367 = vector.shape_cast %swap3A_366 : vector<1x16xf32> to vector<16xf32>
        %swap3A_368 = vector.shape_cast %add3A_363 : vector<16xf32> to vector<1x16xf32>
        tpu.vector_store %arg17[%swap3A_364, %swap3A_365], %swap3A_368 {strides = array<i32>} : memref<40x32xf32, #tpu.memory_space<vmem>>, vector<1x16xf32>,
        %get3A_369 = arith.index_cast %scan3A_352 : i32 to index
        %get3A_370 = arith.constant 16 : index
        %get3A_371 = tpu.vector_load %arg12[%get3A_369, %get3A_370] {strides = array<i32>} : memref<40x32xf32, #tpu.memory_space<vmem>>, vector<1x16xf32>,
        %get3A_372 = vector.shape_cast %get3A_371 : vector<1x16xf32> to vector<16xf32>
        %add3A_373 = arith.constant 160 : i32
        %add3A_374 = arith.addi %add3A_373, %scan3A_352 : i32
        %get3A_375 = arith.index_cast %add3A_374 : i32 to index
        %get3A_376 = arith.constant 16 : index
        %get3A_377 = tpu.vector_load %arg7[%get3A_375, %get3A_376] {strides = array<i32>} : memref<200x32xf32, #tpu.memory_space<vmem>>, vector<1x16xf32>,
        %get3A_378 = vector.shape_cast %get3A_377 : vector<1x16xf32> to vector<16xf32>
        %add3A_379 = arith.addf %get3A_372, %get3A_378 : vector<16xf32>
        %swap3A_380 = arith.index_cast %scan3A_352 : i32 to index
        %swap3A_381 = arith.constant 16 : index
        %swap3A_382 = tpu.vector_load %arg17[%swap3A_380, %swap3A_381] {strides = array<i32>} : memref<40x32xf32, #tpu.memory_space<vmem>>, vector<1x16xf32>,
        %swap3A_383 = vector.shape_cast %swap3A_382 : vector<1x16xf32> to vector<16xf32>
        %swap3A_384 = vector.shape_cast %add3A_379 : vector<16xf32> to vector<1x16xf32>
        tpu.vector_store %arg17[%swap3A_380, %swap3A_381], %swap3A_384 {strides = array<i32>} : memref<40x32xf32, #tpu.memory_space<vmem>>, vector<1x16xf32>,
        %scan3A_385 = arith.constant 5 : i32
        %scan3A_386 = arith.addi %scan3A_218, %scan3A_385 : i32
        %get3A_387 = arith.index_cast %scan3A_386 : i32 to index
        %get3A_388 = arith.constant 0 : index
        %get3A_389 = tpu.vector_load %arg12[%get3A_387, %get3A_388] {strides = array<i32>} : memref<40x32xf32, #tpu.memory_space<vmem>>, vector<1x16xf32>,
        %get3A_390 = vector.shape_cast %get3A_389 : vector<1x16xf32> to vector<16xf32>
        %add3A_391 = arith.constant 160 : i32
        %add3A_392 = arith.addi %add3A_391, %scan3A_386 : i32
        %get3A_393 = arith.index_cast %add3A_392 : i32 to index
        %get3A_394 = arith.constant 0 : index
        %get3A_395 = tpu.vector_load %arg7[%get3A_393, %get3A_394] {strides = array<i32>} : memref<200x32xf32, #tpu.memory_space<vmem>>, vector<1x16xf32>,
        %get3A_396 = vector.shape_cast %get3A_395 : vector<1x16xf32> to vector<16xf32>
        %add3A_397 = arith.addf %get3A_390, %get3A_396 : vector<16xf32>
        %swap3A_398 = arith.index_cast %scan3A_386 : i32 to index
        %swap3A_399 = arith.constant 0 : index
        %swap3A_400 = tpu.vector_load %arg17[%swap3A_398, %swap3A_399] {strides = array<i32>} : memref<40x32xf32, #tpu.memory_space<vmem>>, vector<1x16xf32>,
        %swap3A_401 = vector.shape_cast %swap3A_400 : vector<1x16xf32> to vector<16xf32>
        %swap3A_402 = vector.shape_cast %add3A_397 : vector<16xf32> to vector<1x16xf32>
        tpu.vector_store %arg17[%swap3A_398, %swap3A_399], %swap3A_402 {strides = array<i32>} : memref<40x32xf32, #tpu.memory_space<vmem>>, vector<1x16xf32>,
        %get3A_403 = arith.index_cast %scan3A_386 : i32 to index
        %get3A_404 = arith.constant 16 : index
        %get3A_405 = tpu.vector_load %arg12[%get3A_403, %get3A_404] {strides = array<i32>} : memref<40x32xf32, #tpu.memory_space<vmem>>, vector<1x16xf32>,
        %get3A_406 = vector.shape_cast %get3A_405 : vector<1x16xf32> to vector<16xf32>
        %add3A_407 = arith.constant 160 : i32
        %add3A_408 = arith.addi %add3A_407, %scan3A_386 : i32
        %get3A_409 = arith.index_cast %add3A_408 : i32 to index
        %get3A_410 = arith.constant 16 : index
        %get3A_411 = tpu.vector_load %arg7[%get3A_409, %get3A_410] {strides = array<i32>} : memref<200x32xf32, #tpu.memory_space<vmem>>, vector<1x16xf32>,
        %get3A_412 = vector.shape_cast %get3A_411 : vector<1x16xf32> to vector<16xf32>
        %add3A_413 = arith.addf %get3A_406, %get3A_412 : vector<16xf32>
        %swap3A_414 = arith.index_cast %scan3A_386 : i32 to index
        %swap3A_415 = arith.constant 16 : index
        %swap3A_416 = tpu.vector_load %arg17[%swap3A_414, %swap3A_415] {strides = array<i32>} : memref<40x32xf32, #tpu.memory_space<vmem>>, vector<1x16xf32>,
        %swap3A_417 = vector.shape_cast %swap3A_416 : vector<1x16xf32> to vector<16xf32>
        %swap3A_418 = vector.shape_cast %add3A_413 : vector<16xf32> to vector<1x16xf32>
        tpu.vector_store %arg17[%swap3A_414, %swap3A_415], %swap3A_418 {strides = array<i32>} : memref<40x32xf32, #tpu.memory_space<vmem>>, vector<1x16xf32>,
        %scan3A_419 = arith.constant 6 : i32
        %scan3A_420 = arith.addi %scan3A_218, %scan3A_419 : i32
        %get3A_421 = arith.index_cast %scan3A_420 : i32 to index
        %get3A_422 = arith.constant 0 : index
        %get3A_423 = tpu.vector_load %arg12[%get3A_421, %get3A_422] {strides = array<i32>} : memref<40x32xf32, #tpu.memory_space<vmem>>, vector<1x16xf32>,
        %get3A_424 = vector.shape_cast %get3A_423 : vector<1x16xf32> to vector<16xf32>
        %add3A_425 = arith.constant 160 : i32
        %add3A_426 = arith.addi %add3A_425, %scan3A_420 : i32
        %get3A_427 = arith.index_cast %add3A_426 : i32 to index
        %get3A_428 = arith.constant 0 : index
        %get3A_429 = tpu.vector_load %arg7[%get3A_427, %get3A_428] {strides = array<i32>} : memref<200x32xf32, #tpu.memory_space<vmem>>, vector<1x16xf32>,
        %get3A_430 = vector.shape_cast %get3A_429 : vector<1x16xf32> to vector<16xf32>
        %add3A_431 = arith.addf %get3A_424, %get3A_430 : vector<16xf32>
        %swap3A_432 = arith.index_cast %scan3A_420 : i32 to index
        %swap3A_433 = arith.constant 0 : index
        %swap3A_434 = tpu.vector_load %arg17[%swap3A_432, %swap3A_433] {strides = array<i32>} : memref<40x32xf32, #tpu.memory_space<vmem>>, vector<1x16xf32>,
        %swap3A_435 = vector.shape_cast %swap3A_434 : vector<1x16xf32> to vector<16xf32>
        %swap3A_436 = vector.shape_cast %add3A_431 : vector<16xf32> to vector<1x16xf32>
        tpu.vector_store %arg17[%swap3A_432, %swap3A_433], %swap3A_436 {strides = array<i32>} : memref<40x32xf32, #tpu.memory_space<vmem>>, vector<1x16xf32>,
        %get3A_437 = arith.index_cast %scan3A_420 : i32 to index
        %get3A_438 = arith.constant 16 : index
        %get3A_439 = tpu.vector_load %arg12[%get3A_437, %get3A_438] {strides = array<i32>} : memref<40x32xf32, #tpu.memory_space<vmem>>, vector<1x16xf32>,
        %get3A_440 = vector.shape_cast %get3A_439 : vector<1x16xf32> to vector<16xf32>
        %add3A_441 = arith.constant 160 : i32
        %add3A_442 = arith.addi %add3A_441, %scan3A_420 : i32
        %get3A_443 = arith.index_cast %add3A_442 : i32 to index
        %get3A_444 = arith.constant 16 : index
        %get3A_445 = tpu.vector_load %arg7[%get3A_443, %get3A_444] {strides = array<i32>} : memref<200x32xf32, #tpu.memory_space<vmem>>, vector<1x16xf32>,
        %get3A_446 = vector.shape_cast %get3A_445 : vector<1x16xf32> to vector<16xf32>
        %add3A_447 = arith.addf %get3A_440, %get3A_446 : vector<16xf32>
        %swap3A_448 = arith.index_cast %scan3A_420 : i32 to index
        %swap3A_449 = arith.constant 16 : index
        %swap3A_450 = tpu.vector_load %arg17[%swap3A_448, %swap3A_449] {strides = array<i32>} : memref<40x32xf32, #tpu.memory_space<vmem>>, vector<1x16xf32>,
        %swap3A_451 = vector.shape_cast %swap3A_450 : vector<1x16xf32> to vector<16xf32>
        %swap3A_452 = vector.shape_cast %add3A_447 : vector<16xf32> to vector<1x16xf32>
        tpu.vector_store %arg17[%swap3A_448, %swap3A_449], %swap3A_452 {strides = array<i32>} : memref<40x32xf32, #tpu.memory_space<vmem>>, vector<1x16xf32>,
        %scan3A_453 = arith.constant 7 : i32
        %scan3A_454 = arith.addi %scan3A_218, %scan3A_453 : i32
        %get3A_455 = arith.index_cast %scan3A_454 : i32 to index
        %get3A_456 = arith.constant 0 : index
        %get3A_457 = tpu.vector_load %arg12[%get3A_455, %get3A_456] {strides = array<i32>} : memref<40x32xf32, #tpu.memory_space<vmem>>, vector<1x16xf32>,
        %get3A_458 = vector.shape_cast %get3A_457 : vector<1x16xf32> to vector<16xf32>
        %add3A_459 = arith.constant 160 : i32
        %add3A_460 = arith.addi %add3A_459, %scan3A_454 : i32
        %get3A_461 = arith.index_cast %add3A_460 : i32 to index
        %get3A_462 = arith.constant 0 : index
        %get3A_463 = tpu.vector_load %arg7[%get3A_461, %get3A_462] {strides = array<i32>} : memref<200x32xf32, #tpu.memory_space<vmem>>, vector<1x16xf32>,
        %get3A_464 = vector.shape_cast %get3A_463 : vector<1x16xf32> to vector<16xf32>
        %add3A_465 = arith.addf %get3A_458, %get3A_464 : vector<16xf32>
        %swap3A_466 = arith.index_cast %scan3A_454 : i32 to index
        %swap3A_467 = arith.constant 0 : index
        %swap3A_468 = tpu.vector_load %arg17[%swap3A_466, %swap3A_467] {strides = array<i32>} : memref<40x32xf32, #tpu.memory_space<vmem>>, vector<1x16xf32>,
        %swap3A_469 = vector.shape_cast %swap3A_468 : vector<1x16xf32> to vector<16xf32>
        %swap3A_470 = vector.shape_cast %add3A_465 : vector<16xf32> to vector<1x16xf32>
        tpu.vector_store %arg17[%swap3A_466, %swap3A_467], %swap3A_470 {strides = array<i32>} : memref<40x32xf32, #tpu.memory_space<vmem>>, vector<1x16xf32>,
        %get3A_471 = arith.index_cast %scan3A_454 : i32 to index
        %get3A_472 = arith.constant 16 : index
        %get3A_473 = tpu.vector_load %arg12[%get3A_471, %get3A_472] {strides = array<i32>} : memref<40x32xf32, #tpu.memory_space<vmem>>, vector<1x16xf32>,
        %get3A_474 = vector.shape_cast %get3A_473 : vector<1x16xf32> to vector<16xf32>
        %add3A_475 = arith.constant 160 : i32
        %add3A_476 = arith.addi %add3A_475, %scan3A_454 : i32
        %get3A_477 = arith.index_cast %add3A_476 : i32 to index
        %get3A_478 = arith.constant 16 : index
        %get3A_479 = tpu.vector_load %arg7[%get3A_477, %get3A_478] {strides = array<i32>} : memref<200x32xf32, #tpu.memory_space<vmem>>, vector<1x16xf32>,
        %get3A_480 = vector.shape_cast %get3A_479 : vector<1x16xf32> to vector<16xf32>
        %add3A_481 = arith.addf %get3A_474, %get3A_480 : vector<16xf32>
        %swap3A_482 = arith.index_cast %scan3A_454 : i32 to index
        %swap3A_483 = arith.constant 16 : index
        %swap3A_484 = tpu.vector_load %arg17[%swap3A_482, %swap3A_483] {strides = array<i32>} : memref<40x32xf32, #tpu.memory_space<vmem>>, vector<1x16xf32>,
        %swap3A_485 = vector.shape_cast %swap3A_484 : vector<1x16xf32> to vector<16xf32>
        %swap3A_486 = vector.shape_cast %add3A_481 : vector<16xf32> to vector<1x16xf32>
        tpu.vector_store %arg17[%swap3A_482, %swap3A_483], %swap3A_486 {strides = array<i32>} : memref<40x32xf32, #tpu.memory_space<vmem>>, vector<1x16xf32>,
      }
      %scan3A_198 = arith.constant 40 : i32
      %gt3A_199 = arith.constant 0 : i32
      %gt3A_200 = arith.cmpi sgt, %scan3A_51, %gt3A_199 : i32
      %convert_element_type3A_201 = arith.extui %gt3A_200 : i1 to i32
      %cond3A_202 = arith.constant 0 : i32
      %cond3A_203 = arith.cmpi ne, %convert_element_type3A_201, %cond3A_202 : i32
      scf.if %cond3A_203 {
        %dma_wait3A_218 = arith.constant 0 : i32
        %dma_wait3A_219 = tpu.memref_slice %arg5[%mul3A_2, %dma_wait3A_218] : memref<819200x32xf32, #tpu.memory_space<hbm>> -> memref<40x32xf32, #tpu.memory_space<hbm>>
        %dma_wait3A_220 = arith.constant 0 : i32
        %dma_wait3A_221 = tpu.memref_slice %arg5[%mul3A_2, %dma_wait3A_220] : memref<819200x32xf32, #tpu.memory_space<hbm>> -> memref<40x32xf32, #tpu.memory_space<hbm>>
        tpu.wait_dma2 semaphore(%arg27 : memref<!tpu.dma_semaphore, #tpu.memory_space<semaphore_mem>>) src(%arg17 : memref<40x32xf32, #tpu.memory_space<vmem>>) dst(%dma_wait3A_221 : memref<40x32xf32, #tpu.memory_space<hbm>>)
      } else {
      }
      %mul3A_204 = arith.constant 40 : i32
      %mul3A_205 = arith.muli %add3A_187, %mul3A_204 : i32
      %add3A_206 = arith.addi %mul3A_2, %mul3A_205 : i32
      %dma_start3A_207 = arith.constant 0 : i32
      %dma_start3A_208 = tpu.memref_slice %arg5[%add3A_206, %dma_start3A_207] : memref<819200x32xf32, #tpu.memory_space<hbm>> -> memref<40x32xf32, #tpu.memory_space<hbm>>
      %dma_start3A_209 = arith.constant 0 : i32
      %dma_start3A_210 = tpu.memref_slice %arg5[%add3A_206, %dma_start3A_209] : memref<819200x32xf32, #tpu.memory_space<hbm>> -> memref<40x32xf32, #tpu.memory_space<hbm>>
      tpu.enqueue_dma source(%arg17 : memref<40x32xf32, #tpu.memory_space<vmem>>) target(%dma_start3A_210 : memref<40x32xf32, #tpu.memory_space<hbm>>) target_semaphore(%arg27 : memref<!tpu.dma_semaphore, #tpu.memory_space<semaphore_mem>>)
      %add3A_211 = arith.constant 1 : i32
      %add3A_212 = arith.addi %scan3A_51, %add3A_211 : i32
      %lt3A_213 = arith.constant 128 : i32
      %lt3A_214 = arith.cmpi slt, %add3A_212, %lt3A_213 : i32
      %convert_element_type3A_215 = arith.extui %lt3A_214 : i1 to i32
      %cond3A_216 = arith.constant 0 : i32
      %cond3A_217 = arith.cmpi ne, %convert_element_type3A_215, %cond3A_216 : i32
      scf.if %cond3A_217 {
        %add3A_218 = arith.constant 5 : i32
        %add3A_219 = arith.addi %add3A_187, %add3A_218 : i32
        %mul3A_220 = arith.constant 40 : i32
        %mul3A_221 = arith.muli %add3A_219, %mul3A_220 : i32
        %dma_start3A_222 = tpu.memref_slice %arg6[%mul3A_221] : memref<25600xi32, #tpu.memory_space<vmem>> -> memref<40xi32, #tpu.memory_space<vmem>>
        %dma_start3A_223 = arith.constant 0 : i32
        %dma_start3A_224 = arith.constant 0 : i32
        %dma_start3A_225 = tpu.memref_slice %arg3[%dma_start3A_223, %dma_start3A_224] : memref<1000000x32xf32, #tpu.memory_space<hbm>> -> memref<1000000x32xf32, #tpu.memory_space<hbm>>
        tpu.enqueue_indirect_dma source(%dma_start3A_225 : memref<1000000x32xf32, #tpu.memory_space<hbm>>) target(%arg12 : memref<40x32xf32, #tpu.memory_space<vmem>>) offsets(%dma_start3A_222 : memref<40xi32, #tpu.memory_space<vmem>>) semaphore(%arg22 : memref<!tpu.dma_semaphore, #tpu.memory_space<semaphore_mem>>)
      } else {
      }
    }
    %scan3A_31 = arith.constant 128 : i32
    %dma_wait3A = arith.constant 0 : i32
    %dma_wait3A_32 = tpu.memref_slice %arg5[%mul3A_2, %dma_wait3A] : memref<819200x32xf32, #tpu.memory_space<hbm>> -> memref<40x32xf32, #tpu.memory_space<hbm>>
    %dma_wait3A_33 = arith.constant 0 : i32
    %dma_wait3A_34 = tpu.memref_slice %arg5[%mul3A_2, %dma_wait3A_33] : memref<819200x32xf32, #tpu.memory_space<hbm>> -> memref<40x32xf32, #tpu.memory_space<hbm>>
    tpu.wait_dma2 semaphore(%arg23 : memref<!tpu.dma_semaphore, #tpu.memory_space<semaphore_mem>>) src(%arg13 : memref<40x32xf32, #tpu.memory_space<vmem>>) dst(%dma_wait3A_34 : memref<40x32xf32, #tpu.memory_space<hbm>>)
    %dma_wait3A_35 = arith.constant 0 : i32
    %dma_wait3A_36 = tpu.memref_slice %arg5[%mul3A_2, %dma_wait3A_35] : memref<819200x32xf32, #tpu.memory_space<hbm>> -> memref<40x32xf32, #tpu.memory_space<hbm>>
    %dma_wait3A_37 = arith.constant 0 : i32
    %dma_wait3A_38 = tpu.memref_slice %arg5[%mul3A_2, %dma_wait3A_37] : memref<819200x32xf32, #tpu.memory_space<hbm>> -> memref<40x32xf32, #tpu.memory_space<hbm>>
    tpu.wait_dma2 semaphore(%arg24 : memref<!tpu.dma_semaphore, #tpu.memory_space<semaphore_mem>>) src(%arg14 : memref<40x32xf32, #tpu.memory_space<vmem>>) dst(%dma_wait3A_38 : memref<40x32xf32, #tpu.memory_space<hbm>>)
    %dma_wait3A_39 = arith.constant 0 : i32
    %dma_wait3A_40 = tpu.memref_slice %arg5[%mul3A_2, %dma_wait3A_39] : memref<819200x32xf32, #tpu.memory_space<hbm>> -> memref<40x32xf32, #tpu.memory_space<hbm>>
    %dma_wait3A_41 = arith.constant 0 : i32
    %dma_wait3A_42 = tpu.memref_slice %arg5[%mul3A_2, %dma_wait3A_41] : memref<819200x32xf32, #tpu.memory_space<hbm>> -> memref<40x32xf32, #tpu.memory_space<hbm>>
    tpu.wait_dma2 semaphore(%arg25 : memref<!tpu.dma_semaphore, #tpu.memory_space<semaphore_mem>>) src(%arg15 : memref<40x32xf32, #tpu.memory_space<vmem>>) dst(%dma_wait3A_42 : memref<40x32xf32, #tpu.memory_space<hbm>>)
    %dma_wait3A_43 = arith.constant 0 : i32
    %dma_wait3A_44 = tpu.memref_slice %arg5[%mul3A_2, %dma_wait3A_43] : memref<819200x32xf32, #tpu.memory_space<hbm>> -> memref<40x32xf32, #tpu.memory_space<hbm>>
    %dma_wait3A_45 = arith.constant 0 : i32
    %dma_wait3A_46 = tpu.memref_slice %arg5[%mul3A_2, %dma_wait3A_45] : memref<819200x32xf32, #tpu.memory_space<hbm>> -> memref<40x32xf32, #tpu.memory_space<hbm>>
    tpu.wait_dma2 semaphore(%arg26 : memref<!tpu.dma_semaphore, #tpu.memory_space<semaphore_mem>>) src(%arg16 : memref<40x32xf32, #tpu.memory_space<vmem>>) dst(%dma_wait3A_46 : memref<40x32xf32, #tpu.memory_space<hbm>>)
    %dma_wait3A_47 = arith.constant 0 : i32
    %dma_wait3A_48 = tpu.memref_slice %arg5[%mul3A_2, %dma_wait3A_47] : memref<819200x32xf32, #tpu.memory_space<hbm>> -> memref<40x32xf32, #tpu.memory_space<hbm>>
    %dma_wait3A_49 = arith.constant 0 : i32
    %dma_wait3A_50 = tpu.memref_slice %arg5[%mul3A_2, %dma_wait3A_49] : memref<819200x32xf32, #tpu.memory_space<hbm>> -> memref<40x32xf32, #tpu.memory_space<hbm>>
    tpu.wait_dma2 semaphore(%arg27 : memref<!tpu.dma_semaphore, #tpu.memory_space<semaphore_mem>>) src(%arg17 : memref<40x32xf32, #tpu.memory_space<vmem>>) dst(%dma_wait3A_50 : memref<40x32xf32, #tpu.memory_space<hbm>>)
    return
  }
}

</mosaic_0001>

<sc_bundles>
// kernel: kernel.3.cloned.1.call-start
scs
__scs_entry_jumppad:
0x0: {  	(pc) =	sbr.rel $0x88, $3  }
0x1: {  	(tag) =	ssettag $0x0;
	lr =	simm.s32 $0x1  }
0x2: {  	[smem:$0x3F9E] =	sst lr;
	_ =	strace $0xD0000000  }
0x3: {  	_ = 	snop  }
0x4: {  	_ = 	snop  }
0x5: {  	_ = 	snop  }
0x6: {  	_ = 	snop  }
0x7: {  	_ = 	snop  }
__scs_overlays_trampoline_lowered:
0x8: {  	[smem:$0x3FAD] =	sst s0  }
0x9: {  	[smem:$0x3FAE] =	sst s1  }
0xa: {  	[smem:$0x3FAF] =	sst s2  }
0xb: {  	[smem:$0x3FB0] =	sst s3  }
0xc: {  	[smem:$0x3FB1] =	sst s4  }
0xd: {  	[smem:$0x3FB2] =	sst s5  }
0xe: {  	[smem:$0x3FB3] =	sst s6  }
0xf: {  	[smem:$0x3FB4] =	sst s7  }
0x10: {  	[smem:$0x3FB5] =	sst s8  }
0x11: {  	[smem:$0x3FB6] =	sst s9;
	s0 =	simm.s32 @!p0 $0x0  }
0x12: {  	s1 =	sld [smem:$0x3F9C];
	s0 =	simm.s32 @p0 $0x1  }
0x13: {  	[smem:$0x3FB7] =	sst s0;
	s0 =	simm.s32 @!p1 $0x0  }
0x14: {  	s2 =	sld [smem:$0x3F9B];
	s0 =	simm.s32 @p1 $0x1  }
0x15: {  	[smem:$0x3FB8] =	sst s0;
	s0 =	simm.s32 @!p2 $0x0  }
0x16: {  	s3 =	sld [smem:$0x3FDB];
	s0 =	simm.s32 @p2 $0x1  }
0x17: {  	s4 =	simm.s32 $0x1BF5;
	[smem:$0x3FBA] =	sst s0  }
0x18: {  	s0 =	sld [smem:$0x3F9D];
	_ =	swait.ge [sflag:s4], $0x0  }
0x19: {  	s7 =	sld [smem:$0x3F9E]  }
0x1a: {  	s8 =	sadd.s32 $0xFFFFE003, lr  }
0x1b: {  	s9 =	sadd.s32 $0xFFFFFEF7, lr;
	s5 =	simm.s32 $0xFFFFFFFF;
	p2 =	slt.u32 s8, $0xFFFFF086  }
0x1c: {  	p1 =	slt.u32 s9, $0xF7A;
	s5 =	simm.s32 @!p2 $0x0  }
0x1d: {  	s5 =	simm.s32 @p1 $0x1;
	p0 =	seq.s32 s7, s2  }
0x1e: {  	s7 =	smul.u32 @!p0 $0xF7A, s2;
	p2 =	seq.s32 @!p0 s5, $0x0  }
0x1f: {  	s9 =	smul.u32 $0xF7A, s1;
	s8 =	simm.s32 @!p0 $0x1BF5;
	p2 =	por !p2, p0  }
0x20: {  	[sflag:s8] =	ssyncset.s32 @!p0 $0xFFFFF086;
	s6 =	sadd.s32 @!p0 s3, s7;
	s7 =	simm.s32 @!p0 $0x108  }
0x21: {  	s3 =	sadd.s32 s3, s9;
	s6 =	sadd.s32 @!p0 $0x88, s6;
	s7 =	simm.s32 @p2 $0x1082  }
0x22: {  	[simem:s7], [sflag:s8] =	dma.local @!p0 [hbm:s6], $0xF7A  }
0x23: {  	s9 =	sor.u32 $0xD0000000, s2;
	s6 =	simm.s32 $0x108;
	_ =	swait.ge @!p0 [sflag:s8], $0x0  }
0x24: {  	s3 =	sadd.s32 $0x88, s3;
	s6 =	simm.s32 @!p1 $0x1082;
	[sflag:s4] =	ssyncset.s32 $0xFFFFF086  }
0x25: {  	[simem:s6], [sflag:s4] =	dma.local [hbm:s3], $0xF7A  }
0x26: {  	[smem:$0x3F9E] =	sst s1;
	(tag) =	ssettag s2;
	_ =	strace s9  }
0x27: {  	s1 =	sld [smem:$0x3FAE]  }
0x28: {  	s2 =	sld [smem:$0x3FAF]  }
0x29: {  	s4 =	sld [smem:$0x3FB1]  }
0x2a: {  	p0 =	seq.s32 s5, $0x0;
	s5 =	sld [smem:$0x3FB2]  }
0x2b: {  	s6 =	sld [smem:$0x3FB3]  }
0x2c: {  	s7 =	sld [smem:$0x3FB4]  }
0x2d: {  	s3 =	simm.s32 $0x108;
	s8 =	sld [smem:$0x3FB5]  }
0x2e: {  	s3 =	simm.s32 @!p0 $0x1082;
	s9 =	sld [smem:$0x3FB6]  }
0x2f: {  	lr =	sadd.s32 s0, s3;
	s0 =	sld [smem:$0x3FAD]  }
0x30: {  	s3 =	sld [smem:$0x3FB0]  }
0x31: {  	[smem:$0x3FB9] =	sst s10  }
0x32: {  	s10 =	sld [smem:$0x3FB7];
	_ =	sdelay $0x3  }
0x33: {  	p0 =	seq.s32 s10, $0x1;
	s10 =	sld [smem:$0x3FB9];
	_ =	sdelay $0x3  }
0x34: {  	[smem:$0x3FB9] =	sst s10  }
0x35: {  	s10 =	sld [smem:$0x3FB8];
	_ =	sdelay $0x3  }
0x36: {  	p1 =	seq.s32 s10, $0x1;
	s10 =	sld [smem:$0x3FB9];
	_ =	sdelay $0x3  }
0x37: {  	[smem:$0x3FB9] =	sst s10  }
0x38: {  	s10 =	sld [smem:$0x3FBA]  }
0x39: {  	_ = 	snop;
	(pc) =	sbr.ind lr, $3  }
0x3a: {  	_ = 	snop  }
0x3b: {  	_ = 	snop  }
0x3c: {  	p2 =	seq.s32 s10, $0x1;
	s10 =	sld [smem:$0x3FB9]  }
0x3d: {  	_ =	shalt  }
0x3e: {  	_ =	shalt  }
0x3f: {  	_ =	shalt  }
0x40: {  	_ =	shalt  }
0x41: {  	_ =	shalt  }
0x42: {  	_ =	shalt  }
0x43: {  	_ =	shalt  }
0x44: {  	_ =	shalt  }
0x45: {  	_ =	shalt  }
0x46: {  	_ =	shalt  }
0x47: {  	_ =	shalt  }
0x48: {  	_ =	shalt  }
0x49: {  	_ =	shalt  }
0x4a: {  	_ =	shalt  }
0x4b: {  	_ =	shalt  }
0x4c: {  	_ =	shalt  }
0x4d: {  	_ =	shalt  }
0x4e: {  	_ =	shalt  }
0x4f: {  	_ =	shalt  }
0x50: {  	_ =	shalt  }
0x51: {  	_ =	shalt  }
0x52: {  	_ =	shalt  }
0x53: {  	_ =	shalt  }
0x54: {  	_ =	shalt  }
0x55: {  	_ =	shalt  }
0x56: {  	_ =	shalt  }
0x57: {  	_ =	shalt  }
0x58: {  	_ =	shalt  }
0x59: {  	_ =	shalt  }
0x5a: {  	_ =	shalt  }
0x5b: {  	_ =	shalt  }
0x5c: {  	_ =	shalt  }
0x5d: {  	_ =	shalt  }
0x5e: {  	_ =	shalt  }
0x5f: {  	_ =	shalt  }
0x60: {  	_ =	shalt  }
0x61: {  	_ =	shalt  }
0x62: {  	_ =	shalt  }
0x63: {  	_ =	shalt  }
0x64: {  	_ =	shalt  }
0x65: {  	_ =	shalt  }
0x66: {  	_ =	shalt  }
0x67: {  	_ =	shalt  }
0x68: {  	_ =	shalt  }
0x69: {  	_ =	shalt  }
0x6a: {  	_ =	shalt  }
0x6b: {  	_ =	shalt  }
0x6c: {  	_ =	shalt  }
0x6d: {  	_ =	shalt  }
0x6e: {  	_ =	shalt  }
0x6f: {  	_ =	shalt  }
0x70: {  	_ =	shalt  }
0x71: {  	_ =	shalt  }
0x72: {  	_ =	shalt  }
0x73: {  	_ =	shalt  }
0x74: {  	_ =	shalt  }
0x75: {  	_ =	shalt  }
0x76: {  	_ =	shalt  }
0x77: {  	_ =	shalt  }
0x78: {  	_ =	shalt  }
0x79: {  	_ =	shalt  }
0x7a: {  	_ =	shalt  }
0x7b: {  	_ =	shalt  }
0x7c: {  	_ =	shalt  }
0x7d: {  	_ =	shalt  }
0x7e: {  	_ =	shalt  }
0x7f: {  	_ =	shalt  }
0x80: {  	_ =	shalt  }
0x81: {  	_ =	shalt  }
0x82: {  	_ =	shalt  }
0x83: {  	_ =	shalt  }
0x84: {  	_ =	shalt  }
0x85: {  	_ =	shalt  }
0x86: {  	_ =	shalt  }
0x87: {  	_ =	shalt  }
.Lfunc_end0:
.L_simem_size_0:
called_computation.1_lowered:
.L_overlay_start_0:
0x88: {  	s2 =	sld [smem:$0x3FD9]  }
0x89: {  	s3 =	sld [smem:$0x3FFE];
	_ =	sdelay $0x1  }
0x8a: {  	s1 =	srdreg.scid  }
0x8b: {  	s0 =	sand.u32 $0x1, s1  }
0x8c: {  	s17 =	sshll.u32 s0, $0xA;
	s2 =	sadd.s32 s3, s2  }
0x8d: {  	s2 =	sadd.s32 s2, s17  }
0x8e: {  	[smem:$0x3FC5] =	sst s2  }
0x8f: {  	_ = 	snop  }
0x90: {  	s2 =	sld [smem:$0x3FD0];
	(tm) =	ssettm $0x1  }
0x91: {  	s18 =	sld [smem:$0x3FFB];
	_ =	sdelay $0x3  }
0x92: {  	_ =	strace s18  }
0x93: {  	s3 =	sld [smem:$0x3FFC];
	_ =	sdelay $0x3  }
0x94: {  	_ =	strace s3  }
0x95: {  	s3 =	sld [smem:$0x3FFD];
	_ =	sdelay $0x3  }
0x96: {  	_ =	strace s3  }
0x97: {  	_ =	strace $0x8FFFFFFF  }
0x98: {  	s19 =	sld [smem:$0x3FDB];
	_ =	sdelay $0x1  }
0x99: {  	s4 =	simm.s32 $_scs_section_size  }
0x9a: {  	s5 =	simm.s32 $_size__tile_overlayer_lowered;
	s6 =	simm.s32 $_tile_overlayer_lowered  }
0x9b: {  	s22 =	simm.s32 $0x1BFF;
	s21 =	sshll.u32 s6, $0x1;
	s3 =	sadd.s32 s4, s19  }
0x9c: {  	s7 =	simm.s32 $0x0;
	s20 =	sshll.u32 s5, $0x1;
	s5 =	sadd.s32 s21, s3  }
0x9d: {  	[timem:s7], [sflag:s22] =	dma.local [hbm:s5], s20  }
0x9e: {  	_ =	swait.ge [sflag:s22], s20  }
0x9f: {  	s4 =	ssub.s32 $0x0, s20;
	[sflag:s22] =	ssyncset.done $0x0  }
0xa0: {  	[sflag:s22] =	ssyncadd.s32 s4;
	_ =	sdelay $0x1  }
0xa1: {  	s23 =	simm.s32 $0x1B8B  }
0xa2: {  	_ =	swait.ge [sflag:s23], $0x1  }
0xa3: {  	[sflag:s23] =	ssyncset.done $0x0  }
0xa4: {  	s25 =	simm.s32 $0x1B8E;
	s24 =	sld [smem:$0x3FFE];
	[sflag:s23] =	ssyncadd.s32 $0xFFFFFFFF  }
0xa5: {  	s26 =	simm.s32 $execute0_lowered;
	[smem:$0x3FD2] =	sst s25  }
0xa6: {  	s5 =	sshll.u32 s26, $0x1;
	_ =	strace $0x80000046;
	[dreg:$0x1] =	wrdreg $0xFFFFFFFF  }
0xa7: {  	s28 =	simm.s32 $_size_execute0_lowered;
	s3 =	sadd.s32 s3, s5;
	[dreg:$0x0] =	wrdreg $0x0  }
0xa8: {  	s5 =	sshll.u32 s28, $0x1;
	[dreg:$0x2] =	wrdreg s3  }
0xa9: {  	[dreg:$0x3] =	wrdreg s5  }
0xaa: {  	[dreg:$0x4] =	wrdreg $0xC0  }
0xab: {  	_ =	task [dreg:s7], $0x5FFFF  }
0xac: {  	[dreg:$0x1] =	wrdreg $0xFFFFFFFF  }
0xad: {  	[dreg:$0x0] =	wrdreg $0x60  }
0xae: {  	[dreg:$0x2] =	wrdreg s24  }
0xaf: {  	[dreg:$0x3] =	wrdreg s2  }
0xb0: {  	[dreg:$0x4] =	wrdreg $0x9  }
0xb1: {  	_ =	task.clear_ibuf [dreg:s7], $0x5FFFF;
	_ =	strace $0x90000046  }
0xb2: {  	s29 =	simm.s32 $0x9;
	_ =	strace $0x80000048  }
0xb3: {  	_ =	swait.ge [sflag:s29], $0x1  }
0xb4: {  	[sflag:s29] =	ssyncadd.s32 $0xFFFFFFFF  }
0xb5: {  	_ =	strace $0x90000048  }
0xb6: {  	_ =	sfence  }
0xb7: {  	s30 =	sld [smem:$0x0];
	_ =	sdelay $0x2  }
0xb8: {  	s31 =	sshll.u32 s1, $0xD;
	s1 =	sshrl.u32 s1, $0x2  }
0xb9: {  	s3 =	sand.u32 $0x4000, s31;
	s1 =	sadd.s32 s1, s30  }
0xba: {  	s0 =	sor.u32 s3, s0;
	s1 =	sshll.u32 s1, $0x11  }
0xbb: {  	s0 =	sor.u32 s1, s0  }
0xbc: {  	s0 =	sadd.s32 $0x8F2B, s0  }
0xbd: {  	[sflag:s0] =	ssyncadd.remote.s32 $0x1  }
0xbe: {  	_ =	sfence.sel $0xFFFF  }
0xbf: {  	[dreg:$0x0] =	wrdreg $0xFFFFFFFF;
	(pc) =	sbr.abs _section_cstart, $3  }
0xc0: {  	[dreg:$0x1] =	wrdreg $0xFFFFFFFF  }
0xc1: {  	_ =	task.clear_ibuf [dreg:s7], $0x2FFFF;
	_ =	strace $0x9FFFFFFF  }
0xc2: {  	(tm) =	ssettm $0x7FFFFFFF  }
0xc3: {  	_ =	shalt  }
tec
execute0_lowered:
.L_overlay_start_1:
0x0: {  	(tag) =	ssettag $0x1  }
0x1: {  	s0 =	srdreg.scid;
	s6 =	rddreg [dreg:$0x0]  }
0x2: {  	s1 =	stileid.u32;
	s2 =	rddreg [dreg:$0x1]  }
0x3: {  	s4 =	simm.s32 $0x0;
	s14 =	simm.s32 $0xB;
	s15 =	simm.s32 $0x28  }
0x4: {  	s24 =	simm.s32 $0x1;
	s25 =	simm.s32 $0x9600;
	s26 =	simm.s32 $0x2  }
0x5: {  	s28 =	simm.s32 $0x9B00;
	s29 =	simm.s32 $0x3;
	s30 =	simm.s32 $0xA000  }
0x6: {  	s31 =	simm.s32 $0x4;
	s0 =	sand.u32 $0x1, s0;
	s1 =	sshll.u32 s1, $0x1  }
0x7: {  	s13 =	simm.s32 $0xAA00;
	s21 =	simm.s32 $0x0;
	s1 =	sor.u32 s0, s1  }
0x8: {  	[smem:$0x7FF] =	sst s4;
	s0 =	ssub.s32 $0x2, s0;
	s3 =	smul.u32 $0x6400, s1  }
0x9: {  	s5 =	sadd.s32 $0xF43000, s6;
	_ =	strace $0x80000047;
	s7 =	sshrl.u32 s0, $0x1  }
0xa: {  	s0 =	ssub.s32 s0, s7;
	s1 =	sshrl.u32 s3, $0x3;
	s8 =	sor.u32 $0x28, s3  }
0xb: {  	s9 =	sor.u32 $0x50, s3;
	s10 =	sor.u32 $0x78, s3;
	s0 =	smax.u32 s0, $0x1  }
0xc: {  	s1 =	sadd.s32 s1, s6;
	s6 =	sadd.s32 $0x19C00, s6;
	[dreg:$0x5] =	wrdreg s0  }
0xd: {  	s11 =	sor.u32 $0xA0, s3;
	[dreg:$0x3] =	wrdreg s6;
	s1 =	sadd.s32 $0xC00, s1  }
0xe: {  	s0 =	simm.s32 $0x5;
	[dreg:$0x4] =	wrdreg s1;
	s1 =	simm.s32 $0xA500  }
.LBB2_1:
0xf: {  	s6 =	rddreg [dreg:$0x3];
	s7 =	simm.s32 $0x6400  }
0x10: {  	[tilespmem:s7], [sflag:$0xB] =	stream.linear.gather [hbm4b:s6+s4], $0x1900, $0x38;
	[tilespmem:$0xAF00] =	vst v63  }
0x11: {  	_ =	swait.ge [sflag:s14], $0x1900  }
0x12: {  	[sflag:s14] =	ssyncset.done $0x0  }
0x13: {  	s7 =	rddreg [dreg:$0x4];
	[sflag:s14] =	ssyncadd.s32 $0xFFFFE700  }
0x14: {  	[tilespmem:s4], [sflag:$0xB] =	stream.linear.gather [hbm4b:s7+s4], $0x6400, $0x38;
	[tilespmem:$0xAF00] =	vst v63  }
0x15: {  	_ =	swait.ge [sflag:s14], $0x6400  }
0x16: {  	[sflag:s14] =	ssyncset.done $0x0  }
0x17: {  	s12 =	simm.s32 $0x7D00;
	[sflag:s14] =	ssyncadd.s32 $0xFFFF9C00  }
0x18: {  	[tilespmem:s12], [sflag:$0x1] =	stream.indirect.gather [hbm4b:s5+s15], $0x20, s4, s15, $0xb8;
	[tilespmem:$0xAF00] =	vst v63  }
0x19: {  	s16 =	simm.s32 $0x8200  }
0x1a: {  	[tilespmem:s16], [sflag:$0x2] =	stream.indirect.gather [hbm4b:s5+s15], $0x20, s15, s15, $0xb8;
	[tilespmem:$0xAF00] =	vst v63  }
0x1b: {  	s17 =	simm.s32 $0x50;
	s18 =	simm.s32 $0x8700  }
0x1c: {  	[tilespmem:s18], [sflag:$0x3] =	stream.indirect.gather [hbm4b:s5+s15], $0x20, s17, s15, $0xb8;
	[tilespmem:$0xAF00] =	vst v63  }
0x1d: {  	s19 =	simm.s32 $0x78;
	s20 =	simm.s32 $0x8C00  }
0x1e: {  	[tilespmem:s20], [sflag:$0x4] =	stream.indirect.gather [hbm4b:s5+s15], $0x20, s19, s15, $0xb8;
	[tilespmem:$0xAF00] =	vst v63  }
0x1f: {  	s22 =	simm.s32 $0xA0;
	s23 =	simm.s32 $0x9100;
	s6 =	simm.s32 $0x0  }
0x20: {  	[tilespmem:s23], [sflag:$0x5] =	stream.indirect.gather [hbm4b:s5+s15], $0x20, s22, s15, $0xb8;
	[tilespmem:$0xAF00] =	vst v63  }
.LBB2_2:
0x21: {  	_ =	swait.ge [sflag:s24], $0x500  }
0x22: {  	[sflag:s24] =	ssyncset.done $0x0  }
0x23: {  	s7 =	simm.s32 $0x7D80;
	[sflag:s24] =	ssyncadd.s32 $0xFFFFFB00  }
0x24: {  	s12 =	simm.s32 $0x6480;
	v0 =	vld [tilespmem:s7+$0xFFFFFF80]  }
0x25: {  	v1 =	vld [tilespmem:s12+$0xFFFFFF80];
	_ =	sdelay $0x4  }
0x26: {  	v0 =	vadd.f32 v1, v0  }
0x27: {  	s23 =	simm.s32 $0x9680  }
0x28: {  	[tilespmem:s23+$0xFFFFFF80] =	vst v0  }
0x29: {  	v0 =	vld [tilespmem:s12+$0xFFFFFF90]  }
0x2a: {  	v1 =	vld [tilespmem:s7+$0xFFFFFF90];
	_ =	sdelay $0x4  }
0x2b: {  	v0 =	vadd.f32 v0, v1;
	_ =	sdelay $0x1  }
0x2c: {  	[tilespmem:s23+$0xFFFFFF90] =	vst v0  }
0x2d: {  	v0 =	vld [tilespmem:s7+$0xFFFFFFA0]  }
0x2e: {  	v1 =	vld [tilespmem:s12+$0xFFFFFFA0];
	_ =	sdelay $0x4  }
0x2f: {  	v0 =	vadd.f32 v1, v0;
	_ =	sdelay $0x1  }
0x30: {  	[tilespmem:s23+$0xFFFFFFA0] =	vst v0  }
0x31: {  	v0 =	vld [tilespmem:s7+$0xFFFFFFB0]  }
0x32: {  	v1 =	vld [tilespmem:s12+$0xFFFFFFB0];
	_ =	sdelay $0x4  }
0x33: {  	v0 =	vadd.f32 v1, v0;
	_ =	sdelay $0x1  }
0x34: {  	[tilespmem:s23+$0xFFFFFFB0] =	vst v0  }
0x35: {  	v0 =	vld [tilespmem:s7+$0xFFFFFFC0]  }
0x36: {  	v1 =	vld [tilespmem:s12+$0xFFFFFFC0];
	_ =	sdelay $0x4  }
0x37: {  	v0 =	vadd.f32 v1, v0;
	_ =	sdelay $0x1  }
0x38: {  	[tilespmem:s23+$0xFFFFFFC0] =	vst v0  }
0x39: {  	v0 =	vld [tilespmem:s7+$0xFFFFFFD0]  }
0x3a: {  	v1 =	vld [tilespmem:s12+$0xFFFFFFD0];
	_ =	sdelay $0x4  }
0x3b: {  	v0 =	vadd.f32 v1, v0;
	_ =	sdelay $0x1  }
0x3c: {  	[tilespmem:s23+$0xFFFFFFD0] =	vst v0  }
0x3d: {  	v0 =	vld [tilespmem:s7+$0xFFFFFFE0]  }
0x3e: {  	v1 =	vld [tilespmem:s12+$0xFFFFFFE0];
	_ =	sdelay $0x4  }
0x3f: {  	v0 =	vadd.f32 v1, v0;
	_ =	sdelay $0x1  }
0x40: {  	[tilespmem:s23+$0xFFFFFFE0] =	vst v0  }
0x41: {  	v0 =	vld [tilespmem:s7+$0xFFFFFFF0]  }
0x42: {  	v1 =	vld [tilespmem:s12+$0xFFFFFFF0];
	_ =	sdelay $0x4  }
0x43: {  	v0 =	vadd.f32 v1, v0;
	_ =	sdelay $0x1  }
0x44: {  	[tilespmem:s23+$0xFFFFFFF0] =	vst v0  }
0x45: {  	v0 =	vld [tilespmem:s7+$0x0]  }
0x46: {  	v1 =	vld [tilespmem:s12+$0x0];
	_ =	sdelay $0x4  }
0x47: {  	v0 =	vadd.f32 v1, v0;
	_ =	sdelay $0x1  }
0x48: {  	[tilespmem:s23+$0x0] =	vst v0  }
0x49: {  	v0 =	vld [tilespmem:s7+$0x10]  }
0x4a: {  	v1 =	vld [tilespmem:s12+$0x10];
	_ =	sdelay $0x4  }
0x4b: {  	v0 =	vadd.f32 v1, v0;
	_ =	sdelay $0x1  }
0x4c: {  	[tilespmem:s23+$0x10] =	vst v0  }
0x4d: {  	v0 =	vld [tilespmem:s7+$0x20]  }
0x4e: {  	v1 =	vld [tilespmem:s12+$0x20];
	_ =	sdelay $0x4  }
0x4f: {  	v0 =	vadd.f32 v1, v0;
	_ =	sdelay $0x1  }
0x50: {  	[tilespmem:s23+$0x20] =	vst v0  }
0x51: {  	v0 =	vld [tilespmem:s7+$0x30]  }
0x52: {  	v1 =	vld [tilespmem:s12+$0x30];
	_ =	sdelay $0x4  }
0x53: {  	v0 =	vadd.f32 v1, v0;
	_ =	sdelay $0x1  }
0x54: {  	[tilespmem:s23+$0x30] =	vst v0  }
0x55: {  	v0 =	vld [tilespmem:s7+$0x40]  }
0x56: {  	v1 =	vld [tilespmem:s12+$0x40];
	_ =	sdelay $0x4  }
0x57: {  	v0 =	vadd.f32 v1, v0;
	_ =	sdelay $0x1  }
0x58: {  	[tilespmem:s23+$0x40] =	vst v0  }
0x59: {  	v0 =	vld [tilespmem:s7+$0x50]  }
0x5a: {  	v1 =	vld [tilespmem:s12+$0x50];
	_ =	sdelay $0x4  }
0x5b: {  	v0 =	vadd.f32 v1, v0;
	_ =	sdelay $0x1  }
0x5c: {  	[tilespmem:s23+$0x50] =	vst v0  }
0x5d: {  	s16 =	simm.s32 $0x0;
	v0 =	vld [tilespmem:s7+$0x60]  }
0x5e: {  	s18 =	simm.s32 $0x9780;
	s17 =	simm.s32 $0x7D80;
	s22 =	simm.s32 $0x6480;
	v1 =	vld [tilespmem:s12+$0x60]  }
.LBB2_3:
0x5f: {  	s16 =	sadd.s32 $0x8, s16;
	s7 =	sadd.s32 $0x100, s7;
	s12 =	sadd.s32 $0x100, s12  }
0x60: {  	p0 =	slt.u32 s16, $0x20;
	_ =	sdelay $0x2  }
0x61: {  	v0 =	vadd.f32 v1, v0;
	_ =	sdelay $0x1  }
0x62: {  	[tilespmem:s23+$0x60] =	vst v0  }
0x63: {  	v0 =	vld [tilespmem:s17+$0x70];
	s17 =	smov.u32 s7  }
0x64: {  	v1 =	vld [tilespmem:s22+$0x70];
	s22 =	smov.u32 s12;
	_ =	sdelay $0x4  }
0x65: {  	v0 =	vadd.f32 v1, v0;
	_ =	sdelay $0x1  }
0x66: {  	[tilespmem:s23+$0x70] =	vst v0;
	s23 =	smov.u32 s18  }
0x67: {  	v0 =	vld [tilespmem:s7+$0xFFFFFF80]  }
0x68: {  	v1 =	vld [tilespmem:s12+$0xFFFFFF80];
	_ =	sdelay $0x4  }
0x69: {  	v0 =	vadd.f32 v1, v0;
	_ =	sdelay $0x1  }
0x6a: {  	[tilespmem:s18+$0xFFFFFF80] =	vst v0  }
0x6b: {  	v0 =	vld [tilespmem:s12+$0xFFFFFF90]  }
0x6c: {  	v1 =	vld [tilespmem:s7+$0xFFFFFF90];
	_ =	sdelay $0x4  }
0x6d: {  	v0 =	vadd.f32 v0, v1;
	_ =	sdelay $0x1  }
0x6e: {  	[tilespmem:s18+$0xFFFFFF90] =	vst v0  }
0x6f: {  	v0 =	vld [tilespmem:s7+$0xFFFFFFA0]  }
0x70: {  	v1 =	vld [tilespmem:s12+$0xFFFFFFA0];
	_ =	sdelay $0x4  }
0x71: {  	v0 =	vadd.f32 v1, v0;
	_ =	sdelay $0x1  }
0x72: {  	[tilespmem:s18+$0xFFFFFFA0] =	vst v0  }
0x73: {  	v0 =	vld [tilespmem:s7+$0xFFFFFFB0]  }
0x74: {  	v1 =	vld [tilespmem:s12+$0xFFFFFFB0];
	_ =	sdelay $0x4  }
0x75: {  	v0 =	vadd.f32 v1, v0;
	_ =	sdelay $0x1  }
0x76: {  	[tilespmem:s18+$0xFFFFFFB0] =	vst v0  }
0x77: {  	v0 =	vld [tilespmem:s7+$0xFFFFFFC0]  }
0x78: {  	v1 =	vld [tilespmem:s12+$0xFFFFFFC0];
	_ =	sdelay $0x4  }
0x79: {  	v0 =	vadd.f32 v1, v0;
	_ =	sdelay $0x1  }
0x7a: {  	[tilespmem:s18+$0xFFFFFFC0] =	vst v0  }
0x7b: {  	v0 =	vld [tilespmem:s7+$0xFFFFFFD0]  }
0x7c: {  	v1 =	vld [tilespmem:s12+$0xFFFFFFD0];
	_ =	sdelay $0x4  }
0x7d: {  	v0 =	vadd.f32 v1, v0;
	_ =	sdelay $0x1  }
0x7e: {  	[tilespmem:s18+$0xFFFFFFD0] =	vst v0  }
0x7f: {  	v0 =	vld [tilespmem:s7+$0xFFFFFFE0]  }
0x80: {  	v1 =	vld [tilespmem:s12+$0xFFFFFFE0];
	_ =	sdelay $0x4  }
0x81: {  	v0 =	vadd.f32 v1, v0;
	_ =	sdelay $0x1  }
0x82: {  	[tilespmem:s18+$0xFFFFFFE0] =	vst v0  }
0x83: {  	v0 =	vld [tilespmem:s7+$0xFFFFFFF0]  }
0x84: {  	v1 =	vld [tilespmem:s12+$0xFFFFFFF0];
	_ =	sdelay $0x4  }
0x85: {  	v0 =	vadd.f32 v1, v0;
	_ =	sdelay $0x1  }
0x86: {  	[tilespmem:s18+$0xFFFFFFF0] =	vst v0  }
0x87: {  	v0 =	vld [tilespmem:s7+$0x0]  }
0x88: {  	v1 =	vld [tilespmem:s12+$0x0];
	_ =	sdelay $0x4  }
0x89: {  	v0 =	vadd.f32 v1, v0;
	_ =	sdelay $0x1  }
0x8a: {  	[tilespmem:s18+$0x0] =	vst v0  }
0x8b: {  	v0 =	vld [tilespmem:s7+$0x10]  }
0x8c: {  	v1 =	vld [tilespmem:s12+$0x10];
	_ =	sdelay $0x4  }
0x8d: {  	v0 =	vadd.f32 v1, v0;
	_ =	sdelay $0x1  }
0x8e: {  	[tilespmem:s18+$0x10] =	vst v0  }
0x8f: {  	v0 =	vld [tilespmem:s7+$0x20]  }
0x90: {  	v1 =	vld [tilespmem:s12+$0x20];
	_ =	sdelay $0x4  }
0x91: {  	v0 =	vadd.f32 v1, v0;
	_ =	sdelay $0x1  }
0x92: {  	[tilespmem:s18+$0x20] =	vst v0  }
0x93: {  	v0 =	vld [tilespmem:s7+$0x30]  }
0x94: {  	v1 =	vld [tilespmem:s12+$0x30];
	_ =	sdelay $0x4  }
0x95: {  	v0 =	vadd.f32 v1, v0;
	_ =	sdelay $0x1  }
0x96: {  	[tilespmem:s18+$0x30] =	vst v0  }
0x97: {  	v0 =	vld [tilespmem:s7+$0x40]  }
0x98: {  	v1 =	vld [tilespmem:s12+$0x40];
	_ =	sdelay $0x4  }
0x99: {  	v0 =	vadd.f32 v1, v0;
	_ =	sdelay $0x1  }
0x9a: {  	[tilespmem:s18+$0x40] =	vst v0  }
0x9b: {  	v0 =	vld [tilespmem:s7+$0x50]  }
0x9c: {  	v1 =	vld [tilespmem:s12+$0x50];
	_ =	sdelay $0x4  }
.Ltmp0:
0x9d: {  	v0 =	vadd.f32 v1, v0;
	(pc) =	sbr.rel @p0 .LBB2_3-.Ltmp0, $4  }
0x9e: {  	_ = 	snop  }
0x9f: {  	[tilespmem:s18+$0x50] =	vst v0  }
0xa0: {  	v0 =	vld [tilespmem:s7+$0x60]  }
0xa1: {  	s18 =	sadd.s32 $0x100, s18;
	v1 =	vld [tilespmem:s12+$0x60]  }
0xa2: {  	_ =	sdelay $0x3  }
0xa3: {  	v0 =	vadd.f32 v1, v0;
	_ =	sdelay $0x1  }
0xa4: {  	[tilespmem:s23+$0x60] =	vst v0  }
0xa5: {  	v0 =	vld [tilespmem:s17+$0x70]  }
0xa6: {  	v1 =	vld [tilespmem:s22+$0x70];
	_ =	sdelay $0x4  }
0xa7: {  	v0 =	vadd.f32 v1, v0  }
0xa8: {  	p0 =	seq.s32 s6, $0x0;
	s22 =	smul.u32 $0xC8, s6  }
0xa9: {  	s7 =	simm.s32 @!p0 $0x6;
	[tilespmem:s23+$0x70] =	vst v0  }
0xaa: {  	s12 =	sadd.s32 s3, s22;
	_ =	swait.ge @!p0 [sflag:s7], $0x500  }
0xab: {  	p1 =	seq.s32 s6, $0x7F;
	s12 =	sshll.u32 s12, $0x2;
	[sflag:s7] =	ssyncset.done @!p0 $0x0  }
0xac: {  	s23 =	sadd.s32 s2, s12;
	s12 =	smul.u32 @!p1 $0x320, s6;
	[sflag:s7] =	ssyncadd.s32 @!p0 $0xFFFFFB00  }
0xad: {  	[hbm4b:s23+s4] =	stream.linear.scatter [tilespmem:s25], [sflag:$0x6], $0x500, $0x38;
	[tilespmem:$0xAF00] =	vst v63  }
0xae: {  	s23 =	sshra.s32 @!p1 s12, $0x2  }
0xaf: {  	s16 =	simm.s32 @!p1 $0x7D00;
	s12 =	simm.s32 @!p1 $0x28;
	s7 =	sadd.s32 @!p1 $0xC8, s23  }
0xb0: {  	[tilespmem:s16], [sflag:$0x1] =	stream.indirect.gather @!p1 [hbm4b:s5+s12], $0x20, s7, s12, $0xb8;
	[tilespmem:$0xAF00] =	vst v63  }
0xb1: {  	_ =	swait.ge [sflag:s26], $0x500  }
0xb2: {  	[sflag:s26] =	ssyncset.done $0x0  }
0xb3: {  	s12 =	simm.s32 $0x8280;
	[sflag:s26] =	ssyncadd.s32 $0xFFFFFB00  }
0xb4: {  	s16 =	simm.s32 $0x69F0;
	v0 =	vld [tilespmem:s12+$0xFFFFFF80]  }
0xb5: {  	v1 =	vld [tilespmem:s16+$0xFFFFFF10];
	_ =	sdelay $0x4  }
0xb6: {  	v0 =	vadd.f32 v1, v0  }
0xb7: {  	s7 =	simm.s32 $0x9B80  }
0xb8: {  	[tilespmem:s7+$0xFFFFFF80] =	vst v0  }
0xb9: {  	v0 =	vld [tilespmem:s16+$0xFFFFFF20]  }
0xba: {  	v1 =	vld [tilespmem:s12+$0xFFFFFF90];
	_ =	sdelay $0x4  }
0xbb: {  	v0 =	vadd.f32 v0, v1;
	_ =	sdelay $0x1  }
0xbc: {  	[tilespmem:s7+$0xFFFFFF90] =	vst v0  }
0xbd: {  	v0 =	vld [tilespmem:s12+$0xFFFFFFA0]  }
0xbe: {  	v1 =	vld [tilespmem:s16+$0xFFFFFF30];
	_ =	sdelay $0x4  }
0xbf: {  	v0 =	vadd.f32 v1, v0;
	_ =	sdelay $0x1  }
0xc0: {  	[tilespmem:s7+$0xFFFFFFA0] =	vst v0  }
0xc1: {  	v0 =	vld [tilespmem:s12+$0xFFFFFFB0]  }
0xc2: {  	v1 =	vld [tilespmem:s16+$0xFFFFFF40];
	_ =	sdelay $0x4  }
0xc3: {  	v0 =	vadd.f32 v1, v0;
	_ =	sdelay $0x1  }
0xc4: {  	[tilespmem:s7+$0xFFFFFFB0] =	vst v0  }
0xc5: {  	v0 =	vld [tilespmem:s12+$0xFFFFFFC0]  }
0xc6: {  	v1 =	vld [tilespmem:s16+$0xFFFFFF50];
	_ =	sdelay $0x4  }
0xc7: {  	v0 =	vadd.f32 v1, v0;
	_ =	sdelay $0x1  }
0xc8: {  	[tilespmem:s7+$0xFFFFFFC0] =	vst v0  }
0xc9: {  	v0 =	vld [tilespmem:s12+$0xFFFFFFD0]  }
0xca: {  	v1 =	vld [tilespmem:s16+$0xFFFFFF60];
	_ =	sdelay $0x4  }
0xcb: {  	v0 =	vadd.f32 v1, v0;
	_ =	sdelay $0x1  }
0xcc: {  	[tilespmem:s7+$0xFFFFFFD0] =	vst v0  }
0xcd: {  	v0 =	vld [tilespmem:s12+$0xFFFFFFE0]  }
0xce: {  	v1 =	vld [tilespmem:s16+$0xFFFFFF70];
	_ =	sdelay $0x4  }
0xcf: {  	v0 =	vadd.f32 v1, v0;
	_ =	sdelay $0x1  }
0xd0: {  	[tilespmem:s7+$0xFFFFFFE0] =	vst v0  }
0xd1: {  	v0 =	vld [tilespmem:s12+$0xFFFFFFF0]  }
0xd2: {  	v1 =	vld [tilespmem:s16+$0xFFFFFF80];
	_ =	sdelay $0x4  }
0xd3: {  	v0 =	vadd.f32 v1, v0;
	_ =	sdelay $0x1  }
0xd4: {  	[tilespmem:s7+$0xFFFFFFF0] =	vst v0  }
0xd5: {  	v0 =	vld [tilespmem:s12+$0x0]  }
0xd6: {  	v1 =	vld [tilespmem:s16+$0xFFFFFF90];
	_ =	sdelay $0x4  }
0xd7: {  	v0 =	vadd.f32 v1, v0;
	_ =	sdelay $0x1  }
0xd8: {  	[tilespmem:s7+$0x0] =	vst v0  }
0xd9: {  	v0 =	vld [tilespmem:s12+$0x10]  }
0xda: {  	v1 =	vld [tilespmem:s16+$0xFFFFFFA0];
	_ =	sdelay $0x4  }
0xdb: {  	v0 =	vadd.f32 v1, v0;
	_ =	sdelay $0x1  }
0xdc: {  	[tilespmem:s7+$0x10] =	vst v0  }
0xdd: {  	v0 =	vld [tilespmem:s12+$0x20]  }
0xde: {  	v1 =	vld [tilespmem:s16+$0xFFFFFFB0];
	_ =	sdelay $0x4  }
0xdf: {  	v0 =	vadd.f32 v1, v0;
	_ =	sdelay $0x1  }
0xe0: {  	[tilespmem:s7+$0x20] =	vst v0  }
0xe1: {  	v0 =	vld [tilespmem:s12+$0x30]  }
0xe2: {  	v1 =	vld [tilespmem:s16+$0xFFFFFFC0];
	_ =	sdelay $0x4  }
0xe3: {  	v0 =	vadd.f32 v1, v0;
	_ =	sdelay $0x1  }
0xe4: {  	[tilespmem:s7+$0x30] =	vst v0  }
0xe5: {  	v0 =	vld [tilespmem:s12+$0x40]  }
0xe6: {  	v1 =	vld [tilespmem:s16+$0xFFFFFFD0];
	_ =	sdelay $0x4  }
0xe7: {  	v0 =	vadd.f32 v1, v0;
	_ =	sdelay $0x1  }
0xe8: {  	[tilespmem:s7+$0x40] =	vst v0  }
0xe9: {  	v0 =	vld [tilespmem:s12+$0x50]  }
0xea: {  	v1 =	vld [tilespmem:s16+$0xFFFFFFE0];
	_ =	sdelay $0x4  }
0xeb: {  	v0 =	vadd.f32 v1, v0;
	_ =	sdelay $0x1  }
0xec: {  	[tilespmem:s7+$0x50] =	vst v0  }
0xed: {  	s20 =	simm.s32 $0x9C80;
	s18 =	simm.s32 $0x8280;
	v0 =	vld [tilespmem:s12+$0x60]  }
0xee: {  	s19 =	simm.s32 $0x69F0;
	s17 =	simm.s32 $0x0;
	s6 =	sadd.s32 $0x1, s6;
	v1 =	vld [tilespmem:s16+$0xFFFFFFF0]  }
.LBB2_5:
0xef: {  	s17 =	sadd.s32 $0x8, s17;
	s16 =	sadd.s32 $0x100, s16;
	s12 =	sadd.s32 $0x100, s12  }
0xf0: {  	p2 =	slt.u32 s17, $0x20;
	_ =	sdelay $0x2  }
0xf1: {  	v0 =	vadd.f32 v1, v0;
	_ =	sdelay $0x1  }
0xf2: {  	[tilespmem:s7+$0x60] =	vst v0  }
0xf3: {  	v0 =	vld [tilespmem:s18+$0x70];
	s18 =	smov.u32 s12  }
0xf4: {  	v1 =	vld [tilespmem:s19+$0x0];
	s19 =	smov.u32 s16;
	_ =	sdelay $0x4  }
0xf5: {  	v0 =	vadd.f32 v1, v0;
	_ =	sdelay $0x1  }
0xf6: {  	[tilespmem:s7+$0x70] =	vst v0;
	s7 =	smov.u32 s20  }
0xf7: {  	v0 =	vld [tilespmem:s12+$0xFFFFFF80]  }
0xf8: {  	v1 =	vld [tilespmem:s16+$0xFFFFFF10];
	_ =	sdelay $0x4  }
0xf9: {  	v0 =	vadd.f32 v1, v0;
	_ =	sdelay $0x1  }
0xfa: {  	[tilespmem:s20+$0xFFFFFF80] =	vst v0  }
0xfb: {  	v0 =	vld [tilespmem:s16+$0xFFFFFF20]  }
0xfc: {  	v1 =	vld [tilespmem:s12+$0xFFFFFF90];
	_ =	sdelay $0x4  }
0xfd: {  	v0 =	vadd.f32 v0, v1;
	_ =	sdelay $0x1  }
0xfe: {  	[tilespmem:s20+$0xFFFFFF90] =	vst v0  }
0xff: {  	v0 =	vld [tilespmem:s12+$0xFFFFFFA0]  }
0x100: {  	v1 =	vld [tilespmem:s16+$0xFFFFFF30];
	_ =	sdelay $0x4  }
0x101: {  	v0 =	vadd.f32 v1, v0;
	_ =	sdelay $0x1  }
0x102: {  	[tilespmem:s20+$0xFFFFFFA0] =	vst v0  }
0x103: {  	v0 =	vld [tilespmem:s12+$0xFFFFFFB0]  }
0x104: {  	v1 =	vld [tilespmem:s16+$0xFFFFFF40];
	_ =	sdelay $0x4  }
0x105: {  	v0 =	vadd.f32 v1, v0;
	_ =	sdelay $0x1  }
0x106: {  	[tilespmem:s20+$0xFFFFFFB0] =	vst v0  }
0x107: {  	v0 =	vld [tilespmem:s12+$0xFFFFFFC0]  }
0x108: {  	v1 =	vld [tilespmem:s16+$0xFFFFFF50];
	_ =	sdelay $0x4  }
0x109: {  	v0 =	vadd.f32 v1, v0;
	_ =	sdelay $0x1  }
0x10a: {  	[tilespmem:s20+$0xFFFFFFC0] =	vst v0  }
0x10b: {  	v0 =	vld [tilespmem:s12+$0xFFFFFFD0]  }
0x10c: {  	v1 =	vld [tilespmem:s16+$0xFFFFFF60];
	_ =	sdelay $0x4  }
0x10d: {  	v0 =	vadd.f32 v1, v0;
	_ =	sdelay $0x1  }
0x10e: {  	[tilespmem:s20+$0xFFFFFFD0] =	vst v0  }
0x10f: {  	v0 =	vld [tilespmem:s12+$0xFFFFFFE0]  }
0x110: {  	v1 =	vld [tilespmem:s16+$0xFFFFFF70];
	_ =	sdelay $0x4  }
0x111: {  	v0 =	vadd.f32 v1, v0;
	_ =	sdelay $0x1  }
0x112: {  	[tilespmem:s20+$0xFFFFFFE0] =	vst v0  }
0x113: {  	v0 =	vld [tilespmem:s12+$0xFFFFFFF0]  }
0x114: {  	v1 =	vld [tilespmem:s16+$0xFFFFFF80];
	_ =	sdelay $0x4  }
0x115: {  	v0 =	vadd.f32 v1, v0;
	_ =	sdelay $0x1  }
0x116: {  	[tilespmem:s20+$0xFFFFFFF0] =	vst v0  }
0x117: {  	v0 =	vld [tilespmem:s12+$0x0]  }
0x118: {  	v1 =	vld [tilespmem:s16+$0xFFFFFF90];
	_ =	sdelay $0x4  }
0x119: {  	v0 =	vadd.f32 v1, v0;
	_ =	sdelay $0x1  }
0x11a: {  	[tilespmem:s20+$0x0] =	vst v0  }
0x11b: {  	v0 =	vld [tilespmem:s12+$0x10]  }
0x11c: {  	v1 =	vld [tilespmem:s16+$0xFFFFFFA0];
	_ =	sdelay $0x4  }
0x11d: {  	v0 =	vadd.f32 v1, v0;
	_ =	sdelay $0x1  }
0x11e: {  	[tilespmem:s20+$0x10] =	vst v0  }
0x11f: {  	v0 =	vld [tilespmem:s12+$0x20]  }
0x120: {  	v1 =	vld [tilespmem:s16+$0xFFFFFFB0];
	_ =	sdelay $0x4  }
0x121: {  	v0 =	vadd.f32 v1, v0;
	_ =	sdelay $0x1  }
0x122: {  	[tilespmem:s20+$0x20] =	vst v0  }
0x123: {  	v0 =	vld [tilespmem:s12+$0x30]  }
0x124: {  	v1 =	vld [tilespmem:s16+$0xFFFFFFC0];
	_ =	sdelay $0x4  }
0x125: {  	v0 =	vadd.f32 v1, v0;
	_ =	sdelay $0x1  }
0x126: {  	[tilespmem:s20+$0x30] =	vst v0  }
0x127: {  	v0 =	vld [tilespmem:s12+$0x40]  }
0x128: {  	v1 =	vld [tilespmem:s16+$0xFFFFFFD0];
	_ =	sdelay $0x4  }
0x129: {  	v0 =	vadd.f32 v1, v0;
	_ =	sdelay $0x1  }
0x12a: {  	[tilespmem:s20+$0x40] =	vst v0  }
0x12b: {  	v0 =	vld [tilespmem:s12+$0x50]  }
0x12c: {  	v1 =	vld [tilespmem:s16+$0xFFFFFFE0];
	_ =	sdelay $0x4  }
.Ltmp1:
0x12d: {  	v0 =	vadd.f32 v1, v0;
	(pc) =	sbr.rel @p2 .LBB2_5-.Ltmp1, $4  }
0x12e: {  	_ = 	snop  }
0x12f: {  	[tilespmem:s20+$0x50] =	vst v0  }
0x130: {  	v0 =	vld [tilespmem:s12+$0x60]  }
0x131: {  	s20 =	sadd.s32 $0x100, s20;
	v1 =	vld [tilespmem:s16+$0xFFFFFFF0]  }
0x132: {  	_ =	sdelay $0x3  }
0x133: {  	v0 =	vadd.f32 v1, v0;
	_ =	sdelay $0x1  }
0x134: {  	[tilespmem:s7+$0x60] =	vst v0  }
0x135: {  	v0 =	vld [tilespmem:s18+$0x70]  }
0x136: {  	v1 =	vld [tilespmem:s19+$0x0];
	_ =	sdelay $0x4  }
0x137: {  	v0 =	vadd.f32 v1, v0;
	_ =	sdelay $0x1  }
0x138: {  	s12 =	sadd.s32 s22, s8;
	[tilespmem:s7+$0x70] =	vst v0;
	s7 =	simm.s32 @!p0 $0x7  }
0x139: {  	s12 =	sshll.u32 s12, $0x2;
	_ =	swait.ge @!p0 [sflag:s7], $0x500  }
0x13a: {  	s12 =	sand.u32 $0x1FFFFFE0, s12;
	[sflag:s7] =	ssyncset.done @!p0 $0x0  }
0x13b: {  	s20 =	sadd.s32 s2, s12;
	[sflag:s7] =	ssyncadd.s32 @!p0 $0xFFFFFB00  }
0x13c: {  	[hbm4b:s20+s4] =	stream.linear.scatter [tilespmem:s28], [sflag:$0x7], $0x500, $0x38;
	[tilespmem:$0xAF00] =	vst v63  }
0x13d: {  	s16 =	simm.s32 @!p1 $0x8200;
	s12 =	simm.s32 @!p1 $0x28;
	s7 =	sadd.s32 @!p1 $0xF0, s23  }
0x13e: {  	[tilespmem:s16], [sflag:$0x2] =	stream.indirect.gather @!p1 [hbm4b:s5+s12], $0x20, s7, s12, $0xb8;
	[tilespmem:$0xAF00] =	vst v63  }
0x13f: {  	_ =	swait.ge [sflag:s29], $0x500  }
0x140: {  	[sflag:s29] =	ssyncset.done $0x0  }
0x141: {  	s12 =	simm.s32 $0x8780;
	[sflag:s29] =	ssyncadd.s32 $0xFFFFFB00  }
0x142: {  	s16 =	simm.s32 $0x6EF0;
	v0 =	vld [tilespmem:s12+$0xFFFFFF80]  }
0x143: {  	v1 =	vld [tilespmem:s16+$0xFFFFFF10];
	_ =	sdelay $0x4  }
0x144: {  	v0 =	vadd.f32 v1, v0  }
0x145: {  	s7 =	simm.s32 $0xA080  }
0x146: {  	[tilespmem:s7+$0xFFFFFF80] =	vst v0  }
0x147: {  	v0 =	vld [tilespmem:s16+$0xFFFFFF20]  }
0x148: {  	v1 =	vld [tilespmem:s12+$0xFFFFFF90];
	_ =	sdelay $0x4  }
0x149: {  	v0 =	vadd.f32 v0, v1;
	_ =	sdelay $0x1  }
0x14a: {  	[tilespmem:s7+$0xFFFFFF90] =	vst v0  }
0x14b: {  	v0 =	vld [tilespmem:s12+$0xFFFFFFA0]  }
0x14c: {  	v1 =	vld [tilespmem:s16+$0xFFFFFF30];
	_ =	sdelay $0x4  }
0x14d: {  	v0 =	vadd.f32 v1, v0;
	_ =	sdelay $0x1  }
0x14e: {  	[tilespmem:s7+$0xFFFFFFA0] =	vst v0  }
0x14f: {  	v0 =	vld [tilespmem:s12+$0xFFFFFFB0]  }
0x150: {  	v1 =	vld [tilespmem:s16+$0xFFFFFF40];
	_ =	sdelay $0x4  }
0x151: {  	v0 =	vadd.f32 v1, v0;
	_ =	sdelay $0x1  }
0x152: {  	[tilespmem:s7+$0xFFFFFFB0] =	vst v0  }
0x153: {  	v0 =	vld [tilespmem:s12+$0xFFFFFFC0]  }
0x154: {  	v1 =	vld [tilespmem:s16+$0xFFFFFF50];
	_ =	sdelay $0x4  }
0x155: {  	v0 =	vadd.f32 v1, v0;
	_ =	sdelay $0x1  }
0x156: {  	[tilespmem:s7+$0xFFFFFFC0] =	vst v0  }
0x157: {  	v0 =	vld [tilespmem:s12+$0xFFFFFFD0]  }
0x158: {  	v1 =	vld [tilespmem:s16+$0xFFFFFF60];
	_ =	sdelay $0x4  }
0x159: {  	v0 =	vadd.f32 v1, v0;
	_ =	sdelay $0x1  }
0x15a: {  	[tilespmem:s7+$0xFFFFFFD0] =	vst v0  }
0x15b: {  	v0 =	vld [tilespmem:s12+$0xFFFFFFE0]  }
0x15c: {  	v1 =	vld [tilespmem:s16+$0xFFFFFF70];
	_ =	sdelay $0x4  }
0x15d: {  	v0 =	vadd.f32 v1, v0;
	_ =	sdelay $0x1  }
0x15e: {  	[tilespmem:s7+$0xFFFFFFE0] =	vst v0  }
0x15f: {  	v0 =	vld [tilespmem:s12+$0xFFFFFFF0]  }
0x160: {  	v1 =	vld [tilespmem:s16+$0xFFFFFF80];
	_ =	sdelay $0x4  }
0x161: {  	v0 =	vadd.f32 v1, v0;
	_ =	sdelay $0x1  }
0x162: {  	[tilespmem:s7+$0xFFFFFFF0] =	vst v0  }
0x163: {  	v0 =	vld [tilespmem:s12+$0x0]  }
0x164: {  	v1 =	vld [tilespmem:s16+$0xFFFFFF90];
	_ =	sdelay $0x4  }
0x165: {  	v0 =	vadd.f32 v1, v0;
	_ =	sdelay $0x1  }
0x166: {  	[tilespmem:s7+$0x0] =	vst v0  }
0x167: {  	v0 =	vld [tilespmem:s12+$0x10]  }
0x168: {  	v1 =	vld [tilespmem:s16+$0xFFFFFFA0];
	_ =	sdelay $0x4  }
0x169: {  	v0 =	vadd.f32 v1, v0;
	_ =	sdelay $0x1  }
0x16a: {  	[tilespmem:s7+$0x10] =	vst v0  }
0x16b: {  	v0 =	vld [tilespmem:s12+$0x20]  }
0x16c: {  	v1 =	vld [tilespmem:s16+$0xFFFFFFB0];
	_ =	sdelay $0x4  }
0x16d: {  	v0 =	vadd.f32 v1, v0;
	_ =	sdelay $0x1  }
0x16e: {  	[tilespmem:s7+$0x20] =	vst v0  }
0x16f: {  	v0 =	vld [tilespmem:s12+$0x30]  }
0x170: {  	v1 =	vld [tilespmem:s16+$0xFFFFFFC0];
	_ =	sdelay $0x4  }
0x171: {  	v0 =	vadd.f32 v1, v0;
	_ =	sdelay $0x1  }
0x172: {  	[tilespmem:s7+$0x30] =	vst v0  }
0x173: {  	v0 =	vld [tilespmem:s12+$0x40]  }
0x174: {  	v1 =	vld [tilespmem:s16+$0xFFFFFFD0];
	_ =	sdelay $0x4  }
0x175: {  	v0 =	vadd.f32 v1, v0;
	_ =	sdelay $0x1  }
0x176: {  	[tilespmem:s7+$0x40] =	vst v0  }
0x177: {  	v0 =	vld [tilespmem:s12+$0x50]  }
0x178: {  	v1 =	vld [tilespmem:s16+$0xFFFFFFE0];
	_ =	sdelay $0x4  }
0x179: {  	v0 =	vadd.f32 v1, v0;
	_ =	sdelay $0x1  }
0x17a: {  	[tilespmem:s7+$0x50] =	vst v0  }
0x17b: {  	s17 =	simm.s32 $0x0;
	v0 =	vld [tilespmem:s12+$0x60]  }
0x17c: {  	s18 =	simm.s32 $0x8780;
	s19 =	simm.s32 $0x6EF0;
	s20 =	simm.s32 $0xA180;
	v1 =	vld [tilespmem:s16+$0xFFFFFFF0]  }
.LBB2_7:
0x17d: {  	s17 =	sadd.s32 $0x8, s17;
	s16 =	sadd.s32 $0x100, s16;
	s12 =	sadd.s32 $0x100, s12  }
0x17e: {  	p2 =	slt.u32 s17, $0x20;
	_ =	sdelay $0x2  }
0x17f: {  	v0 =	vadd.f32 v1, v0;
	_ =	sdelay $0x1  }
0x180: {  	[tilespmem:s7+$0x60] =	vst v0  }
0x181: {  	v0 =	vld [tilespmem:s18+$0x70];
	s18 =	smov.u32 s12  }
0x182: {  	v1 =	vld [tilespmem:s19+$0x0];
	s19 =	smov.u32 s16;
	_ =	sdelay $0x4  }
0x183: {  	v0 =	vadd.f32 v1, v0;
	_ =	sdelay $0x1  }
0x184: {  	[tilespmem:s7+$0x70] =	vst v0;
	s7 =	smov.u32 s20  }
0x185: {  	v0 =	vld [tilespmem:s12+$0xFFFFFF80]  }
0x186: {  	v1 =	vld [tilespmem:s16+$0xFFFFFF10];
	_ =	sdelay $0x4  }
0x187: {  	v0 =	vadd.f32 v1, v0;
	_ =	sdelay $0x1  }
0x188: {  	[tilespmem:s20+$0xFFFFFF80] =	vst v0  }
0x189: {  	v0 =	vld [tilespmem:s16+$0xFFFFFF20]  }
0x18a: {  	v1 =	vld [tilespmem:s12+$0xFFFFFF90];
	_ =	sdelay $0x4  }
0x18b: {  	v0 =	vadd.f32 v0, v1;
	_ =	sdelay $0x1  }
0x18c: {  	[tilespmem:s20+$0xFFFFFF90] =	vst v0  }
0x18d: {  	v0 =	vld [tilespmem:s12+$0xFFFFFFA0]  }
0x18e: {  	v1 =	vld [tilespmem:s16+$0xFFFFFF30];
	_ =	sdelay $0x4  }
0x18f: {  	v0 =	vadd.f32 v1, v0;
	_ =	sdelay $0x1  }
0x190: {  	[tilespmem:s20+$0xFFFFFFA0] =	vst v0  }
0x191: {  	v0 =	vld [tilespmem:s12+$0xFFFFFFB0]  }
0x192: {  	v1 =	vld [tilespmem:s16+$0xFFFFFF40];
	_ =	sdelay $0x4  }
0x193: {  	v0 =	vadd.f32 v1, v0;
	_ =	sdelay $0x1  }
0x194: {  	[tilespmem:s20+$0xFFFFFFB0] =	vst v0  }
0x195: {  	v0 =	vld [tilespmem:s12+$0xFFFFFFC0]  }
0x196: {  	v1 =	vld [tilespmem:s16+$0xFFFFFF50];
	_ =	sdelay $0x4  }
0x197: {  	v0 =	vadd.f32 v1, v0;
	_ =	sdelay $0x1  }
0x198: {  	[tilespmem:s20+$0xFFFFFFC0] =	vst v0  }
0x199: {  	v0 =	vld [tilespmem:s12+$0xFFFFFFD0]  }
0x19a: {  	v1 =	vld [tilespmem:s16+$0xFFFFFF60];
	_ =	sdelay $0x4  }
0x19b: {  	v0 =	vadd.f32 v1, v0;
	_ =	sdelay $0x1  }
0x19c: {  	[tilespmem:s20+$0xFFFFFFD0] =	vst v0  }
0x19d: {  	v0 =	vld [tilespmem:s12+$0xFFFFFFE0]  }
0x19e: {  	v1 =	vld [tilespmem:s16+$0xFFFFFF70];
	_ =	sdelay $0x4  }
0x19f: {  	v0 =	vadd.f32 v1, v0;
	_ =	sdelay $0x1  }
0x1a0: {  	[tilespmem:s20+$0xFFFFFFE0] =	vst v0  }
0x1a1: {  	v0 =	vld [tilespmem:s12+$0xFFFFFFF0]  }
0x1a2: {  	v1 =	vld [tilespmem:s16+$0xFFFFFF80];
	_ =	sdelay $0x4  }
0x1a3: {  	v0 =	vadd.f32 v1, v0;
	_ =	sdelay $0x1  }
0x1a4: {  	[tilespmem:s20+$0xFFFFFFF0] =	vst v0  }
0x1a5: {  	v0 =	vld [tilespmem:s12+$0x0]  }
0x1a6: {  	v1 =	vld [tilespmem:s16+$0xFFFFFF90];
	_ =	sdelay $0x4  }
0x1a7: {  	v0 =	vadd.f32 v1, v0;
	_ =	sdelay $0x1  }
0x1a8: {  	[tilespmem:s20+$0x0] =	vst v0  }
0x1a9: {  	v0 =	vld [tilespmem:s12+$0x10]  }
0x1aa: {  	v1 =	vld [tilespmem:s16+$0xFFFFFFA0];
	_ =	sdelay $0x4  }
0x1ab: {  	v0 =	vadd.f32 v1, v0;
	_ =	sdelay $0x1  }
0x1ac: {  	[tilespmem:s20+$0x10] =	vst v0  }
0x1ad: {  	v0 =	vld [tilespmem:s12+$0x20]  }
0x1ae: {  	v1 =	vld [tilespmem:s16+$0xFFFFFFB0];
	_ =	sdelay $0x4  }
0x1af: {  	v0 =	vadd.f32 v1, v0;
	_ =	sdelay $0x1  }
0x1b0: {  	[tilespmem:s20+$0x20] =	vst v0  }
0x1b1: {  	v0 =	vld [tilespmem:s12+$0x30]  }
0x1b2: {  	v1 =	vld [tilespmem:s16+$0xFFFFFFC0];
	_ =	sdelay $0x4  }
0x1b3: {  	v0 =	vadd.f32 v1, v0;
	_ =	sdelay $0x1  }
0x1b4: {  	[tilespmem:s20+$0x30] =	vst v0  }
0x1b5: {  	v0 =	vld [tilespmem:s12+$0x40]  }
0x1b6: {  	v1 =	vld [tilespmem:s16+$0xFFFFFFD0];
	_ =	sdelay $0x4  }
0x1b7: {  	v0 =	vadd.f32 v1, v0;
	_ =	sdelay $0x1  }
0x1b8: {  	[tilespmem:s20+$0x40] =	vst v0  }
0x1b9: {  	v0 =	vld [tilespmem:s12+$0x50]  }
0x1ba: {  	v1 =	vld [tilespmem:s16+$0xFFFFFFE0];
	_ =	sdelay $0x4  }
.Ltmp2:
0x1bb: {  	v0 =	vadd.f32 v1, v0;
	(pc) =	sbr.rel @p2 .LBB2_7-.Ltmp2, $4  }
0x1bc: {  	_ = 	snop  }
0x1bd: {  	[tilespmem:s20+$0x50] =	vst v0  }
0x1be: {  	v0 =	vld [tilespmem:s12+$0x60]  }
0x1bf: {  	s20 =	sadd.s32 $0x100, s20;
	v1 =	vld [tilespmem:s16+$0xFFFFFFF0]  }
0x1c0: {  	_ =	sdelay $0x3  }
0x1c1: {  	v0 =	vadd.f32 v1, v0;
	_ =	sdelay $0x1  }
0x1c2: {  	[tilespmem:s7+$0x60] =	vst v0  }
0x1c3: {  	v0 =	vld [tilespmem:s18+$0x70]  }
0x1c4: {  	v1 =	vld [tilespmem:s19+$0x0];
	_ =	sdelay $0x4  }
0x1c5: {  	v0 =	vadd.f32 v1, v0;
	_ =	sdelay $0x1  }
0x1c6: {  	s12 =	sadd.s32 s22, s9;
	[tilespmem:s7+$0x70] =	vst v0;
	s7 =	simm.s32 @!p0 $0x8  }
0x1c7: {  	s12 =	sshll.u32 s12, $0x2;
	_ =	swait.ge @!p0 [sflag:s7], $0x500  }
0x1c8: {  	s12 =	sand.u32 $0x1FFFFFE0, s12;
	[sflag:s7] =	ssyncset.done @!p0 $0x0  }
0x1c9: {  	s20 =	sadd.s32 s2, s12;
	[sflag:s7] =	ssyncadd.s32 @!p0 $0xFFFFFB00  }
0x1ca: {  	[hbm4b:s20+s4] =	stream.linear.scatter [tilespmem:s30], [sflag:$0x8], $0x500, $0x38;
	[tilespmem:$0xAF00] =	vst v63  }
0x1cb: {  	s16 =	simm.s32 @!p1 $0x8700;
	s12 =	simm.s32 @!p1 $0x28;
	s7 =	sadd.s32 @!p1 $0x118, s23  }
0x1cc: {  	[tilespmem:s16], [sflag:$0x3] =	stream.indirect.gather @!p1 [hbm4b:s5+s12], $0x20, s7, s12, $0xb8;
	[tilespmem:$0xAF00] =	vst v63  }
0x1cd: {  	_ =	swait.ge [sflag:s31], $0x500  }
0x1ce: {  	[sflag:s31] =	ssyncset.done $0x0  }
0x1cf: {  	s12 =	simm.s32 $0x8C80;
	[sflag:s31] =	ssyncadd.s32 $0xFFFFFB00  }
0x1d0: {  	s16 =	simm.s32 $0x73F0;
	v0 =	vld [tilespmem:s12+$0xFFFFFF80]  }
0x1d1: {  	v1 =	vld [tilespmem:s16+$0xFFFFFF10];
	_ =	sdelay $0x4  }
0x1d2: {  	v0 =	vadd.f32 v1, v0  }
0x1d3: {  	s7 =	simm.s32 $0xA580  }
0x1d4: {  	[tilespmem:s7+$0xFFFFFF80] =	vst v0  }
0x1d5: {  	v0 =	vld [tilespmem:s16+$0xFFFFFF20]  }
0x1d6: {  	v1 =	vld [tilespmem:s12+$0xFFFFFF90];
	_ =	sdelay $0x4  }
0x1d7: {  	v0 =	vadd.f32 v0, v1;
	_ =	sdelay $0x1  }
0x1d8: {  	[tilespmem:s7+$0xFFFFFF90] =	vst v0  }
0x1d9: {  	v0 =	vld [tilespmem:s12+$0xFFFFFFA0]  }
0x1da: {  	v1 =	vld [tilespmem:s16+$0xFFFFFF30];
	_ =	sdelay $0x4  }
0x1db: {  	v0 =	vadd.f32 v1, v0;
	_ =	sdelay $0x1  }
0x1dc: {  	[tilespmem:s7+$0xFFFFFFA0] =	vst v0  }
0x1dd: {  	v0 =	vld [tilespmem:s12+$0xFFFFFFB0]  }
0x1de: {  	v1 =	vld [tilespmem:s16+$0xFFFFFF40];
	_ =	sdelay $0x4  }
0x1df: {  	v0 =	vadd.f32 v1, v0;
	_ =	sdelay $0x1  }
0x1e0: {  	[tilespmem:s7+$0xFFFFFFB0] =	vst v0  }
0x1e1: {  	v0 =	vld [tilespmem:s12+$0xFFFFFFC0]  }
0x1e2: {  	v1 =	vld [tilespmem:s16+$0xFFFFFF50];
	_ =	sdelay $0x4  }
0x1e3: {  	v0 =	vadd.f32 v1, v0;
	_ =	sdelay $0x1  }
0x1e4: {  	[tilespmem:s7+$0xFFFFFFC0] =	vst v0  }
0x1e5: {  	v0 =	vld [tilespmem:s12+$0xFFFFFFD0]  }
0x1e6: {  	v1 =	vld [tilespmem:s16+$0xFFFFFF60];
	_ =	sdelay $0x4  }
0x1e7: {  	v0 =	vadd.f32 v1, v0;
	_ =	sdelay $0x1  }
0x1e8: {  	[tilespmem:s7+$0xFFFFFFD0] =	vst v0  }
0x1e9: {  	v0 =	vld [tilespmem:s12+$0xFFFFFFE0]  }
0x1ea: {  	v1 =	vld [tilespmem:s16+$0xFFFFFF70];
	_ =	sdelay $0x4  }
0x1eb: {  	v0 =	vadd.f32 v1, v0;
	_ =	sdelay $0x1  }
0x1ec: {  	[tilespmem:s7+$0xFFFFFFE0] =	vst v0  }
0x1ed: {  	v0 =	vld [tilespmem:s12+$0xFFFFFFF0]  }
0x1ee: {  	v1 =	vld [tilespmem:s16+$0xFFFFFF80];
	_ =	sdelay $0x4  }
0x1ef: {  	v0 =	vadd.f32 v1, v0;
	_ =	sdelay $0x1  }
0x1f0: {  	[tilespmem:s7+$0xFFFFFFF0] =	vst v0  }
0x1f1: {  	v0 =	vld [tilespmem:s12+$0x0]  }
0x1f2: {  	v1 =	vld [tilespmem:s16+$0xFFFFFF90];
	_ =	sdelay $0x4  }
0x1f3: {  	v0 =	vadd.f32 v1, v0;
	_ =	sdelay $0x1  }
0x1f4: {  	[tilespmem:s7+$0x0] =	vst v0  }
0x1f5: {  	v0 =	vld [tilespmem:s12+$0x10]  }
0x1f6: {  	v1 =	vld [tilespmem:s16+$0xFFFFFFA0];
	_ =	sdelay $0x4  }
0x1f7: {  	v0 =	vadd.f32 v1, v0;
	_ =	sdelay $0x1  }
0x1f8: {  	[tilespmem:s7+$0x10] =	vst v0  }
0x1f9: {  	v0 =	vld [tilespmem:s12+$0x20]  }
0x1fa: {  	v1 =	vld [tilespmem:s16+$0xFFFFFFB0];
	_ =	sdelay $0x4  }
0x1fb: {  	v0 =	vadd.f32 v1, v0;
	_ =	sdelay $0x1  }
0x1fc: {  	[tilespmem:s7+$0x20] =	vst v0  }
0x1fd: {  	v0 =	vld [tilespmem:s12+$0x30]  }
0x1fe: {  	v1 =	vld [tilespmem:s16+$0xFFFFFFC0];
	_ =	sdelay $0x4  }
0x1ff: {  	v0 =	vadd.f32 v1, v0;
	_ =	sdelay $0x1  }
0x200: {  	[tilespmem:s7+$0x30] =	vst v0  }
0x201: {  	v0 =	vld [tilespmem:s12+$0x40]  }
0x202: {  	v1 =	vld [tilespmem:s16+$0xFFFFFFD0];
	_ =	sdelay $0x4  }
0x203: {  	v0 =	vadd.f32 v1, v0;
	_ =	sdelay $0x1  }
0x204: {  	[tilespmem:s7+$0x40] =	vst v0  }
0x205: {  	v0 =	vld [tilespmem:s12+$0x50]  }
0x206: {  	v1 =	vld [tilespmem:s16+$0xFFFFFFE0];
	_ =	sdelay $0x4  }
0x207: {  	v0 =	vadd.f32 v1, v0;
	_ =	sdelay $0x1  }
0x208: {  	[tilespmem:s7+$0x50] =	vst v0  }
0x209: {  	s17 =	simm.s32 $0x0;
	v0 =	vld [tilespmem:s12+$0x60]  }
0x20a: {  	s18 =	simm.s32 $0x8C80;
	s19 =	simm.s32 $0x73F0;
	s20 =	simm.s32 $0xA680;
	v1 =	vld [tilespmem:s16+$0xFFFFFFF0]  }
.LBB2_9:
0x20b: {  	s17 =	sadd.s32 $0x8, s17;
	s16 =	sadd.s32 $0x100, s16;
	s12 =	sadd.s32 $0x100, s12  }
0x20c: {  	p2 =	slt.u32 s17, $0x20;
	_ =	sdelay $0x2  }
0x20d: {  	v0 =	vadd.f32 v1, v0;
	_ =	sdelay $0x1  }
0x20e: {  	[tilespmem:s7+$0x60] =	vst v0  }
0x20f: {  	v0 =	vld [tilespmem:s18+$0x70];
	s18 =	smov.u32 s12  }
0x210: {  	v1 =	vld [tilespmem:s19+$0x0];
	s19 =	smov.u32 s16;
	_ =	sdelay $0x4  }
0x211: {  	v0 =	vadd.f32 v1, v0;
	_ =	sdelay $0x1  }
0x212: {  	[tilespmem:s7+$0x70] =	vst v0;
	s7 =	smov.u32 s20  }
0x213: {  	v0 =	vld [tilespmem:s12+$0xFFFFFF80]  }
0x214: {  	v1 =	vld [tilespmem:s16+$0xFFFFFF10];
	_ =	sdelay $0x4  }
0x215: {  	v0 =	vadd.f32 v1, v0;
	_ =	sdelay $0x1  }
0x216: {  	[tilespmem:s20+$0xFFFFFF80] =	vst v0  }
0x217: {  	v0 =	vld [tilespmem:s16+$0xFFFFFF20]  }
0x218: {  	v1 =	vld [tilespmem:s12+$0xFFFFFF90];
	_ =	sdelay $0x4  }
0x219: {  	v0 =	vadd.f32 v0, v1;
	_ =	sdelay $0x1  }
0x21a: {  	[tilespmem:s20+$0xFFFFFF90] =	vst v0  }
0x21b: {  	v0 =	vld [tilespmem:s12+$0xFFFFFFA0]  }
0x21c: {  	v1 =	vld [tilespmem:s16+$0xFFFFFF30];
	_ =	sdelay $0x4  }
0x21d: {  	v0 =	vadd.f32 v1, v0;
	_ =	sdelay $0x1  }
0x21e: {  	[tilespmem:s20+$0xFFFFFFA0] =	vst v0  }
0x21f: {  	v0 =	vld [tilespmem:s12+$0xFFFFFFB0]  }
0x220: {  	v1 =	vld [tilespmem:s16+$0xFFFFFF40];
	_ =	sdelay $0x4  }
0x221: {  	v0 =	vadd.f32 v1, v0;
	_ =	sdelay $0x1  }
0x222: {  	[tilespmem:s20+$0xFFFFFFB0] =	vst v0  }
0x223: {  	v0 =	vld [tilespmem:s12+$0xFFFFFFC0]  }
0x224: {  	v1 =	vld [tilespmem:s16+$0xFFFFFF50];
	_ =	sdelay $0x4  }
0x225: {  	v0 =	vadd.f32 v1, v0;
	_ =	sdelay $0x1  }
0x226: {  	[tilespmem:s20+$0xFFFFFFC0] =	vst v0  }
0x227: {  	v0 =	vld [tilespmem:s12+$0xFFFFFFD0]  }
0x228: {  	v1 =	vld [tilespmem:s16+$0xFFFFFF60];
	_ =	sdelay $0x4  }
0x229: {  	v0 =	vadd.f32 v1, v0;
	_ =	sdelay $0x1  }
0x22a: {  	[tilespmem:s20+$0xFFFFFFD0] =	vst v0  }
0x22b: {  	v0 =	vld [tilespmem:s12+$0xFFFFFFE0]  }
0x22c: {  	v1 =	vld [tilespmem:s16+$0xFFFFFF70];
	_ =	sdelay $0x4  }
0x22d: {  	v0 =	vadd.f32 v1, v0;
	_ =	sdelay $0x1  }
0x22e: {  	[tilespmem:s20+$0xFFFFFFE0] =	vst v0  }
0x22f: {  	v0 =	vld [tilespmem:s12+$0xFFFFFFF0]  }
0x230: {  	v1 =	vld [tilespmem:s16+$0xFFFFFF80];
	_ =	sdelay $0x4  }
0x231: {  	v0 =	vadd.f32 v1, v0;
	_ =	sdelay $0x1  }
0x232: {  	[tilespmem:s20+$0xFFFFFFF0] =	vst v0  }
0x233: {  	v0 =	vld [tilespmem:s12+$0x0]  }
0x234: {  	v1 =	vld [tilespmem:s16+$0xFFFFFF90];
	_ =	sdelay $0x4  }
0x235: {  	v0 =	vadd.f32 v1, v0;
	_ =	sdelay $0x1  }
0x236: {  	[tilespmem:s20+$0x0] =	vst v0  }
0x237: {  	v0 =	vld [tilespmem:s12+$0x10]  }
0x238: {  	v1 =	vld [tilespmem:s16+$0xFFFFFFA0];
	_ =	sdelay $0x4  }
0x239: {  	v0 =	vadd.f32 v1, v0;
	_ =	sdelay $0x1  }
0x23a: {  	[tilespmem:s20+$0x10] =	vst v0  }
0x23b: {  	v0 =	vld [tilespmem:s12+$0x20]  }
0x23c: {  	v1 =	vld [tilespmem:s16+$0xFFFFFFB0];
	_ =	sdelay $0x4  }
0x23d: {  	v0 =	vadd.f32 v1, v0;
	_ =	sdelay $0x1  }
0x23e: {  	[tilespmem:s20+$0x20] =	vst v0  }
0x23f: {  	v0 =	vld [tilespmem:s12+$0x30]  }
0x240: {  	v1 =	vld [tilespmem:s16+$0xFFFFFFC0];
	_ =	sdelay $0x4  }
0x241: {  	v0 =	vadd.f32 v1, v0;
	_ =	sdelay $0x1  }
0x242: {  	[tilespmem:s20+$0x30] =	vst v0  }
0x243: {  	v0 =	vld [tilespmem:s12+$0x40]  }
0x244: {  	v1 =	vld [tilespmem:s16+$0xFFFFFFD0];
	_ =	sdelay $0x4  }
0x245: {  	v0 =	vadd.f32 v1, v0;
	_ =	sdelay $0x1  }
0x246: {  	[tilespmem:s20+$0x40] =	vst v0  }
0x247: {  	v0 =	vld [tilespmem:s12+$0x50]  }
0x248: {  	v1 =	vld [tilespmem:s16+$0xFFFFFFE0];
	_ =	sdelay $0x4  }
.Ltmp3:
0x249: {  	v0 =	vadd.f32 v1, v0;
	(pc) =	sbr.rel @p2 .LBB2_9-.Ltmp3, $4  }
0x24a: {  	_ = 	snop  }
0x24b: {  	[tilespmem:s20+$0x50] =	vst v0  }
0x24c: {  	v0 =	vld [tilespmem:s12+$0x60]  }
0x24d: {  	s20 =	sadd.s32 $0x100, s20;
	v1 =	vld [tilespmem:s16+$0xFFFFFFF0]  }
0x24e: {  	_ =	sdelay $0x3  }
0x24f: {  	v0 =	vadd.f32 v1, v0;
	_ =	sdelay $0x1  }
0x250: {  	[tilespmem:s7+$0x60] =	vst v0  }
0x251: {  	v0 =	vld [tilespmem:s18+$0x70]  }
0x252: {  	v1 =	vld [tilespmem:s19+$0x0];
	_ =	sdelay $0x4  }
0x253: {  	v0 =	vadd.f32 v1, v0;
	_ =	sdelay $0x1  }
0x254: {  	s12 =	sadd.s32 s22, s10;
	[tilespmem:s7+$0x70] =	vst v0;
	s7 =	simm.s32 @!p0 $0x9  }
0x255: {  	s12 =	sshll.u32 s12, $0x2;
	_ =	swait.ge @!p0 [sflag:s7], $0x500  }
0x256: {  	s12 =	sand.u32 $0x1FFFFFE0, s12;
	[sflag:s7] =	ssyncset.done @!p0 $0x0  }
0x257: {  	s20 =	sadd.s32 s2, s12;
	[sflag:s7] =	ssyncadd.s32 @!p0 $0xFFFFFB00  }
0x258: {  	[hbm4b:s20+s4] =	stream.linear.scatter [tilespmem:s1], [sflag:$0x9], $0x500, $0x38;
	[tilespmem:$0xAF00] =	vst v63  }
0x259: {  	s16 =	simm.s32 @!p1 $0x8C00;
	s12 =	simm.s32 @!p1 $0x28;
	s7 =	sadd.s32 @!p1 $0x140, s23  }
0x25a: {  	[tilespmem:s16], [sflag:$0x4] =	stream.indirect.gather @!p1 [hbm4b:s5+s12], $0x20, s7, s12, $0xb8;
	[tilespmem:$0xAF00] =	vst v63  }
0x25b: {  	_ =	swait.ge [sflag:s0], $0x500  }
0x25c: {  	[sflag:s0] =	ssyncset.done $0x0  }
0x25d: {  	s12 =	simm.s32 $0x9180;
	[sflag:s0] =	ssyncadd.s32 $0xFFFFFB00  }
0x25e: {  	s16 =	simm.s32 $0x78F0;
	v0 =	vld [tilespmem:s12+$0xFFFFFF80]  }
0x25f: {  	v1 =	vld [tilespmem:s16+$0xFFFFFF10];
	_ =	sdelay $0x4  }
0x260: {  	v0 =	vadd.f32 v1, v0  }
0x261: {  	s7 =	simm.s32 $0xAA80  }
0x262: {  	[tilespmem:s7+$0xFFFFFF80] =	vst v0  }
0x263: {  	v0 =	vld [tilespmem:s16+$0xFFFFFF20]  }
0x264: {  	v1 =	vld [tilespmem:s12+$0xFFFFFF90];
	_ =	sdelay $0x4  }
0x265: {  	v0 =	vadd.f32 v0, v1;
	_ =	sdelay $0x1  }
0x266: {  	[tilespmem:s7+$0xFFFFFF90] =	vst v0  }
0x267: {  	v0 =	vld [tilespmem:s12+$0xFFFFFFA0]  }
0x268: {  	v1 =	vld [tilespmem:s16+$0xFFFFFF30];
	_ =	sdelay $0x4  }
0x269: {  	v0 =	vadd.f32 v1, v0;
	_ =	sdelay $0x1  }
0x26a: {  	[tilespmem:s7+$0xFFFFFFA0] =	vst v0  }
0x26b: {  	v0 =	vld [tilespmem:s12+$0xFFFFFFB0]  }
0x26c: {  	v1 =	vld [tilespmem:s16+$0xFFFFFF40];
	_ =	sdelay $0x4  }
0x26d: {  	v0 =	vadd.f32 v1, v0;
	_ =	sdelay $0x1  }
0x26e: {  	[tilespmem:s7+$0xFFFFFFB0] =	vst v0  }
0x26f: {  	v0 =	vld [tilespmem:s12+$0xFFFFFFC0]  }
0x270: {  	v1 =	vld [tilespmem:s16+$0xFFFFFF50];
	_ =	sdelay $0x4  }
0x271: {  	v0 =	vadd.f32 v1, v0;
	_ =	sdelay $0x1  }
0x272: {  	[tilespmem:s7+$0xFFFFFFC0] =	vst v0  }
0x273: {  	v0 =	vld [tilespmem:s12+$0xFFFFFFD0]  }
0x274: {  	v1 =	vld [tilespmem:s16+$0xFFFFFF60];
	_ =	sdelay $0x4  }
0x275: {  	v0 =	vadd.f32 v1, v0;
	_ =	sdelay $0x1  }
0x276: {  	[tilespmem:s7+$0xFFFFFFD0] =	vst v0  }
0x277: {  	v0 =	vld [tilespmem:s12+$0xFFFFFFE0]  }
0x278: {  	v1 =	vld [tilespmem:s16+$0xFFFFFF70];
	_ =	sdelay $0x4  }
0x279: {  	v0 =	vadd.f32 v1, v0;
	_ =	sdelay $0x1  }
0x27a: {  	[tilespmem:s7+$0xFFFFFFE0] =	vst v0  }
0x27b: {  	v0 =	vld [tilespmem:s12+$0xFFFFFFF0]  }
0x27c: {  	v1 =	vld [tilespmem:s16+$0xFFFFFF80];
	_ =	sdelay $0x4  }
0x27d: {  	v0 =	vadd.f32 v1, v0;
	_ =	sdelay $0x1  }
0x27e: {  	[tilespmem:s7+$0xFFFFFFF0] =	vst v0  }
0x27f: {  	v0 =	vld [tilespmem:s12+$0x0]  }
0x280: {  	v1 =	vld [tilespmem:s16+$0xFFFFFF90];
	_ =	sdelay $0x4  }
0x281: {  	v0 =	vadd.f32 v1, v0;
	_ =	sdelay $0x1  }
0x282: {  	[tilespmem:s7+$0x0] =	vst v0  }
0x283: {  	v0 =	vld [tilespmem:s12+$0x10]  }
0x284: {  	v1 =	vld [tilespmem:s16+$0xFFFFFFA0];
	_ =	sdelay $0x4  }
0x285: {  	v0 =	vadd.f32 v1, v0;
	_ =	sdelay $0x1  }
0x286: {  	[tilespmem:s7+$0x10] =	vst v0  }
0x287: {  	v0 =	vld [tilespmem:s12+$0x20]  }
0x288: {  	v1 =	vld [tilespmem:s16+$0xFFFFFFB0];
	_ =	sdelay $0x4  }
0x289: {  	v0 =	vadd.f32 v1, v0;
	_ =	sdelay $0x1  }
0x28a: {  	[tilespmem:s7+$0x20] =	vst v0  }
0x28b: {  	v0 =	vld [tilespmem:s12+$0x30]  }
0x28c: {  	v1 =	vld [tilespmem:s16+$0xFFFFFFC0];
	_ =	sdelay $0x4  }
0x28d: {  	v0 =	vadd.f32 v1, v0;
	_ =	sdelay $0x1  }
0x28e: {  	[tilespmem:s7+$0x30] =	vst v0  }
0x28f: {  	v0 =	vld [tilespmem:s12+$0x40]  }
0x290: {  	v1 =	vld [tilespmem:s16+$0xFFFFFFD0];
	_ =	sdelay $0x4  }
0x291: {  	v0 =	vadd.f32 v1, v0;
	_ =	sdelay $0x1  }
0x292: {  	[tilespmem:s7+$0x40] =	vst v0  }
0x293: {  	v0 =	vld [tilespmem:s12+$0x50]  }
0x294: {  	v1 =	vld [tilespmem:s16+$0xFFFFFFE0];
	_ =	sdelay $0x4  }
0x295: {  	v0 =	vadd.f32 v1, v0;
	_ =	sdelay $0x1  }
0x296: {  	[tilespmem:s7+$0x50] =	vst v0  }
0x297: {  	s17 =	simm.s32 $0x0;
	v0 =	vld [tilespmem:s12+$0x60]  }
0x298: {  	s18 =	simm.s32 $0x9180;
	s19 =	simm.s32 $0x78F0;
	s20 =	simm.s32 $0xAB80;
	v1 =	vld [tilespmem:s16+$0xFFFFFFF0]  }
.LBB2_11:
0x299: {  	s17 =	sadd.s32 $0x8, s17;
	s16 =	sadd.s32 $0x100, s16;
	s12 =	sadd.s32 $0x100, s12  }
0x29a: {  	p2 =	slt.u32 s17, $0x20;
	_ =	sdelay $0x2  }
0x29b: {  	v0 =	vadd.f32 v1, v0;
	_ =	sdelay $0x1  }
0x29c: {  	[tilespmem:s7+$0x60] =	vst v0  }
0x29d: {  	v0 =	vld [tilespmem:s18+$0x70];
	s18 =	smov.u32 s12  }
0x29e: {  	v1 =	vld [tilespmem:s19+$0x0];
	s19 =	smov.u32 s16;
	_ =	sdelay $0x4  }
0x29f: {  	v0 =	vadd.f32 v1, v0;
	_ =	sdelay $0x1  }
0x2a0: {  	[tilespmem:s7+$0x70] =	vst v0;
	s7 =	smov.u32 s20  }
0x2a1: {  	v0 =	vld [tilespmem:s12+$0xFFFFFF80]  }
0x2a2: {  	v1 =	vld [tilespmem:s16+$0xFFFFFF10];
	_ =	sdelay $0x4  }
0x2a3: {  	v0 =	vadd.f32 v1, v0;
	_ =	sdelay $0x1  }
0x2a4: {  	[tilespmem:s20+$0xFFFFFF80] =	vst v0  }
0x2a5: {  	v0 =	vld [tilespmem:s16+$0xFFFFFF20]  }
0x2a6: {  	v1 =	vld [tilespmem:s12+$0xFFFFFF90];
	_ =	sdelay $0x4  }
0x2a7: {  	v0 =	vadd.f32 v0, v1;
	_ =	sdelay $0x1  }
0x2a8: {  	[tilespmem:s20+$0xFFFFFF90] =	vst v0  }
0x2a9: {  	v0 =	vld [tilespmem:s12+$0xFFFFFFA0]  }
0x2aa: {  	v1 =	vld [tilespmem:s16+$0xFFFFFF30];
	_ =	sdelay $0x4  }
0x2ab: {  	v0 =	vadd.f32 v1, v0;
	_ =	sdelay $0x1  }
0x2ac: {  	[tilespmem:s20+$0xFFFFFFA0] =	vst v0  }
0x2ad: {  	v0 =	vld [tilespmem:s12+$0xFFFFFFB0]  }
0x2ae: {  	v1 =	vld [tilespmem:s16+$0xFFFFFF40];
	_ =	sdelay $0x4  }
0x2af: {  	v0 =	vadd.f32 v1, v0;
	_ =	sdelay $0x1  }
0x2b0: {  	[tilespmem:s20+$0xFFFFFFB0] =	vst v0  }
0x2b1: {  	v0 =	vld [tilespmem:s12+$0xFFFFFFC0]  }
0x2b2: {  	v1 =	vld [tilespmem:s16+$0xFFFFFF50];
	_ =	sdelay $0x4  }
0x2b3: {  	v0 =	vadd.f32 v1, v0;
	_ =	sdelay $0x1  }
0x2b4: {  	[tilespmem:s20+$0xFFFFFFC0] =	vst v0  }
0x2b5: {  	v0 =	vld [tilespmem:s12+$0xFFFFFFD0]  }
0x2b6: {  	v1 =	vld [tilespmem:s16+$0xFFFFFF60];
	_ =	sdelay $0x4  }
0x2b7: {  	v0 =	vadd.f32 v1, v0;
	_ =	sdelay $0x1  }
0x2b8: {  	[tilespmem:s20+$0xFFFFFFD0] =	vst v0  }
0x2b9: {  	v0 =	vld [tilespmem:s12+$0xFFFFFFE0]  }
0x2ba: {  	v1 =	vld [tilespmem:s16+$0xFFFFFF70];
	_ =	sdelay $0x4  }
0x2bb: {  	v0 =	vadd.f32 v1, v0;
	_ =	sdelay $0x1  }
0x2bc: {  	[tilespmem:s20+$0xFFFFFFE0] =	vst v0  }
0x2bd: {  	v0 =	vld [tilespmem:s12+$0xFFFFFFF0]  }
0x2be: {  	v1 =	vld [tilespmem:s16+$0xFFFFFF80];
	_ =	sdelay $0x4  }
0x2bf: {  	v0 =	vadd.f32 v1, v0;
	_ =	sdelay $0x1  }
0x2c0: {  	[tilespmem:s20+$0xFFFFFFF0] =	vst v0  }
0x2c1: {  	v0 =	vld [tilespmem:s12+$0x0]  }
0x2c2: {  	v1 =	vld [tilespmem:s16+$0xFFFFFF90];
	_ =	sdelay $0x4  }
0x2c3: {  	v0 =	vadd.f32 v1, v0;
	_ =	sdelay $0x1  }
0x2c4: {  	[tilespmem:s20+$0x0] =	vst v0  }
0x2c5: {  	v0 =	vld [tilespmem:s12+$0x10]  }
0x2c6: {  	v1 =	vld [tilespmem:s16+$0xFFFFFFA0];
	_ =	sdelay $0x4  }
0x2c7: {  	v0 =	vadd.f32 v1, v0;
	_ =	sdelay $0x1  }
0x2c8: {  	[tilespmem:s20+$0x10] =	vst v0  }
0x2c9: {  	v0 =	vld [tilespmem:s12+$0x20]  }
0x2ca: {  	v1 =	vld [tilespmem:s16+$0xFFFFFFB0];
	_ =	sdelay $0x4  }
0x2cb: {  	v0 =	vadd.f32 v1, v0;
	_ =	sdelay $0x1  }
0x2cc: {  	[tilespmem:s20+$0x20] =	vst v0  }
0x2cd: {  	v0 =	vld [tilespmem:s12+$0x30]  }
0x2ce: {  	v1 =	vld [tilespmem:s16+$0xFFFFFFC0];
	_ =	sdelay $0x4  }
0x2cf: {  	v0 =	vadd.f32 v1, v0;
	_ =	sdelay $0x1  }
0x2d0: {  	[tilespmem:s20+$0x30] =	vst v0  }
0x2d1: {  	v0 =	vld [tilespmem:s12+$0x40]  }
0x2d2: {  	v1 =	vld [tilespmem:s16+$0xFFFFFFD0];
	_ =	sdelay $0x4  }
0x2d3: {  	v0 =	vadd.f32 v1, v0;
	_ =	sdelay $0x1  }
0x2d4: {  	[tilespmem:s20+$0x40] =	vst v0  }
0x2d5: {  	v0 =	vld [tilespmem:s12+$0x50]  }
0x2d6: {  	v1 =	vld [tilespmem:s16+$0xFFFFFFE0];
	_ =	sdelay $0x4  }
.Ltmp4:
0x2d7: {  	v0 =	vadd.f32 v1, v0;
	(pc) =	sbr.rel @p2 .LBB2_11-.Ltmp4, $4  }
0x2d8: {  	_ = 	snop  }
0x2d9: {  	[tilespmem:s20+$0x50] =	vst v0  }
0x2da: {  	v0 =	vld [tilespmem:s12+$0x60]  }
0x2db: {  	s20 =	sadd.s32 $0x100, s20;
	v1 =	vld [tilespmem:s16+$0xFFFFFFF0]  }
0x2dc: {  	_ =	sdelay $0x3  }
0x2dd: {  	v0 =	vadd.f32 v1, v0;
	_ =	sdelay $0x1  }
0x2de: {  	[tilespmem:s7+$0x60] =	vst v0  }
0x2df: {  	v0 =	vld [tilespmem:s18+$0x70]  }
0x2e0: {  	v63 =	vld [tilespmem:s19+$0x0];
	_ =	sdelay $0x4  }
0x2e1: {  	v0 =	vadd.f32 v63, v0;
	_ =	sdelay $0x1  }
0x2e2: {  	[tilespmem:s7+$0x70] =	vst v0;
	s7 =	simm.s32 @!p0 $0xA  }
0x2e3: {  	_ =	swait.ge @!p0 [sflag:s7], $0x500  }
0x2e4: {  	[sflag:s7] =	ssyncset.done @!p0 $0x0  }
0x2e5: {  	[sflag:s7] =	ssyncadd.s32 @!p0 $0xFFFFFB00;
	p0 =	sne.s32 @!p1 s6, $0x80  }
0x2e6: {  	s12 =	sadd.s32 s22, s11;
	p0 =	por p1, !p0  }
.Ltmp5:
0x2e7: {  	s12 =	sshll.u32 s12, $0x2;
	(pc) =	sbr.rel @!p0 .LBB2_2-.Ltmp5, $4  }
0x2e8: {  	s22 =	sadd.s32 s2, s12  }
0x2e9: {  	[hbm4b:s22+s4] =	stream.linear.scatter [tilespmem:s13], [sflag:$0xA], $0x500, $0x38;
	[tilespmem:$0xAF00] =	vst v63  }
0x2ea: {  	s16 =	simm.s32 @!p1 $0x9100;
	s12 =	simm.s32 @!p1 $0x28;
	s7 =	sadd.s32 @!p1 $0x168, s23  }
0x2eb: {  	[tilespmem:s16], [sflag:$0x5] =	stream.indirect.gather @!p1 [hbm4b:s5+s12], $0x20, s7, s12, $0xb8;
	[tilespmem:$0xAF00] =	vst v63  }
0x2ec: {  	s6 =	simm.s32 $0x6  }
0x2ed: {  	_ =	swait.ge [sflag:s6], $0x500  }
0x2ee: {  	[sflag:s6] =	ssyncset.done $0x0  }
0x2ef: {  	s19 =	simm.s32 $0x7;
	[sflag:s6] =	ssyncadd.s32 $0xFFFFFB00  }
0x2f0: {  	_ =	swait.ge [sflag:s19], $0x500  }
0x2f1: {  	[sflag:s19] =	ssyncset.done $0x0  }
0x2f2: {  	s20 =	simm.s32 $0x8;
	[sflag:s19] =	ssyncadd.s32 $0xFFFFFB00  }
0x2f3: {  	_ =	swait.ge [sflag:s20], $0x500  }
0x2f4: {  	[sflag:s20] =	ssyncset.done $0x0  }
0x2f5: {  	s22 =	simm.s32 $0x9;
	[sflag:s20] =	ssyncadd.s32 $0xFFFFFB00  }
0x2f6: {  	_ =	swait.ge [sflag:s22], $0x500  }
0x2f7: {  	[sflag:s22] =	ssyncset.done $0x0  }
0x2f8: {  	s7 =	simm.s32 $0xA;
	[sflag:s22] =	ssyncadd.s32 $0xFFFFFB00  }
0x2f9: {  	_ =	swait.ge [sflag:s7], $0x500  }
0x2fa: {  	s21 =	sadd.s32 $0x1, s21;
	s23 =	rddreg [dreg:$0x5]  }
0x2fb: {  	p0 =	sne.s32 s21, s23  }
.Ltmp6:
0x2fc: {  	_ = 	snop;
	(pc) =	sbr.rel @p0 .LBB2_1-.Ltmp6, $3  }
0x2fd: {  	_ =	sdelay $0x1  }
0x2fe: {  	[sflag:s7] =	ssyncset.done $0x0  }
0x2ff: {  	[sflag:s7] =	ssyncadd.s32 $0xFFFFFB00  }
0x300: {  	_ =	sfence.sel $0x180000  }
0x301: {  	[bflag:$0x0] =	sbarrier.arrive $0xFFFF  }
0x302: {  	_ =	strace $0x90000047  }
0x303: {  	s0 =	stileid.u32;
	[bflag:$0x2] =	sbarrier.arrive $0xFFFF  }
0x304: {  	p0 =	sne.s32 s0, $0x0;
	s0 =	rddreg [dreg:$0x2]  }
0x305: {  	s0 =	sadd.s32 @!p0 $0x100000, s0  }
0x306: {  	[sflag:s0] =	ssyncadd.tile.s32 @!p0 $0x1;
	_ =	shalt  }
.Lfunc_end2:
_tile_overlayer_lowered:
.L_overlay_start_2:
0x307: {  	(tag) =	ssettag $0x2  }
0x308: {  	s0 =	rddreg [dreg:$0x0];
	s2 =	stileid.u32  }
0x309: {  	s1 =	rddreg [dreg:$0x1];
	p0 =	sne.s32 s2, $0x0  }
0x30a: {  	s3 =	rddreg [dreg:$0x2];
	[bflag:$0x3] =	sbarrier.arrive $0xFFFF;
	s2 =	simm.s32 @!p0 $0x1C0B  }
0x30b: {  	[timem:s3], [sflag:s2] =	dma.local @!p0 [hbm:s0], s1  }
0x30c: {  	s0 =	simm.s32 @!p0 $0xB  }
0x30d: {  	_ =	swait.ge @!p0 [sflag:s0], s1  }
0x30e: {  	s1 =	ssub.s32 @!p0 $0x0, s1;
	[sflag:s0] =	ssyncset.done @!p0 $0x0  }
0x30f: {  	[sflag:s0] =	ssyncadd.s32 @!p0 s1  }
0x310: {  	[bflag:$0x3] =	sbarrier.arrive $0xFFFF  }
0x311: {  	_ =	shalt  }

// kernel: sparse-core-data-format-call.cloned.1.call-start
scs
called_computation_lowered:
.L_overlay_start_0:
0x0: {  	s2 =	sld [smem:$0x3FD9]  }
0x1: {  	s3 =	sld [smem:$0x3FFE];
	_ =	sdelay $0x1  }
0x2: {  	s1 =	srdreg.scid  }
0x3: {  	s0 =	sand.u32 $0x1, s1  }
0x4: {  	s18 =	sshll.u32 s0, $0xA;
	s2 =	sadd.s32 s3, s2  }
0x5: {  	s2 =	sadd.s32 s2, s18  }
0x6: {  	[smem:$0x3FC5] =	sst s2  }
0x7: {  	_ = 	snop  }
0x8: {  	s2 =	sld [smem:$0x3FD0];
	(tm) =	ssettm $0x1  }
0x9: {  	s19 =	sld [smem:$0x3FFB];
	_ =	sdelay $0x3  }
0xa: {  	_ =	strace s19  }
0xb: {  	s3 =	sld [smem:$0x3FFC];
	_ =	sdelay $0x3  }
0xc: {  	_ =	strace s3  }
0xd: {  	s3 =	sld [smem:$0x3FFD];
	_ =	sdelay $0x3  }
0xe: {  	_ =	strace s3  }
0xf: {  	_ =	strace $0x8FFFFFFF  }
0x10: {  	s20 =	sld [smem:$0x3FDB];
	_ =	sdelay $0x1  }
0x11: {  	s4 =	simm.s32 $_scs_section_size  }
0x12: {  	s5 =	simm.s32 $_size__tile_overlayer_lowered;
	s6 =	simm.s32 $_tile_overlayer_lowered  }
0x13: {  	s23 =	simm.s32 $0x1BFF;
	s22 =	sshll.u32 s6, $0x1;
	s3 =	sadd.s32 s4, s20  }
0x14: {  	s7 =	simm.s32 $0x0;
	s21 =	sshll.u32 s5, $0x1;
	s5 =	sadd.s32 s22, s3  }
0x15: {  	[timem:s7], [sflag:s23] =	dma.local [hbm:s5], s21  }
0x16: {  	_ =	swait.ge [sflag:s23], s21  }
0x17: {  	s4 =	ssub.s32 $0x0, s21;
	[sflag:s23] =	ssyncset.done $0x0  }
0x18: {  	[sflag:s23] =	ssyncadd.s32 s4;
	_ =	sdelay $0x1  }
0x19: {  	s24 =	simm.s32 $0x1B8B  }
0x1a: {  	_ =	swait.ge [sflag:s24], $0x1  }
0x1b: {  	[sflag:s24] =	ssyncset.done $0x0  }
0x1c: {  	s26 =	simm.s32 $0x1B8E;
	s25 =	sld [smem:$0x3FFE];
	[sflag:s24] =	ssyncadd.s32 $0xFFFFFFFF  }
0x1d: {  	s27 =	simm.s32 $execute0_lowered;
	[smem:$0x3FD2] =	sst s26  }
0x1e: {  	s5 =	sshll.u32 s27, $0x1;
	_ =	strace $0x80000049;
	[dreg:$0x1] =	wrdreg $0xFFFFFFFF  }
0x1f: {  	s28 =	simm.s32 $_size_execute0_lowered;
	s3 =	sadd.s32 s3, s5;
	[dreg:$0x0] =	wrdreg $0x0  }
0x20: {  	s5 =	sshll.u32 s28, $0x1;
	[dreg:$0x2] =	wrdreg s3  }
0x21: {  	[dreg:$0x3] =	wrdreg s5  }
0x22: {  	[dreg:$0x4] =	wrdreg $0xC0  }
0x23: {  	_ =	task [dreg:s7], $0x5FFFF  }
0x24: {  	[dreg:$0x1] =	wrdreg $0xFFFFFFFF  }
0x25: {  	[dreg:$0x0] =	wrdreg $0x60  }
0x26: {  	[dreg:$0x2] =	wrdreg s25  }
0x27: {  	[dreg:$0x3] =	wrdreg s2  }
0x28: {  	[dreg:$0x4] =	wrdreg $0x9  }
0x29: {  	_ =	task.clear_ibuf [dreg:s7], $0x5FFFF;
	_ =	strace $0x90000049  }
0x2a: {  	s29 =	simm.s32 $0x9;
	_ =	strace $0x8000004B  }
0x2b: {  	_ =	swait.ge [sflag:s29], $0x1  }
0x2c: {  	[sflag:s29] =	ssyncadd.s32 $0xFFFFFFFF  }
0x2d: {  	_ =	strace $0x9000004B  }
0x2e: {  	_ =	sfence  }
0x2f: {  	s30 =	sld [smem:$0x0];
	_ =	sdelay $0x2  }
0x30: {  	s31 =	sshll.u32 s1, $0xD;
	s1 =	sshrl.u32 s1, $0x2  }
0x31: {  	s3 =	sand.u32 $0x4000, s31;
	s1 =	sadd.s32 s1, s30  }
0x32: {  	s0 =	sor.u32 s3, s0;
	s1 =	sshll.u32 s1, $0x11  }
0x33: {  	s0 =	sor.u32 s1, s0  }
0x34: {  	s0 =	sadd.s32 $0x8F2B, s0  }
0x35: {  	[sflag:s0] =	ssyncadd.remote.s32 $0x1  }
0x36: {  	_ =	sfence.sel $0xFFFF  }
0x37: {  	[dreg:$0x0] =	wrdreg $0xFFFFFFFF;
	(pc) =	sbr.abs _section_cstart, $3  }
0x38: {  	[dreg:$0x1] =	wrdreg $0xFFFFFFFF  }
0x39: {  	_ =	task.clear_ibuf [dreg:s7], $0x2FFFF;
	_ =	strace $0x9FFFFFFF  }
0x3a: {  	(tm) =	ssettm $0x7FFFFFFF  }
0x3b: {  	_ =	shalt  }
tec
execute0_lowered:
.L_overlay_start_1:
0x0: {  	(tag) =	ssettag $0x1  }
0x1: {  	s0 =	srdreg.scid  }
0x2: {  	s1 =	sshll.u32 s0, $0x4  }
0x3: {  	s0 =	stileid.u32;
	s1 =	sand.u32 $0x10, s1  }
0x4: {  	s1 =	sor.u32 s0, s1  }
0x5: {  	s6 =	rddreg [dreg:$0x0];
	s4 =	simm.s32 $0x1;
	s2 =	sshll.u32 s1, $0x7  }
0x6: {  	s7 =	simm.s32 $0x2;
	s12 =	simm.s32 $0x0;
	s1 =	ssub.s32 $0x1000, s2  }
0x7: {  	s8 =	simm.s32 $0x8000;
	s13 =	simm.s32 $0x0;
	s3 =	sand.u32 $0xF80, s1  }
0x8: {  	s9 =	simm.s32 $0x0;
	s5 =	sshrl.u32 s1, $0xC;
	p0 =	sne.s32 s3, $0x0  }
.Ltmp0:
0x9: {  	s1 =	rddreg [dreg:$0x2];
	s4 =	simm.s32 @!p0 $0x0;
	(pc) =	sbr.rel .LBB1_1-.Ltmp0, $4  }
0xa: {  	s11 =	simm.s32 $0x0;
	s3 =	rddreg [dreg:$0x1];
	s5 =	sadd.s32 s4, s5  }
0xb: {  	_ =	strace $0x8000004A;
	s4 =	simm.s32 $0x1;
	s5 =	smul.u32 $0xC8, s5  }
0xc: {  	s6 =	sadd.s32 $0xC00, s6;
	s10 =	smov.u32 s2;
	[sflag:s4] =	ssyncpa.u1 $0x0  }
0xd: {  	p0 =	por $0x0, $0x0;
	[sflag:s7] =	ssyncpa.u1 $0x0;
	s7 =	sor.u32 $0x1, s5  }
.LBB1_4:
0xe: {  	s16 =	sshll.u32 s13, $0x3;
	s17 =	sand.u32 $0x78, s13  }
0xf: {  	s30 =	sand.u32 $0x3E00, s13;
	s12 =	sshll.u32 s12, $0xE;
	s16 =	sand.u32 $0xC00, s16  }
0x10: {  	s31 =	sand.u32 $0x7, s13;
	s16 =	sor.u32 s17, s16;
	s17 =	sadd.s32 s3, s30  }
0x11: {  	s13 =	sshll.u32 s31, $0x12;
	s16 =	sshrl.u32 s16, $0x3;
	s12 =	sadd.s32 s12, s17  }
0x12: {  	[tilespmem:s15+$0x0 ss:$0x81] =	vst.msk $0xffff, v0;
	s13 =	sor.u32 $0x400, s13;
	s12 =	sadd.s32 s16, s12  }
0x13: {  	[hbm4b:s12+s13] =	stream.strided.scatter [tilespmem:s14], [sflag:$0x2], $0x1000, s8, s13, $0x20;
	[tilespmem:$0x4040] =	vst v63  }
.LBB1_5:
0x14: {  	s14 =	sadd.s32 $0x1, s9  }
0x15: {  	s12 =	sadd.s32 $0x1000, s10;
	s16 =	smov.u32 s10;
	p2 =	sgt.s32 s14, $0xC7  }
0x16: {  	s16 =	smov.u32 @p2 s12  }
0x17: {  	s14 =	simm.s32 @p2 $0x0;
	p2 =	sgt.s32 s16, $0xFFF  }
0x18: {  	s16 =	smov.u32 @p2 s2;
	p2 =	sne.s32 s11, s7  }
.Ltmp1:
0x19: {  	p1 =	slt.u32 s11, $0x2;
	(pc) =	sbr.rel @!p2 .LBB1_6-.Ltmp1, $4  }
0x1a: {  	s15 =	simm.s32 @!p1 $0x2  }
0x1b: {  	s13 =	smov.u32 s10;
	p0 =	por !p0, !p0;
	_ =	swait.ge @!p1 [sflag:s15], $0x1000  }
0x1c: {  	s12 =	smov.u32 s9;
	[sflag:s15] =	ssyncset.done @!p1 $0x0;
	s9 =	smov.u32 s14  }
0x1d: {  	s11 =	sadd.s32 $0x1, s11;
	[sflag:s15] =	ssyncadd.s32 @!p1 $0xFFFFF000;
	s10 =	smov.u32 s16  }
.LBB1_1:
0x1e: {  	p1 =	sge.u32 s11, s5  }
0x1f: {  	s14 =	sand.u32 @!p1 $0x1FFFFFF, s9  }
0x20: {  	s15 =	smulhi.u32 @!p1 $0x147AE15, s14;
	_ =	sdelay $0x1  }
0x21: {  	s15 =	smul.u32 @!p1 $0xC8, s15  }
0x22: {  	s16 =	sxor.u32 @!p1 $0xFFFFFFFF, s11;
	s17 =	smul.u32 @!p1 $0xC80, s10  }
0x23: {  	s31 =	sadd.s32 $0xFFFFFFFF, s11;
	s16 =	sshll.u32 @!p1 s16, $0xC;
	s14 =	ssub.s32 @!p1 s14, s15  }
0x24: {  	s15 =	sand.u32 @!p1 $0x1000, s16;
	s16 =	sadd.s32 @!p1 s6, s17;
	s14 =	sshll.u32 @!p1 s14, $0x4  }
0x25: {  	s17 =	simm.s32 @!p1 $0x6400;
	s14 =	sadd.s32 @!p1 s14, s16;
	s16 =	simm.s32 @!p1 $0x20  }
0x26: {  	[tilespmem:s15], [sflag:$0x1] =	stream.strided.gather @!p1 [hbm4b:s14+s16], $0x1000, s17, s16, $0x38;
	[tilespmem:$0x4040] =	vst v63  }
0x27: {  	p1 =	sge.u32 s31, s5  }
.Ltmp2:
0x28: {  	_ = 	snop;
	(pc) =	sbr.rel @p1 .LBB1_5-.Ltmp2, $1  }
0x29: {  	_ =	sdelay $0x3  }
0x2a: {  	s14 =	simm.s32 $0x1  }
0x2b: {  	_ =	swait.ge [sflag:s4], $0x1000;
	s14 =	simm.s32 @!p0 $0x0  }
0x2c: {  	[sflag:s4] =	ssyncset.done $0x0;
	s15 =	sshll.u32 s14, $0xC  }
0x2d: {  	[sflag:s4] =	ssyncadd.s32 $0xFFFFF000;
	s18 =	sor.u32 $0x10, s15  }
0x2e: {  	s14 =	smul.u32 $0x4080, s14;
	v1 =	vld [tilespmem:s18+$0x0]  }
0x2f: {  	s30 =	sand.u32 $0x1, s11;
	v0 =	vld [tilespmem:s18+$0xFFFFFFF0]  }
0x30: {  	s15 =	smul.u32 $0x4080, s30;
	s14 =	sshrl.u32 s14, $0x2  }
0x31: {  	s16 =	sor.u32 $0x2000, s14  }
0x32: {  	s31 =	sshrl.u32 s15, $0x2;
	s15 =	sadd.s32 $0x0, s16  }
0x33: {  	s17 =	simm.s32 $0x4;
	s18 =	sadd.s32 $0x20, s18;
	s14 =	sor.u32 $0x2000, s31;
	[tilespmem:s15+$0x810 ss:$0x81] =	vst.msk $0xffff, v1  }
.LBB1_3:
0x34: {  	v1 =	vld [tilespmem:s18+$0x0];
	p1 =	sne.s32 s17, $0x1FC;
	[tilespmem:s15+$0x0 ss:$0x81] =	vst.msk $0xffff, v0;
	s15 =	smov.u32 s17;
	s17 =	sadd.s32 $0x4, s17  }
.Ltmp3:
0x35: {  	v0 =	vld [tilespmem:s18+$0xFFFFFFF0];
	(pc) =	sbr.rel @p1 .LBB1_3-.Ltmp3, $4  }
0x36: {  	_ = 	snop  }
0x37: {  	s15 =	sshra.s32 s15, $0x2  }
0x38: {  	s15 =	sadd.s32 s15, s16  }
0x39: {  	s18 =	sadd.s32 $0x20, s18;
	[tilespmem:s15+$0x810 ss:$0x81] =	vst.msk $0xffff, v1  }
.Ltmp4:
0x3a: {  	_ = 	snop;
	(pc) =	sbr.rel .LBB1_4-.Ltmp4, $1  }
0x3b: {  	_ =	sdelay $0x3  }
.LBB1_6:
0x3c: {  	_ =	sfence.sel $0x180000  }
0x3d: {  	s2 =	simm.s32 $0x1;
	[bflag:$0x0] =	sbarrier.arrive $0xFFFF  }
0x3e: {  	s31 =	simm.s32 $0x2;
	[sflag:s2] =	ssyncpa.u1 $0x1  }
0x3f: {  	[sflag:s31] =	ssyncpa.u1 $0x1  }
0x40: {  	p0 =	sne.s32 s0, $0x0;
	_ =	strace $0x9000004A  }
0x41: {  	s0 =	sadd.s32 @!p0 $0x100000, s1;
	[bflag:$0x2] =	sbarrier.arrive $0xFFFF  }
0x42: {  	[sflag:s0] =	ssyncadd.tile.s32 @!p0 $0x1;
	_ =	shalt  }
.Lfunc_end1:
_tile_overlayer_lowered:
.L_overlay_start_2:
0x43: {  	(tag) =	ssettag $0x2  }
0x44: {  	s0 =	rddreg [dreg:$0x0];
	s2 =	stileid.u32  }
0x45: {  	s1 =	rddreg [dreg:$0x1];
	p0 =	sne.s32 s2, $0x0  }
0x46: {  	s3 =	rddreg [dreg:$0x2];
	[bflag:$0x3] =	sbarrier.arrive $0xFFFF;
	s2 =	simm.s32 @!p0 $0x1C01  }
0x47: {  	[timem:s3], [sflag:s2] =	dma.local @!p0 [hbm:s0], s1  }
0x48: {  	s0 =	simm.s32 @!p0 $0x1  }
0x49: {  	_ =	swait.ge @!p0 [sflag:s0], s1  }
0x4a: {  	s1 =	ssub.s32 @!p0 $0x0, s1;
	[sflag:s0] =	ssyncset.done @!p0 $0x0  }
0x4b: {  	[sflag:s0] =	ssyncadd.s32 @!p0 s1  }
0x4c: {  	[bflag:$0x3] =	sbarrier.arrive $0xFFFF  }
0x4d: {  	_ =	shalt  }

</sc_bundles>
